<compile_context>
chip_gen: v7x
topology: tpu7x:2x2x1
jax: 0.10.2.dev20260603
libtpu: 0.0.44.dev20260713+nightly
codegen_flags: <defaults>
</compile_context>

<pallas_src>
import jax
import jax.numpy as jnp
from jax import lax
from jax.experimental import pallas as pl
from jax.experimental.pallas import tpu as pltpu
from jax.experimental.pallas import tpu_sc as plsc

NN = 10000
WRD = 320
WRDP = 384
E_PAD = 160256
EPT = E_PAD // 16
QROWS = 2500
RPT = QROWS * WRD // 16
ZB = 10000
QCH = 64


def _sc_build_body(src_hbm, dst_hbm, msk_hbm, out_hbm,
                   srcb, dstb, mskb, idxb, valb, zb, acc):
    c = lax.axis_index("c")
    s = lax.axis_index("s")

    base = s * EPT
    pltpu.sync_copy(src_hbm.at[pl.ds(base, EPT)], srcb)
    pltpu.sync_copy(dst_hbm.at[pl.ds(base, EPT)], dstb)
    pltpu.sync_copy(msk_hbm.at[pl.ds(base, EPT)], mskb)

    def zloop(i, carry):
        zb[pl.ds(i * 16, 16)] = jnp.zeros((16,), jnp.int32)
        return carry

    for p in range(2):
        lo = p * 2 * QROWS + c * QROWS
        lax.fori_loop(0, ZB // 16, zloop, 0)
        for q in range(RPT // ZB):
            pltpu.sync_copy(zb, acc.at[pl.ds(s * RPT + q * ZB, ZB)])
        plsc.subcore_barrier()

        def eloop(i, carry):
            sl = pl.ds(i * 16, 16)
            sv = srcb[sl]
            dv = dstb[sl]
            mv = mskb[sl]
            word = jnp.right_shift(dv, 5)
            bit = jnp.bitwise_and(dv, 31)
            val = jnp.left_shift(mv, bit)
            rel = sv - lo
            inh = (rel >= 0) & (rel < QROWS)
            idxb[sl] = jnp.where(inh, rel * WRD + word, 0)
            valb[sl] = jnp.where(inh, val, 0)
            return carry
        lax.fori_loop(0, EPT // 16, eloop, 0)

        pltpu.sync_copy(valb, acc.at[idxb], add=True)
        plsc.subcore_barrier()
        for q in range(RPT // ZB):
            pltpu.sync_copy(acc.at[pl.ds(s * RPT + q * ZB, ZB)], zb)
            pltpu.sync_copy(
                zb, out_hbm.at[pl.ds(lo * WRD + s * RPT + q * ZB, ZB)])


def _sc_gather_body(a_hbm, x_hbm, ei_hbm, ej_hbm, cn_hbm, xij_hbm,
                    ii, jj, ab, bb, xa, xb, sem):
    c = lax.axis_index("c")
    s = lax.axis_index("s")
    wid = c * 16 + s
    for h in range(2):
        base = wid * (2 * QCH) + h * QCH
        pltpu.sync_copy(ei_hbm.at[pl.ds(base, QCH)], ii)
        pltpu.sync_copy(ej_hbm.at[pl.ds(base, QCH)], jj)
        pltpu.async_copy(a_hbm.at[ii], ab, sem).wait()
        pltpu.async_copy(a_hbm.at[jj], bb, sem).wait()
        pltpu.async_copy(x_hbm.at[ii], xa, sem).wait()
        pltpu.async_copy(x_hbm.at[jj], xb, sem).wait()

        def rloop(r, carry):
            for wck in range(WRD // 16):
                slc = (r, pl.ds(wck * 16, 16))
                ab[slc] = jnp.bitwise_and(ab[slc], bb[slc])
            for xc in range(128 // 16):
                slx = (r, pl.ds(xc * 16, 16))
                xa[slx] = xa[slx] * xb[slx]
            return carry
        lax.fori_loop(0, QCH, rloop, 0)
        pltpu.sync_copy(ab, cn_hbm.at[pl.ds(base, QCH)])
        pltpu.sync_copy(xa, xij_hbm.at[pl.ds(base, QCH)])


def _tc_body(cn_ref, xre_ref, xij_ref,
             w1c, c1, w2c, c2, w3c, c3, w1j, j1, w2j, j2, wl, cl, bt,
             out_ref):
    cnw = cn_ref[...]
    acc = jnp.zeros((cnw.shape[0], 128), jnp.float32)
    for b in range(32):
        u = jnp.bitwise_and(jnp.right_shift(cnw, b), 1).astype(jnp.float32)
        acc = acc + jnp.dot(u, xre_ref[b], preferred_element_type=jnp.float32)
    h = jnp.maximum(jnp.dot(acc, w1c[...], preferred_element_type=jnp.float32) + c1[...], 0.0)
    h = jnp.maximum(jnp.dot(h, w2c[...], preferred_element_type=jnp.float32) + c2[...], 0.0)
    hcn = jnp.dot(h, w3c[...], preferred_element_type=jnp.float32) + c3[...]
    xij = xij_ref[...]
    hj = jnp.maximum(jnp.dot(xij, w1j[...], preferred_element_type=jnp.float32) + j1[...], 0.0)
    hij = jnp.dot(hj, w2j[...], preferred_element_type=jnp.float32) + j2[...]
    z = hcn * bt[...] + hij
    out_ref[...] = jnp.dot(z, wl[...], preferred_element_type=jnp.float32) + cl[...]


def kernel(x, edge_index, edge, W1c, b1c, W2c, b2c, W3c, b3c,
           W1j, b1j, W2j, b2j, Wl, bl, beta):
    n = x.shape[0]
    e = edge_index.shape[1]
    eq = edge.shape[0]

    key = jnp.left_shift(edge_index[0], 14) | edge_index[1]
    skey = jnp.sort(key)
    m = jnp.concatenate([jnp.ones((1,), jnp.int32),
                         (skey[1:] != skey[:-1]).astype(jnp.int32)])
    sd = jnp.right_shift(skey, 14)
    dd = jnp.bitwise_and(skey, 16383)
    pad = E_PAD - e
    src_p = jnp.pad(sd, (0, pad))
    dst_p = jnp.pad(dd, (0, pad))
    msk_p = jnp.pad(m, (0, pad))

    mesh = plsc.VectorSubcoreMesh(core_axis_name="c", subcore_axis_name="s")
    a_flat = pl.kernel(
        _sc_build_body, mesh=mesh,
        out_type=jax.ShapeDtypeStruct((NN * WRD,), jnp.int32),
        scratch_types=[
            pltpu.VMEM((EPT,), jnp.int32),
            pltpu.VMEM((EPT,), jnp.int32),
            pltpu.VMEM((EPT,), jnp.int32),
            pltpu.VMEM((EPT,), jnp.int32),
            pltpu.VMEM((EPT,), jnp.int32),
            pltpu.VMEM((ZB,), jnp.int32),
            pltpu.VMEM_SHARED((QROWS * WRD,), jnp.int32),
        ],
    )(src_p, dst_p, msk_p)
    a2 = a_flat.reshape(NN, WRD)

    ei = edge[:, 0]
    ej = edge[:, 1]
    cn, xij = pl.kernel(
        _sc_gather_body, mesh=mesh,
        compiler_params=pltpu.CompilerParams(use_tc_tiling_on_sc=False),
        out_type=[jax.ShapeDtypeStruct((eq, WRD), jnp.int32),
                  jax.ShapeDtypeStruct((eq, 128), jnp.float32)],
        scratch_types=[
            pltpu.VMEM((QCH,), jnp.int32),
            pltpu.VMEM((QCH,), jnp.int32),
            pltpu.VMEM((QCH, WRD), jnp.int32),
            pltpu.VMEM((QCH, WRD), jnp.int32),
            pltpu.VMEM((QCH, 128), jnp.float32),
            pltpu.VMEM((QCH, 128), jnp.float32),
            pltpu.SemaphoreType.DMA,
        ],
    )(a2, x, ei, ej)

    cn_p = jnp.pad(cn, ((0, 0), (0, WRDP - WRD)))
    x_re = jnp.pad(x, ((0, 32 * WRDP - n), (0, 0))).reshape(WRDP, 32, 128)
    x_re = x_re.transpose(1, 0, 2)

    bq = 512
    grid = eq // bq
    full = lambda i: (0, 0)
    out = pl.pallas_call(
        _tc_body,
        grid=(grid,),
        in_specs=[
            pl.BlockSpec((bq, WRDP), lambda i: (i, 0)),
            pl.BlockSpec((32, WRDP, 128), lambda i: (0, 0, 0)),
            pl.BlockSpec((bq, 128), lambda i: (i, 0)),
            pl.BlockSpec(W1c.shape, full), pl.BlockSpec((1, 256), full),
            pl.BlockSpec(W2c.shape, full), pl.BlockSpec((1, 256), full),
            pl.BlockSpec(W3c.shape, full), pl.BlockSpec((1, 256), full),
            pl.BlockSpec(W1j.shape, full), pl.BlockSpec((1, 256), full),
            pl.BlockSpec(W2j.shape, full), pl.BlockSpec((1, 256), full),
            pl.BlockSpec(Wl.shape, full), pl.BlockSpec((1, 1), full),
            pl.BlockSpec((1, 1), full),
        ],
        out_specs=pl.BlockSpec((bq, 1), lambda i: (i, 0)),
        out_shape=jax.ShapeDtypeStruct((eq, 1), jnp.float32),
    )(cn_p, x_re, xij,
      W1c, b1c.reshape(1, -1), W2c, b2c.reshape(1, -1),
      W3c, b3c.reshape(1, -1), W1j, b1j.reshape(1, -1),
      W2j, b2j.reshape(1, -1), Wl, bl.reshape(1, 1), beta.reshape(1, 1))
    return out

# --- scband reference (transcript-rebuilt; emitter-appended) ---
"""Pipeline reference for scband-cnlp-5592047419469 (READ-ONLY COPY).

The authoritative reference and input builder live on the scoring server;
editing this copy changes nothing except your own understanding.
"""

import jax, jax.numpy as jnp
import numpy as np

N, E, EQ, DIN, DH, DOUT = 10000, 160000, 4096, 128, 256, 1

def setup_inputs(seed: int = 0) -> dict:
    key = jax.random.key(seed)
    ks = jax.random.split(key, 18)
    x = jax.random.normal(ks[0], (N, DIN), dtype=jnp.float32)
    edge_index = jax.random.randint(ks[1], (2, E), 0, N, dtype=jnp.int32)
    edge = jax.random.randint(ks[2], (EQ, 2), 0, N, dtype=jnp.int32)
    def lin(k, fi, fo):
        kw, kb = jax.random.split(k)
        s = 1.0 / np.sqrt(fi)
        return (jax.random.uniform(kw, (fi, fo), jnp.float32, -s, s),
                jax.random.uniform(kb, (fo,), jnp.float32, -s, s))
    W1c, b1c = lin(ks[3], DIN, DH)
    W2c, b2c = lin(ks[4], DH, DH)
    W3c, b3c = lin(ks[5], DH, DH)
    W1j, b1j = lin(ks[6], DIN, DH)
    W2j, b2j = lin(ks[7], DH, DH)
    Wl, bl = lin(ks[8], DH, DOUT)
    beta = jnp.ones((1,), dtype=jnp.float32)
    return {"x": x, "edge_index": edge_index, "edge": edge,
            "W1c": W1c, "b1c": b1c, "W2c": W2c, "b2c": b2c, "W3c": W3c, "b3c": b3c,
            "W1j": W1j, "b1j": b1j, "W2j": W2j, "b2j": b2j,
            "Wl": Wl, "bl": bl, "beta": beta}

def reference(x, edge_index, edge, W1c, b1c, W2c, b2c, W3c, b3c, W1j, b1j, W2j, b2j, Wl, bl, beta):
    # DropAdj is identity in eval mode (dp=0.0)
    n = x.shape[0]
    # dense binary adjacency from sparse edge_index (SparseTensor with implicit value 1)
    A = jnp.zeros((n, n), dtype=x.dtype).at[edge_index[0], edge_index[1]].set(1.0)
    xi = jnp.take(x, edge[:, 0], axis=0)
    xj = jnp.take(x, edge[:, 1], axis=0)
    # adjoverlap(adj, adj, edge): cn[e, k] = A[i_e, k] * A[j_e, k]
    Ai = jnp.take(A, edge[:, 0], axis=0)
    Aj = jnp.take(A, edge[:, 1], axis=0)
    cn = Ai * Aj
    # spmm_add(cn, x)
    xcn = cn @ x
    # xcnlin: Linear -> ReLU -> Linear -> ReLU -> Linear (dropout=0)
    h = jax.nn.relu(xcn @ W1c + b1c)
    h = jax.nn.relu(h @ W2c + b2c)
    hcn = h @ W3c + b3c
    # xijlin: Linear -> ReLU -> Linear
    hij = jax.nn.relu((xi * xj) @ W1j + b1j) @ W2j + b2j
    # lin over the single xcn branch; cat of one element is identity
    xs = (hcn * beta + hij) @ Wl + bl
    return xs

if __name__ == "__main__":
    import jax
    _d = setup_inputs()
    print(jax.jit(kernel)(*tuple(_d.values())))

</pallas_src>

<mosaic_0001>
#map = affine_map<(d0, d1) -> (0, 0)>
#map1 = affine_map<(d0, d1) -> (0)>
module attributes {stable_mosaic.version = 14 : i64} {
  func.func @_sc_gather_body(%arg0: i32, %arg1: i32, %arg2: memref<10000x320xi32, #tpu.memory_space<hbm>>, %arg3: memref<10000x128xf32, #tpu.memory_space<hbm>>, %arg4: memref<4096xi32, #tpu.memory_space<hbm>>, %arg5: memref<4096xi32, #tpu.memory_space<hbm>>, %arg6: memref<4096x320xi32, #tpu.memory_space<hbm>>, %arg7: memref<4096x128xf32, #tpu.memory_space<hbm>>, %arg8: memref<64xi32, #tpu.memory_space<vmem>>, %arg9: memref<64xi32, #tpu.memory_space<vmem>>, %arg10: memref<64x320xi32, #tpu.memory_space<vmem>>, %arg11: memref<64x320xi32, #tpu.memory_space<vmem>>, %arg12: memref<64x128xf32, #tpu.memory_space<vmem>>, %arg13: memref<64x128xf32, #tpu.memory_space<vmem>>, %arg14: memref<!tpu.dma_semaphore, #tpu.memory_space<semaphore_mem>>) attributes {dimension_semantics = [#tpu.dimension_semantics<core_parallel>, #tpu.dimension_semantics<subcore_parallel>], iteration_bounds = array<i64: 2, 16>, scalar_prefetch = 0 : i64, scratch_operands = 7 : i64, tpu.core_type = #tpu.core_type<sc_vector_subcore>, window_params = [{transform_indices = #map}, {transform_indices = #map}, {transform_indices = #map1}, {transform_indices = #map1}, {transform_indices = #map}, {transform_indices = #map}]} {
    %mul3A = arith.constant 16 : i32
    %mul3A_0 = arith.muli %arg0, %mul3A : i32
    %add3A = arith.addi %mul3A_0, %arg1 : i32
    %mul3A_1 = arith.constant 128 : i32
    %mul3A_2 = arith.muli %add3A, %mul3A_1 : i32
    %add3A_3 = arith.constant 0 : i32
    %add3A_4 = arith.addi %mul3A_2, %add3A_3 : i32
    "tpu.region"() ({
      %run_scoped3A = tpu.sem_alloc : memref<!tpu.dma_semaphore, #tpu.memory_space<semaphore_mem>>
      %dma_start3A_66 = tpu.memref_slice %arg4[%add3A_4] : memref<4096xi32, #tpu.memory_space<hbm>> -> memref<64xi32, #tpu.memory_space<hbm>>
      %dma_start3A_67 = tpu.memref_slice %arg4[%add3A_4] : memref<4096xi32, #tpu.memory_space<hbm>> -> memref<64xi32, #tpu.memory_space<hbm>>
      tpu.enqueue_dma source(%dma_start3A_67 : memref<64xi32, #tpu.memory_space<hbm>>) target(%arg8 : memref<64xi32, #tpu.memory_space<vmem>>) target_semaphore(%run_scoped3A : memref<!tpu.dma_semaphore, #tpu.memory_space<semaphore_mem>>)
      %dma_wait3A_68 = tpu.memref_slice %arg4[%add3A_4] : memref<4096xi32, #tpu.memory_space<hbm>> -> memref<64xi32, #tpu.memory_space<hbm>>
      %dma_wait3A_69 = tpu.memref_slice %arg4[%add3A_4] : memref<4096xi32, #tpu.memory_space<hbm>> -> memref<64xi32, #tpu.memory_space<hbm>>
      tpu.wait_dma2 semaphore(%run_scoped3A : memref<!tpu.dma_semaphore, #tpu.memory_space<semaphore_mem>>) src(%dma_wait3A_69 : memref<64xi32, #tpu.memory_space<hbm>>) dst(%arg8 : memref<64xi32, #tpu.memory_space<vmem>>)
      tpu.yield
    }) : () -> ()
    "tpu.region"() ({
      %run_scoped3A = tpu.sem_alloc : memref<!tpu.dma_semaphore, #tpu.memory_space<semaphore_mem>>
      %dma_start3A_66 = tpu.memref_slice %arg5[%add3A_4] : memref<4096xi32, #tpu.memory_space<hbm>> -> memref<64xi32, #tpu.memory_space<hbm>>
      %dma_start3A_67 = tpu.memref_slice %arg5[%add3A_4] : memref<4096xi32, #tpu.memory_space<hbm>> -> memref<64xi32, #tpu.memory_space<hbm>>
      tpu.enqueue_dma source(%dma_start3A_67 : memref<64xi32, #tpu.memory_space<hbm>>) target(%arg9 : memref<64xi32, #tpu.memory_space<vmem>>) target_semaphore(%run_scoped3A : memref<!tpu.dma_semaphore, #tpu.memory_space<semaphore_mem>>)
      %dma_wait3A_68 = tpu.memref_slice %arg5[%add3A_4] : memref<4096xi32, #tpu.memory_space<hbm>> -> memref<64xi32, #tpu.memory_space<hbm>>
      %dma_wait3A_69 = tpu.memref_slice %arg5[%add3A_4] : memref<4096xi32, #tpu.memory_space<hbm>> -> memref<64xi32, #tpu.memory_space<hbm>>
      tpu.wait_dma2 semaphore(%run_scoped3A : memref<!tpu.dma_semaphore, #tpu.memory_space<semaphore_mem>>) src(%dma_wait3A_69 : memref<64xi32, #tpu.memory_space<hbm>>) dst(%arg9 : memref<64xi32, #tpu.memory_space<vmem>>)
      tpu.yield
    }) : () -> ()
    %dma_start3A = arith.constant 0 : i32
    %dma_start3A_5 = arith.constant 0 : i32
    %dma_start3A_6 = tpu.memref_slice %arg2[%dma_start3A, %dma_start3A_5] : memref<10000x320xi32, #tpu.memory_space<hbm>> -> memref<10000x320xi32, #tpu.memory_space<hbm>>
    tpu.enqueue_indirect_dma source(%dma_start3A_6 : memref<10000x320xi32, #tpu.memory_space<hbm>>) target(%arg10 : memref<64x320xi32, #tpu.memory_space<vmem>>) offsets(%arg8 : memref<64xi32, #tpu.memory_space<vmem>>) semaphore(%arg14 : memref<!tpu.dma_semaphore, #tpu.memory_space<semaphore_mem>>)
    %dma_wait3A = arith.constant 0 : i32
    %dma_wait3A_7 = arith.constant 0 : i32
    %dma_wait3A_8 = tpu.memref_slice %arg2[%dma_wait3A, %dma_wait3A_7] : memref<10000x320xi32, #tpu.memory_space<hbm>> -> memref<10000x320xi32, #tpu.memory_space<hbm>>
    tpu.wait_indirect_dma semaphore(%arg14 : memref<!tpu.dma_semaphore, #tpu.memory_space<semaphore_mem>>) src(%dma_wait3A_8 : memref<10000x320xi32, #tpu.memory_space<hbm>>) dst(%arg10 : memref<64x320xi32, #tpu.memory_space<vmem>>)
    %dma_start3A_9 = arith.constant 0 : i32
    %dma_start3A_10 = arith.constant 0 : i32
    %dma_start3A_11 = tpu.memref_slice %arg2[%dma_start3A_9, %dma_start3A_10] : memref<10000x320xi32, #tpu.memory_space<hbm>> -> memref<10000x320xi32, #tpu.memory_space<hbm>>
    tpu.enqueue_indirect_dma source(%dma_start3A_11 : memref<10000x320xi32, #tpu.memory_space<hbm>>) target(%arg11 : memref<64x320xi32, #tpu.memory_space<vmem>>) offsets(%arg9 : memref<64xi32, #tpu.memory_space<vmem>>) semaphore(%arg14 : memref<!tpu.dma_semaphore, #tpu.memory_space<semaphore_mem>>)
    %dma_wait3A_12 = arith.constant 0 : i32
    %dma_wait3A_13 = arith.constant 0 : i32
    %dma_wait3A_14 = tpu.memref_slice %arg2[%dma_wait3A_12, %dma_wait3A_13] : memref<10000x320xi32, #tpu.memory_space<hbm>> -> memref<10000x320xi32, #tpu.memory_space<hbm>>
    tpu.wait_indirect_dma semaphore(%arg14 : memref<!tpu.dma_semaphore, #tpu.memory_space<semaphore_mem>>) src(%dma_wait3A_14 : memref<10000x320xi32, #tpu.memory_space<hbm>>) dst(%arg11 : memref<64x320xi32, #tpu.memory_space<vmem>>)
    %dma_start3A_15 = arith.constant 0 : i32
    %dma_start3A_16 = arith.constant 0 : i32
    %dma_start3A_17 = tpu.memref_slice %arg3[%dma_start3A_15, %dma_start3A_16] : memref<10000x128xf32, #tpu.memory_space<hbm>> -> memref<10000x128xf32, #tpu.memory_space<hbm>>
    tpu.enqueue_indirect_dma source(%dma_start3A_17 : memref<10000x128xf32, #tpu.memory_space<hbm>>) target(%arg12 : memref<64x128xf32, #tpu.memory_space<vmem>>) offsets(%arg8 : memref<64xi32, #tpu.memory_space<vmem>>) semaphore(%arg14 : memref<!tpu.dma_semaphore, #tpu.memory_space<semaphore_mem>>)
    %dma_wait3A_18 = arith.constant 0 : i32
    %dma_wait3A_19 = arith.constant 0 : i32
    %dma_wait3A_20 = tpu.memref_slice %arg3[%dma_wait3A_18, %dma_wait3A_19] : memref<10000x128xf32, #tpu.memory_space<hbm>> -> memref<10000x128xf32, #tpu.memory_space<hbm>>
    tpu.wait_indirect_dma semaphore(%arg14 : memref<!tpu.dma_semaphore, #tpu.memory_space<semaphore_mem>>) src(%dma_wait3A_20 : memref<10000x128xf32, #tpu.memory_space<hbm>>) dst(%arg12 : memref<64x128xf32, #tpu.memory_space<vmem>>)
    %dma_start3A_21 = arith.constant 0 : i32
    %dma_start3A_22 = arith.constant 0 : i32
    %dma_start3A_23 = tpu.memref_slice %arg3[%dma_start3A_21, %dma_start3A_22] : memref<10000x128xf32, #tpu.memory_space<hbm>> -> memref<10000x128xf32, #tpu.memory_space<hbm>>
    tpu.enqueue_indirect_dma source(%dma_start3A_23 : memref<10000x128xf32, #tpu.memory_space<hbm>>) target(%arg13 : memref<64x128xf32, #tpu.memory_space<vmem>>) offsets(%arg9 : memref<64xi32, #tpu.memory_space<vmem>>) semaphore(%arg14 : memref<!tpu.dma_semaphore, #tpu.memory_space<semaphore_mem>>)
    %dma_wait3A_24 = arith.constant 0 : i32
    %dma_wait3A_25 = arith.constant 0 : i32
    %dma_wait3A_26 = tpu.memref_slice %arg3[%dma_wait3A_24, %dma_wait3A_25] : memref<10000x128xf32, #tpu.memory_space<hbm>> -> memref<10000x128xf32, #tpu.memory_space<hbm>>
    tpu.wait_indirect_dma semaphore(%arg14 : memref<!tpu.dma_semaphore, #tpu.memory_space<semaphore_mem>>) src(%dma_wait3A_26 : memref<10000x128xf32, #tpu.memory_space<hbm>>) dst(%arg13 : memref<64x128xf32, #tpu.memory_space<vmem>>)
    %scan3A = arith.constant 0 : i32
    %scan3A_27 = arith.constant 0 : i32
    %scan3A_28 = arith.constant 64 : i32
    %scan3A_29 = arith.addi %scan3A_27, %scan3A_28 : i32
    %scan3A_30 = arith.constant 1 : i32
    scf.for %scan3A_66 = %scan3A_27 to %scan3A_29 step %scan3A_30  : i32 {
      %get3A = arith.index_cast %scan3A_66 : i32 to index
      %get3A_67 = arith.constant 0 : index
      %get3A_68 = tpu.vector_load %arg10[%get3A, %get3A_67] {strides = array<i32>} : memref<64x320xi32, #tpu.memory_space<vmem>>, vector<1x16xi32>,
      %get3A_69 = vector.shape_cast %get3A_68 : vector<1x16xi32> to vector<16xi32>
      %get3A_70 = arith.index_cast %scan3A_66 : i32 to index
      %get3A_71 = arith.constant 0 : index
      %get3A_72 = tpu.vector_load %arg11[%get3A_70, %get3A_71] {strides = array<i32>} : memref<64x320xi32, #tpu.memory_space<vmem>>, vector<1x16xi32>,
      %get3A_73 = vector.shape_cast %get3A_72 : vector<1x16xi32> to vector<16xi32>
      %and3A = arith.andi %get3A_69, %get3A_73 : vector<16xi32>
      %swap3A = arith.index_cast %scan3A_66 : i32 to index
      %swap3A_74 = arith.constant 0 : index
      %swap3A_75 = tpu.vector_load %arg10[%swap3A, %swap3A_74] {strides = array<i32>} : memref<64x320xi32, #tpu.memory_space<vmem>>, vector<1x16xi32>,
      %swap3A_76 = vector.shape_cast %swap3A_75 : vector<1x16xi32> to vector<16xi32>
      %swap3A_77 = vector.shape_cast %and3A : vector<16xi32> to vector<1x16xi32>
      tpu.vector_store %arg10[%swap3A, %swap3A_74], %swap3A_77 {strides = array<i32>} : memref<64x320xi32, #tpu.memory_space<vmem>>, vector<1x16xi32>,
      %get3A_78 = arith.index_cast %scan3A_66 : i32 to index
      %get3A_79 = arith.constant 16 : index
      %get3A_80 = tpu.vector_load %arg10[%get3A_78, %get3A_79] {strides = array<i32>} : memref<64x320xi32, #tpu.memory_space<vmem>>, vector<1x16xi32>,
      %get3A_81 = vector.shape_cast %get3A_80 : vector<1x16xi32> to vector<16xi32>
      %get3A_82 = arith.index_cast %scan3A_66 : i32 to index
      %get3A_83 = arith.constant 16 : index
      %get3A_84 = tpu.vector_load %arg11[%get3A_82, %get3A_83] {strides = array<i32>} : memref<64x320xi32, #tpu.memory_space<vmem>>, vector<1x16xi32>,
      %get3A_85 = vector.shape_cast %get3A_84 : vector<1x16xi32> to vector<16xi32>
      %and3A_86 = arith.andi %get3A_81, %get3A_85 : vector<16xi32>
      %swap3A_87 = arith.index_cast %scan3A_66 : i32 to index
      %swap3A_88 = arith.constant 16 : index
      %swap3A_89 = tpu.vector_load %arg10[%swap3A_87, %swap3A_88] {strides = array<i32>} : memref<64x320xi32, #tpu.memory_space<vmem>>, vector<1x16xi32>,
      %swap3A_90 = vector.shape_cast %swap3A_89 : vector<1x16xi32> to vector<16xi32>
      %swap3A_91 = vector.shape_cast %and3A_86 : vector<16xi32> to vector<1x16xi32>
      tpu.vector_store %arg10[%swap3A_87, %swap3A_88], %swap3A_91 {strides = array<i32>} : memref<64x320xi32, #tpu.memory_space<vmem>>, vector<1x16xi32>,
      %get3A_92 = arith.index_cast %scan3A_66 : i32 to index
      %get3A_93 = arith.constant 32 : index
      %get3A_94 = tpu.vector_load %arg10[%get3A_92, %get3A_93] {strides = array<i32>} : memref<64x320xi32, #tpu.memory_space<vmem>>, vector<1x16xi32>,
      %get3A_95 = vector.shape_cast %get3A_94 : vector<1x16xi32> to vector<16xi32>
      %get3A_96 = arith.index_cast %scan3A_66 : i32 to index
      %get3A_97 = arith.constant 32 : index
      %get3A_98 = tpu.vector_load %arg11[%get3A_96, %get3A_97] {strides = array<i32>} : memref<64x320xi32, #tpu.memory_space<vmem>>, vector<1x16xi32>,
      %get3A_99 = vector.shape_cast %get3A_98 : vector<1x16xi32> to vector<16xi32>
      %and3A_100 = arith.andi %get3A_95, %get3A_99 : vector<16xi32>
      %swap3A_101 = arith.index_cast %scan3A_66 : i32 to index
      %swap3A_102 = arith.constant 32 : index
      %swap3A_103 = tpu.vector_load %arg10[%swap3A_101, %swap3A_102] {strides = array<i32>} : memref<64x320xi32, #tpu.memory_space<vmem>>, vector<1x16xi32>,
      %swap3A_104 = vector.shape_cast %swap3A_103 : vector<1x16xi32> to vector<16xi32>
      %swap3A_105 = vector.shape_cast %and3A_100 : vector<16xi32> to vector<1x16xi32>
      tpu.vector_store %arg10[%swap3A_101, %swap3A_102], %swap3A_105 {strides = array<i32>} : memref<64x320xi32, #tpu.memory_space<vmem>>, vector<1x16xi32>,
      %get3A_106 = arith.index_cast %scan3A_66 : i32 to index
      %get3A_107 = arith.constant 48 : index
      %get3A_108 = tpu.vector_load %arg10[%get3A_106, %get3A_107] {strides = array<i32>} : memref<64x320xi32, #tpu.memory_space<vmem>>, vector<1x16xi32>,
      %get3A_109 = vector.shape_cast %get3A_108 : vector<1x16xi32> to vector<16xi32>
      %get3A_110 = arith.index_cast %scan3A_66 : i32 to index
      %get3A_111 = arith.constant 48 : index
      %get3A_112 = tpu.vector_load %arg11[%get3A_110, %get3A_111] {strides = array<i32>} : memref<64x320xi32, #tpu.memory_space<vmem>>, vector<1x16xi32>,
      %get3A_113 = vector.shape_cast %get3A_112 : vector<1x16xi32> to vector<16xi32>
      %and3A_114 = arith.andi %get3A_109, %get3A_113 : vector<16xi32>
      %swap3A_115 = arith.index_cast %scan3A_66 : i32 to index
      %swap3A_116 = arith.constant 48 : index
      %swap3A_117 = tpu.vector_load %arg10[%swap3A_115, %swap3A_116] {strides = array<i32>} : memref<64x320xi32, #tpu.memory_space<vmem>>, vector<1x16xi32>,
      %swap3A_118 = vector.shape_cast %swap3A_117 : vector<1x16xi32> to vector<16xi32>
      %swap3A_119 = vector.shape_cast %and3A_114 : vector<16xi32> to vector<1x16xi32>
      tpu.vector_store %arg10[%swap3A_115, %swap3A_116], %swap3A_119 {strides = array<i32>} : memref<64x320xi32, #tpu.memory_space<vmem>>, vector<1x16xi32>,
      %get3A_120 = arith.index_cast %scan3A_66 : i32 to index
      %get3A_121 = arith.constant 64 : index
      %get3A_122 = tpu.vector_load %arg10[%get3A_120, %get3A_121] {strides = array<i32>} : memref<64x320xi32, #tpu.memory_space<vmem>>, vector<1x16xi32>,
      %get3A_123 = vector.shape_cast %get3A_122 : vector<1x16xi32> to vector<16xi32>
      %get3A_124 = arith.index_cast %scan3A_66 : i32 to index
      %get3A_125 = arith.constant 64 : index
      %get3A_126 = tpu.vector_load %arg11[%get3A_124, %get3A_125] {strides = array<i32>} : memref<64x320xi32, #tpu.memory_space<vmem>>, vector<1x16xi32>,
      %get3A_127 = vector.shape_cast %get3A_126 : vector<1x16xi32> to vector<16xi32>
      %and3A_128 = arith.andi %get3A_123, %get3A_127 : vector<16xi32>
      %swap3A_129 = arith.index_cast %scan3A_66 : i32 to index
      %swap3A_130 = arith.constant 64 : index
      %swap3A_131 = tpu.vector_load %arg10[%swap3A_129, %swap3A_130] {strides = array<i32>} : memref<64x320xi32, #tpu.memory_space<vmem>>, vector<1x16xi32>,
      %swap3A_132 = vector.shape_cast %swap3A_131 : vector<1x16xi32> to vector<16xi32>
      %swap3A_133 = vector.shape_cast %and3A_128 : vector<16xi32> to vector<1x16xi32>
      tpu.vector_store %arg10[%swap3A_129, %swap3A_130], %swap3A_133 {strides = array<i32>} : memref<64x320xi32, #tpu.memory_space<vmem>>, vector<1x16xi32>,
      %get3A_134 = arith.index_cast %scan3A_66 : i32 to index
      %get3A_135 = arith.constant 80 : index
      %get3A_136 = tpu.vector_load %arg10[%get3A_134, %get3A_135] {strides = array<i32>} : memref<64x320xi32, #tpu.memory_space<vmem>>, vector<1x16xi32>,
      %get3A_137 = vector.shape_cast %get3A_136 : vector<1x16xi32> to vector<16xi32>
      %get3A_138 = arith.index_cast %scan3A_66 : i32 to index
      %get3A_139 = arith.constant 80 : index
      %get3A_140 = tpu.vector_load %arg11[%get3A_138, %get3A_139] {strides = array<i32>} : memref<64x320xi32, #tpu.memory_space<vmem>>, vector<1x16xi32>,
      %get3A_141 = vector.shape_cast %get3A_140 : vector<1x16xi32> to vector<16xi32>
      %and3A_142 = arith.andi %get3A_137, %get3A_141 : vector<16xi32>
      %swap3A_143 = arith.index_cast %scan3A_66 : i32 to index
      %swap3A_144 = arith.constant 80 : index
      %swap3A_145 = tpu.vector_load %arg10[%swap3A_143, %swap3A_144] {strides = array<i32>} : memref<64x320xi32, #tpu.memory_space<vmem>>, vector<1x16xi32>,
      %swap3A_146 = vector.shape_cast %swap3A_145 : vector<1x16xi32> to vector<16xi32>
      %swap3A_147 = vector.shape_cast %and3A_142 : vector<16xi32> to vector<1x16xi32>
      tpu.vector_store %arg10[%swap3A_143, %swap3A_144], %swap3A_147 {strides = array<i32>} : memref<64x320xi32, #tpu.memory_space<vmem>>, vector<1x16xi32>,
      %get3A_148 = arith.index_cast %scan3A_66 : i32 to index
      %get3A_149 = arith.constant 96 : index
      %get3A_150 = tpu.vector_load %arg10[%get3A_148, %get3A_149] {strides = array<i32>} : memref<64x320xi32, #tpu.memory_space<vmem>>, vector<1x16xi32>,
      %get3A_151 = vector.shape_cast %get3A_150 : vector<1x16xi32> to vector<16xi32>
      %get3A_152 = arith.index_cast %scan3A_66 : i32 to index
      %get3A_153 = arith.constant 96 : index
      %get3A_154 = tpu.vector_load %arg11[%get3A_152, %get3A_153] {strides = array<i32>} : memref<64x320xi32, #tpu.memory_space<vmem>>, vector<1x16xi32>,
      %get3A_155 = vector.shape_cast %get3A_154 : vector<1x16xi32> to vector<16xi32>
      %and3A_156 = arith.andi %get3A_151, %get3A_155 : vector<16xi32>
      %swap3A_157 = arith.index_cast %scan3A_66 : i32 to index
      %swap3A_158 = arith.constant 96 : index
      %swap3A_159 = tpu.vector_load %arg10[%swap3A_157, %swap3A_158] {strides = array<i32>} : memref<64x320xi32, #tpu.memory_space<vmem>>, vector<1x16xi32>,
      %swap3A_160 = vector.shape_cast %swap3A_159 : vector<1x16xi32> to vector<16xi32>
      %swap3A_161 = vector.shape_cast %and3A_156 : vector<16xi32> to vector<1x16xi32>
      tpu.vector_store %arg10[%swap3A_157, %swap3A_158], %swap3A_161 {strides = array<i32>} : memref<64x320xi32, #tpu.memory_space<vmem>>, vector<1x16xi32>,
      %get3A_162 = arith.index_cast %scan3A_66 : i32 to index
      %get3A_163 = arith.constant 112 : index
      %get3A_164 = tpu.vector_load %arg10[%get3A_162, %get3A_163] {strides = array<i32>} : memref<64x320xi32, #tpu.memory_space<vmem>>, vector<1x16xi32>,
      %get3A_165 = vector.shape_cast %get3A_164 : vector<1x16xi32> to vector<16xi32>
      %get3A_166 = arith.index_cast %scan3A_66 : i32 to index
      %get3A_167 = arith.constant 112 : index
      %get3A_168 = tpu.vector_load %arg11[%get3A_166, %get3A_167] {strides = array<i32>} : memref<64x320xi32, #tpu.memory_space<vmem>>, vector<1x16xi32>,
      %get3A_169 = vector.shape_cast %get3A_168 : vector<1x16xi32> to vector<16xi32>
      %and3A_170 = arith.andi %get3A_165, %get3A_169 : vector<16xi32>
      %swap3A_171 = arith.index_cast %scan3A_66 : i32 to index
      %swap3A_172 = arith.constant 112 : index
      %swap3A_173 = tpu.vector_load %arg10[%swap3A_171, %swap3A_172] {strides = array<i32>} : memref<64x320xi32, #tpu.memory_space<vmem>>, vector<1x16xi32>,
      %swap3A_174 = vector.shape_cast %swap3A_173 : vector<1x16xi32> to vector<16xi32>
      %swap3A_175 = vector.shape_cast %and3A_170 : vector<16xi32> to vector<1x16xi32>
      tpu.vector_store %arg10[%swap3A_171, %swap3A_172], %swap3A_175 {strides = array<i32>} : memref<64x320xi32, #tpu.memory_space<vmem>>, vector<1x16xi32>,
      %get3A_176 = arith.index_cast %scan3A_66 : i32 to index
      %get3A_177 = arith.constant 128 : index
      %get3A_178 = tpu.vector_load %arg10[%get3A_176, %get3A_177] {strides = array<i32>} : memref<64x320xi32, #tpu.memory_space<vmem>>, vector<1x16xi32>,
      %get3A_179 = vector.shape_cast %get3A_178 : vector<1x16xi32> to vector<16xi32>
      %get3A_180 = arith.index_cast %scan3A_66 : i32 to index
      %get3A_181 = arith.constant 128 : index
      %get3A_182 = tpu.vector_load %arg11[%get3A_180, %get3A_181] {strides = array<i32>} : memref<64x320xi32, #tpu.memory_space<vmem>>, vector<1x16xi32>,
      %get3A_183 = vector.shape_cast %get3A_182 : vector<1x16xi32> to vector<16xi32>
      %and3A_184 = arith.andi %get3A_179, %get3A_183 : vector<16xi32>
      %swap3A_185 = arith.index_cast %scan3A_66 : i32 to index
      %swap3A_186 = arith.constant 128 : index
      %swap3A_187 = tpu.vector_load %arg10[%swap3A_185, %swap3A_186] {strides = array<i32>} : memref<64x320xi32, #tpu.memory_space<vmem>>, vector<1x16xi32>,
      %swap3A_188 = vector.shape_cast %swap3A_187 : vector<1x16xi32> to vector<16xi32>
      %swap3A_189 = vector.shape_cast %and3A_184 : vector<16xi32> to vector<1x16xi32>
      tpu.vector_store %arg10[%swap3A_185, %swap3A_186], %swap3A_189 {strides = array<i32>} : memref<64x320xi32, #tpu.memory_space<vmem>>, vector<1x16xi32>,
      %get3A_190 = arith.index_cast %scan3A_66 : i32 to index
      %get3A_191 = arith.constant 144 : index
      %get3A_192 = tpu.vector_load %arg10[%get3A_190, %get3A_191] {strides = array<i32>} : memref<64x320xi32, #tpu.memory_space<vmem>>, vector<1x16xi32>,
      %get3A_193 = vector.shape_cast %get3A_192 : vector<1x16xi32> to vector<16xi32>
      %get3A_194 = arith.index_cast %scan3A_66 : i32 to index
      %get3A_195 = arith.constant 144 : index
      %get3A_196 = tpu.vector_load %arg11[%get3A_194, %get3A_195] {strides = array<i32>} : memref<64x320xi32, #tpu.memory_space<vmem>>, vector<1x16xi32>,
      %get3A_197 = vector.shape_cast %get3A_196 : vector<1x16xi32> to vector<16xi32>
      %and3A_198 = arith.andi %get3A_193, %get3A_197 : vector<16xi32>
      %swap3A_199 = arith.index_cast %scan3A_66 : i32 to index
      %swap3A_200 = arith.constant 144 : index
      %swap3A_201 = tpu.vector_load %arg10[%swap3A_199, %swap3A_200] {strides = array<i32>} : memref<64x320xi32, #tpu.memory_space<vmem>>, vector<1x16xi32>,
      %swap3A_202 = vector.shape_cast %swap3A_201 : vector<1x16xi32> to vector<16xi32>
      %swap3A_203 = vector.shape_cast %and3A_198 : vector<16xi32> to vector<1x16xi32>
      tpu.vector_store %arg10[%swap3A_199, %swap3A_200], %swap3A_203 {strides = array<i32>} : memref<64x320xi32, #tpu.memory_space<vmem>>, vector<1x16xi32>,
      %get3A_204 = arith.index_cast %scan3A_66 : i32 to index
      %get3A_205 = arith.constant 160 : index
      %get3A_206 = tpu.vector_load %arg10[%get3A_204, %get3A_205] {strides = array<i32>} : memref<64x320xi32, #tpu.memory_space<vmem>>, vector<1x16xi32>,
      %get3A_207 = vector.shape_cast %get3A_206 : vector<1x16xi32> to vector<16xi32>
      %get3A_208 = arith.index_cast %scan3A_66 : i32 to index
      %get3A_209 = arith.constant 160 : index
      %get3A_210 = tpu.vector_load %arg11[%get3A_208, %get3A_209] {strides = array<i32>} : memref<64x320xi32, #tpu.memory_space<vmem>>, vector<1x16xi32>,
      %get3A_211 = vector.shape_cast %get3A_210 : vector<1x16xi32> to vector<16xi32>
      %and3A_212 = arith.andi %get3A_207, %get3A_211 : vector<16xi32>
      %swap3A_213 = arith.index_cast %scan3A_66 : i32 to index
      %swap3A_214 = arith.constant 160 : index
      %swap3A_215 = tpu.vector_load %arg10[%swap3A_213, %swap3A_214] {strides = array<i32>} : memref<64x320xi32, #tpu.memory_space<vmem>>, vector<1x16xi32>,
      %swap3A_216 = vector.shape_cast %swap3A_215 : vector<1x16xi32> to vector<16xi32>
      %swap3A_217 = vector.shape_cast %and3A_212 : vector<16xi32> to vector<1x16xi32>
      tpu.vector_store %arg10[%swap3A_213, %swap3A_214], %swap3A_217 {strides = array<i32>} : memref<64x320xi32, #tpu.memory_space<vmem>>, vector<1x16xi32>,
      %get3A_218 = arith.index_cast %scan3A_66 : i32 to index
      %get3A_219 = arith.constant 176 : index
      %get3A_220 = tpu.vector_load %arg10[%get3A_218, %get3A_219] {strides = array<i32>} : memref<64x320xi32, #tpu.memory_space<vmem>>, vector<1x16xi32>,
      %get3A_221 = vector.shape_cast %get3A_220 : vector<1x16xi32> to vector<16xi32>
      %get3A_222 = arith.index_cast %scan3A_66 : i32 to index
      %get3A_223 = arith.constant 176 : index
      %get3A_224 = tpu.vector_load %arg11[%get3A_222, %get3A_223] {strides = array<i32>} : memref<64x320xi32, #tpu.memory_space<vmem>>, vector<1x16xi32>,
      %get3A_225 = vector.shape_cast %get3A_224 : vector<1x16xi32> to vector<16xi32>
      %and3A_226 = arith.andi %get3A_221, %get3A_225 : vector<16xi32>
      %swap3A_227 = arith.index_cast %scan3A_66 : i32 to index
      %swap3A_228 = arith.constant 176 : index
      %swap3A_229 = tpu.vector_load %arg10[%swap3A_227, %swap3A_228] {strides = array<i32>} : memref<64x320xi32, #tpu.memory_space<vmem>>, vector<1x16xi32>,
      %swap3A_230 = vector.shape_cast %swap3A_229 : vector<1x16xi32> to vector<16xi32>
      %swap3A_231 = vector.shape_cast %and3A_226 : vector<16xi32> to vector<1x16xi32>
      tpu.vector_store %arg10[%swap3A_227, %swap3A_228], %swap3A_231 {strides = array<i32>} : memref<64x320xi32, #tpu.memory_space<vmem>>, vector<1x16xi32>,
      %get3A_232 = arith.index_cast %scan3A_66 : i32 to index
      %get3A_233 = arith.constant 192 : index
      %get3A_234 = tpu.vector_load %arg10[%get3A_232, %get3A_233] {strides = array<i32>} : memref<64x320xi32, #tpu.memory_space<vmem>>, vector<1x16xi32>,
      %get3A_235 = vector.shape_cast %get3A_234 : vector<1x16xi32> to vector<16xi32>
      %get3A_236 = arith.index_cast %scan3A_66 : i32 to index
      %get3A_237 = arith.constant 192 : index
      %get3A_238 = tpu.vector_load %arg11[%get3A_236, %get3A_237] {strides = array<i32>} : memref<64x320xi32, #tpu.memory_space<vmem>>, vector<1x16xi32>,
      %get3A_239 = vector.shape_cast %get3A_238 : vector<1x16xi32> to vector<16xi32>
      %and3A_240 = arith.andi %get3A_235, %get3A_239 : vector<16xi32>
      %swap3A_241 = arith.index_cast %scan3A_66 : i32 to index
      %swap3A_242 = arith.constant 192 : index
      %swap3A_243 = tpu.vector_load %arg10[%swap3A_241, %swap3A_242] {strides = array<i32>} : memref<64x320xi32, #tpu.memory_space<vmem>>, vector<1x16xi32>,
      %swap3A_244 = vector.shape_cast %swap3A_243 : vector<1x16xi32> to vector<16xi32>
      %swap3A_245 = vector.shape_cast %and3A_240 : vector<16xi32> to vector<1x16xi32>
      tpu.vector_store %arg10[%swap3A_241, %swap3A_242], %swap3A_245 {strides = array<i32>} : memref<64x320xi32, #tpu.memory_space<vmem>>, vector<1x16xi32>,
      %get3A_246 = arith.index_cast %scan3A_66 : i32 to index
      %get3A_247 = arith.constant 208 : index
      %get3A_248 = tpu.vector_load %arg10[%get3A_246, %get3A_247] {strides = array<i32>} : memref<64x320xi32, #tpu.memory_space<vmem>>, vector<1x16xi32>,
      %get3A_249 = vector.shape_cast %get3A_248 : vector<1x16xi32> to vector<16xi32>
      %get3A_250 = arith.index_cast %scan3A_66 : i32 to index
      %get3A_251 = arith.constant 208 : index
      %get3A_252 = tpu.vector_load %arg11[%get3A_250, %get3A_251] {strides = array<i32>} : memref<64x320xi32, #tpu.memory_space<vmem>>, vector<1x16xi32>,
      %get3A_253 = vector.shape_cast %get3A_252 : vector<1x16xi32> to vector<16xi32>
      %and3A_254 = arith.andi %get3A_249, %get3A_253 : vector<16xi32>
      %swap3A_255 = arith.index_cast %scan3A_66 : i32 to index
      %swap3A_256 = arith.constant 208 : index
      %swap3A_257 = tpu.vector_load %arg10[%swap3A_255, %swap3A_256] {strides = array<i32>} : memref<64x320xi32, #tpu.memory_space<vmem>>, vector<1x16xi32>,
      %swap3A_258 = vector.shape_cast %swap3A_257 : vector<1x16xi32> to vector<16xi32>
      %swap3A_259 = vector.shape_cast %and3A_254 : vector<16xi32> to vector<1x16xi32>
      tpu.vector_store %arg10[%swap3A_255, %swap3A_256], %swap3A_259 {strides = array<i32>} : memref<64x320xi32, #tpu.memory_space<vmem>>, vector<1x16xi32>,
      %get3A_260 = arith.index_cast %scan3A_66 : i32 to index
      %get3A_261 = arith.constant 224 : index
      %get3A_262 = tpu.vector_load %arg10[%get3A_260, %get3A_261] {strides = array<i32>} : memref<64x320xi32, #tpu.memory_space<vmem>>, vector<1x16xi32>,
      %get3A_263 = vector.shape_cast %get3A_262 : vector<1x16xi32> to vector<16xi32>
      %get3A_264 = arith.index_cast %scan3A_66 : i32 to index
      %get3A_265 = arith.constant 224 : index
      %get3A_266 = tpu.vector_load %arg11[%get3A_264, %get3A_265] {strides = array<i32>} : memref<64x320xi32, #tpu.memory_space<vmem>>, vector<1x16xi32>,
      %get3A_267 = vector.shape_cast %get3A_266 : vector<1x16xi32> to vector<16xi32>
      %and3A_268 = arith.andi %get3A_263, %get3A_267 : vector<16xi32>
      %swap3A_269 = arith.index_cast %scan3A_66 : i32 to index
      %swap3A_270 = arith.constant 224 : index
      %swap3A_271 = tpu.vector_load %arg10[%swap3A_269, %swap3A_270] {strides = array<i32>} : memref<64x320xi32, #tpu.memory_space<vmem>>, vector<1x16xi32>,
      %swap3A_272 = vector.shape_cast %swap3A_271 : vector<1x16xi32> to vector<16xi32>
      %swap3A_273 = vector.shape_cast %and3A_268 : vector<16xi32> to vector<1x16xi32>
      tpu.vector_store %arg10[%swap3A_269, %swap3A_270], %swap3A_273 {strides = array<i32>} : memref<64x320xi32, #tpu.memory_space<vmem>>, vector<1x16xi32>,
      %get3A_274 = arith.index_cast %scan3A_66 : i32 to index
      %get3A_275 = arith.constant 240 : index
      %get3A_276 = tpu.vector_load %arg10[%get3A_274, %get3A_275] {strides = array<i32>} : memref<64x320xi32, #tpu.memory_space<vmem>>, vector<1x16xi32>,
      %get3A_277 = vector.shape_cast %get3A_276 : vector<1x16xi32> to vector<16xi32>
      %get3A_278 = arith.index_cast %scan3A_66 : i32 to index
      %get3A_279 = arith.constant 240 : index
      %get3A_280 = tpu.vector_load %arg11[%get3A_278, %get3A_279] {strides = array<i32>} : memref<64x320xi32, #tpu.memory_space<vmem>>, vector<1x16xi32>,
      %get3A_281 = vector.shape_cast %get3A_280 : vector<1x16xi32> to vector<16xi32>
      %and3A_282 = arith.andi %get3A_277, %get3A_281 : vector<16xi32>
      %swap3A_283 = arith.index_cast %scan3A_66 : i32 to index
      %swap3A_284 = arith.constant 240 : index
      %swap3A_285 = tpu.vector_load %arg10[%swap3A_283, %swap3A_284] {strides = array<i32>} : memref<64x320xi32, #tpu.memory_space<vmem>>, vector<1x16xi32>,
      %swap3A_286 = vector.shape_cast %swap3A_285 : vector<1x16xi32> to vector<16xi32>
      %swap3A_287 = vector.shape_cast %and3A_282 : vector<16xi32> to vector<1x16xi32>
      tpu.vector_store %arg10[%swap3A_283, %swap3A_284], %swap3A_287 {strides = array<i32>} : memref<64x320xi32, #tpu.memory_space<vmem>>, vector<1x16xi32>,
      %get3A_288 = arith.index_cast %scan3A_66 : i32 to index
      %get3A_289 = arith.constant 256 : index
      %get3A_290 = tpu.vector_load %arg10[%get3A_288, %get3A_289] {strides = array<i32>} : memref<64x320xi32, #tpu.memory_space<vmem>>, vector<1x16xi32>,
      %get3A_291 = vector.shape_cast %get3A_290 : vector<1x16xi32> to vector<16xi32>
      %get3A_292 = arith.index_cast %scan3A_66 : i32 to index
      %get3A_293 = arith.constant 256 : index
      %get3A_294 = tpu.vector_load %arg11[%get3A_292, %get3A_293] {strides = array<i32>} : memref<64x320xi32, #tpu.memory_space<vmem>>, vector<1x16xi32>,
      %get3A_295 = vector.shape_cast %get3A_294 : vector<1x16xi32> to vector<16xi32>
      %and3A_296 = arith.andi %get3A_291, %get3A_295 : vector<16xi32>
      %swap3A_297 = arith.index_cast %scan3A_66 : i32 to index
      %swap3A_298 = arith.constant 256 : index
      %swap3A_299 = tpu.vector_load %arg10[%swap3A_297, %swap3A_298] {strides = array<i32>} : memref<64x320xi32, #tpu.memory_space<vmem>>, vector<1x16xi32>,
      %swap3A_300 = vector.shape_cast %swap3A_299 : vector<1x16xi32> to vector<16xi32>
      %swap3A_301 = vector.shape_cast %and3A_296 : vector<16xi32> to vector<1x16xi32>
      tpu.vector_store %arg10[%swap3A_297, %swap3A_298], %swap3A_301 {strides = array<i32>} : memref<64x320xi32, #tpu.memory_space<vmem>>, vector<1x16xi32>,
      %get3A_302 = arith.index_cast %scan3A_66 : i32 to index
      %get3A_303 = arith.constant 272 : index
      %get3A_304 = tpu.vector_load %arg10[%get3A_302, %get3A_303] {strides = array<i32>} : memref<64x320xi32, #tpu.memory_space<vmem>>, vector<1x16xi32>,
      %get3A_305 = vector.shape_cast %get3A_304 : vector<1x16xi32> to vector<16xi32>
      %get3A_306 = arith.index_cast %scan3A_66 : i32 to index
      %get3A_307 = arith.constant 272 : index
      %get3A_308 = tpu.vector_load %arg11[%get3A_306, %get3A_307] {strides = array<i32>} : memref<64x320xi32, #tpu.memory_space<vmem>>, vector<1x16xi32>,
      %get3A_309 = vector.shape_cast %get3A_308 : vector<1x16xi32> to vector<16xi32>
      %and3A_310 = arith.andi %get3A_305, %get3A_309 : vector<16xi32>
      %swap3A_311 = arith.index_cast %scan3A_66 : i32 to index
      %swap3A_312 = arith.constant 272 : index
      %swap3A_313 = tpu.vector_load %arg10[%swap3A_311, %swap3A_312] {strides = array<i32>} : memref<64x320xi32, #tpu.memory_space<vmem>>, vector<1x16xi32>,
      %swap3A_314 = vector.shape_cast %swap3A_313 : vector<1x16xi32> to vector<16xi32>
      %swap3A_315 = vector.shape_cast %and3A_310 : vector<16xi32> to vector<1x16xi32>
      tpu.vector_store %arg10[%swap3A_311, %swap3A_312], %swap3A_315 {strides = array<i32>} : memref<64x320xi32, #tpu.memory_space<vmem>>, vector<1x16xi32>,
      %get3A_316 = arith.index_cast %scan3A_66 : i32 to index
      %get3A_317 = arith.constant 288 : index
      %get3A_318 = tpu.vector_load %arg10[%get3A_316, %get3A_317] {strides = array<i32>} : memref<64x320xi32, #tpu.memory_space<vmem>>, vector<1x16xi32>,
      %get3A_319 = vector.shape_cast %get3A_318 : vector<1x16xi32> to vector<16xi32>
      %get3A_320 = arith.index_cast %scan3A_66 : i32 to index
      %get3A_321 = arith.constant 288 : index
      %get3A_322 = tpu.vector_load %arg11[%get3A_320, %get3A_321] {strides = array<i32>} : memref<64x320xi32, #tpu.memory_space<vmem>>, vector<1x16xi32>,
      %get3A_323 = vector.shape_cast %get3A_322 : vector<1x16xi32> to vector<16xi32>
      %and3A_324 = arith.andi %get3A_319, %get3A_323 : vector<16xi32>
      %swap3A_325 = arith.index_cast %scan3A_66 : i32 to index
      %swap3A_326 = arith.constant 288 : index
      %swap3A_327 = tpu.vector_load %arg10[%swap3A_325, %swap3A_326] {strides = array<i32>} : memref<64x320xi32, #tpu.memory_space<vmem>>, vector<1x16xi32>,
      %swap3A_328 = vector.shape_cast %swap3A_327 : vector<1x16xi32> to vector<16xi32>
      %swap3A_329 = vector.shape_cast %and3A_324 : vector<16xi32> to vector<1x16xi32>
      tpu.vector_store %arg10[%swap3A_325, %swap3A_326], %swap3A_329 {strides = array<i32>} : memref<64x320xi32, #tpu.memory_space<vmem>>, vector<1x16xi32>,
      %get3A_330 = arith.index_cast %scan3A_66 : i32 to index
      %get3A_331 = arith.constant 304 : index
      %get3A_332 = tpu.vector_load %arg10[%get3A_330, %get3A_331] {strides = array<i32>} : memref<64x320xi32, #tpu.memory_space<vmem>>, vector<1x16xi32>,
      %get3A_333 = vector.shape_cast %get3A_332 : vector<1x16xi32> to vector<16xi32>
      %get3A_334 = arith.index_cast %scan3A_66 : i32 to index
      %get3A_335 = arith.constant 304 : index
      %get3A_336 = tpu.vector_load %arg11[%get3A_334, %get3A_335] {strides = array<i32>} : memref<64x320xi32, #tpu.memory_space<vmem>>, vector<1x16xi32>,
      %get3A_337 = vector.shape_cast %get3A_336 : vector<1x16xi32> to vector<16xi32>
      %and3A_338 = arith.andi %get3A_333, %get3A_337 : vector<16xi32>
      %swap3A_339 = arith.index_cast %scan3A_66 : i32 to index
      %swap3A_340 = arith.constant 304 : index
      %swap3A_341 = tpu.vector_load %arg10[%swap3A_339, %swap3A_340] {strides = array<i32>} : memref<64x320xi32, #tpu.memory_space<vmem>>, vector<1x16xi32>,
      %swap3A_342 = vector.shape_cast %swap3A_341 : vector<1x16xi32> to vector<16xi32>
      %swap3A_343 = vector.shape_cast %and3A_338 : vector<16xi32> to vector<1x16xi32>
      tpu.vector_store %arg10[%swap3A_339, %swap3A_340], %swap3A_343 {strides = array<i32>} : memref<64x320xi32, #tpu.memory_space<vmem>>, vector<1x16xi32>,
      %get3A_344 = arith.index_cast %scan3A_66 : i32 to index
      %get3A_345 = arith.constant 0 : index
      %get3A_346 = tpu.vector_load %arg12[%get3A_344, %get3A_345] {strides = array<i32>} : memref<64x128xf32, #tpu.memory_space<vmem>>, vector<1x16xf32>,
      %get3A_347 = vector.shape_cast %get3A_346 : vector<1x16xf32> to vector<16xf32>
      %get3A_348 = arith.index_cast %scan3A_66 : i32 to index
      %get3A_349 = arith.constant 0 : index
      %get3A_350 = tpu.vector_load %arg13[%get3A_348, %get3A_349] {strides = array<i32>} : memref<64x128xf32, #tpu.memory_space<vmem>>, vector<1x16xf32>,
      %get3A_351 = vector.shape_cast %get3A_350 : vector<1x16xf32> to vector<16xf32>
      %mul3A_352 = arith.mulf %get3A_347, %get3A_351 : vector<16xf32>
      %swap3A_353 = arith.index_cast %scan3A_66 : i32 to index
      %swap3A_354 = arith.constant 0 : index
      %swap3A_355 = tpu.vector_load %arg12[%swap3A_353, %swap3A_354] {strides = array<i32>} : memref<64x128xf32, #tpu.memory_space<vmem>>, vector<1x16xf32>,
      %swap3A_356 = vector.shape_cast %swap3A_355 : vector<1x16xf32> to vector<16xf32>
      %swap3A_357 = vector.shape_cast %mul3A_352 : vector<16xf32> to vector<1x16xf32>
      tpu.vector_store %arg12[%swap3A_353, %swap3A_354], %swap3A_357 {strides = array<i32>} : memref<64x128xf32, #tpu.memory_space<vmem>>, vector<1x16xf32>,
      %get3A_358 = arith.index_cast %scan3A_66 : i32 to index
      %get3A_359 = arith.constant 16 : index
      %get3A_360 = tpu.vector_load %arg12[%get3A_358, %get3A_359] {strides = array<i32>} : memref<64x128xf32, #tpu.memory_space<vmem>>, vector<1x16xf32>,
      %get3A_361 = vector.shape_cast %get3A_360 : vector<1x16xf32> to vector<16xf32>
      %get3A_362 = arith.index_cast %scan3A_66 : i32 to index
      %get3A_363 = arith.constant 16 : index
      %get3A_364 = tpu.vector_load %arg13[%get3A_362, %get3A_363] {strides = array<i32>} : memref<64x128xf32, #tpu.memory_space<vmem>>, vector<1x16xf32>,
      %get3A_365 = vector.shape_cast %get3A_364 : vector<1x16xf32> to vector<16xf32>
      %mul3A_366 = arith.mulf %get3A_361, %get3A_365 : vector<16xf32>
      %swap3A_367 = arith.index_cast %scan3A_66 : i32 to index
      %swap3A_368 = arith.constant 16 : index
      %swap3A_369 = tpu.vector_load %arg12[%swap3A_367, %swap3A_368] {strides = array<i32>} : memref<64x128xf32, #tpu.memory_space<vmem>>, vector<1x16xf32>,
      %swap3A_370 = vector.shape_cast %swap3A_369 : vector<1x16xf32> to vector<16xf32>
      %swap3A_371 = vector.shape_cast %mul3A_366 : vector<16xf32> to vector<1x16xf32>
      tpu.vector_store %arg12[%swap3A_367, %swap3A_368], %swap3A_371 {strides = array<i32>} : memref<64x128xf32, #tpu.memory_space<vmem>>, vector<1x16xf32>,
      %get3A_372 = arith.index_cast %scan3A_66 : i32 to index
      %get3A_373 = arith.constant 32 : index
      %get3A_374 = tpu.vector_load %arg12[%get3A_372, %get3A_373] {strides = array<i32>} : memref<64x128xf32, #tpu.memory_space<vmem>>, vector<1x16xf32>,
      %get3A_375 = vector.shape_cast %get3A_374 : vector<1x16xf32> to vector<16xf32>
      %get3A_376 = arith.index_cast %scan3A_66 : i32 to index
      %get3A_377 = arith.constant 32 : index
      %get3A_378 = tpu.vector_load %arg13[%get3A_376, %get3A_377] {strides = array<i32>} : memref<64x128xf32, #tpu.memory_space<vmem>>, vector<1x16xf32>,
      %get3A_379 = vector.shape_cast %get3A_378 : vector<1x16xf32> to vector<16xf32>
      %mul3A_380 = arith.mulf %get3A_375, %get3A_379 : vector<16xf32>
      %swap3A_381 = arith.index_cast %scan3A_66 : i32 to index
      %swap3A_382 = arith.constant 32 : index
      %swap3A_383 = tpu.vector_load %arg12[%swap3A_381, %swap3A_382] {strides = array<i32>} : memref<64x128xf32, #tpu.memory_space<vmem>>, vector<1x16xf32>,
      %swap3A_384 = vector.shape_cast %swap3A_383 : vector<1x16xf32> to vector<16xf32>
      %swap3A_385 = vector.shape_cast %mul3A_380 : vector<16xf32> to vector<1x16xf32>
      tpu.vector_store %arg12[%swap3A_381, %swap3A_382], %swap3A_385 {strides = array<i32>} : memref<64x128xf32, #tpu.memory_space<vmem>>, vector<1x16xf32>,
      %get3A_386 = arith.index_cast %scan3A_66 : i32 to index
      %get3A_387 = arith.constant 48 : index
      %get3A_388 = tpu.vector_load %arg12[%get3A_386, %get3A_387] {strides = array<i32>} : memref<64x128xf32, #tpu.memory_space<vmem>>, vector<1x16xf32>,
      %get3A_389 = vector.shape_cast %get3A_388 : vector<1x16xf32> to vector<16xf32>
      %get3A_390 = arith.index_cast %scan3A_66 : i32 to index
      %get3A_391 = arith.constant 48 : index
      %get3A_392 = tpu.vector_load %arg13[%get3A_390, %get3A_391] {strides = array<i32>} : memref<64x128xf32, #tpu.memory_space<vmem>>, vector<1x16xf32>,
      %get3A_393 = vector.shape_cast %get3A_392 : vector<1x16xf32> to vector<16xf32>
      %mul3A_394 = arith.mulf %get3A_389, %get3A_393 : vector<16xf32>
      %swap3A_395 = arith.index_cast %scan3A_66 : i32 to index
      %swap3A_396 = arith.constant 48 : index
      %swap3A_397 = tpu.vector_load %arg12[%swap3A_395, %swap3A_396] {strides = array<i32>} : memref<64x128xf32, #tpu.memory_space<vmem>>, vector<1x16xf32>,
      %swap3A_398 = vector.shape_cast %swap3A_397 : vector<1x16xf32> to vector<16xf32>
      %swap3A_399 = vector.shape_cast %mul3A_394 : vector<16xf32> to vector<1x16xf32>
      tpu.vector_store %arg12[%swap3A_395, %swap3A_396], %swap3A_399 {strides = array<i32>} : memref<64x128xf32, #tpu.memory_space<vmem>>, vector<1x16xf32>,
      %get3A_400 = arith.index_cast %scan3A_66 : i32 to index
      %get3A_401 = arith.constant 64 : index
      %get3A_402 = tpu.vector_load %arg12[%get3A_400, %get3A_401] {strides = array<i32>} : memref<64x128xf32, #tpu.memory_space<vmem>>, vector<1x16xf32>,
      %get3A_403 = vector.shape_cast %get3A_402 : vector<1x16xf32> to vector<16xf32>
      %get3A_404 = arith.index_cast %scan3A_66 : i32 to index
      %get3A_405 = arith.constant 64 : index
      %get3A_406 = tpu.vector_load %arg13[%get3A_404, %get3A_405] {strides = array<i32>} : memref<64x128xf32, #tpu.memory_space<vmem>>, vector<1x16xf32>,
      %get3A_407 = vector.shape_cast %get3A_406 : vector<1x16xf32> to vector<16xf32>
      %mul3A_408 = arith.mulf %get3A_403, %get3A_407 : vector<16xf32>
      %swap3A_409 = arith.index_cast %scan3A_66 : i32 to index
      %swap3A_410 = arith.constant 64 : index
      %swap3A_411 = tpu.vector_load %arg12[%swap3A_409, %swap3A_410] {strides = array<i32>} : memref<64x128xf32, #tpu.memory_space<vmem>>, vector<1x16xf32>,
      %swap3A_412 = vector.shape_cast %swap3A_411 : vector<1x16xf32> to vector<16xf32>
      %swap3A_413 = vector.shape_cast %mul3A_408 : vector<16xf32> to vector<1x16xf32>
      tpu.vector_store %arg12[%swap3A_409, %swap3A_410], %swap3A_413 {strides = array<i32>} : memref<64x128xf32, #tpu.memory_space<vmem>>, vector<1x16xf32>,
      %get3A_414 = arith.index_cast %scan3A_66 : i32 to index
      %get3A_415 = arith.constant 80 : index
      %get3A_416 = tpu.vector_load %arg12[%get3A_414, %get3A_415] {strides = array<i32>} : memref<64x128xf32, #tpu.memory_space<vmem>>, vector<1x16xf32>,
      %get3A_417 = vector.shape_cast %get3A_416 : vector<1x16xf32> to vector<16xf32>
      %get3A_418 = arith.index_cast %scan3A_66 : i32 to index
      %get3A_419 = arith.constant 80 : index
      %get3A_420 = tpu.vector_load %arg13[%get3A_418, %get3A_419] {strides = array<i32>} : memref<64x128xf32, #tpu.memory_space<vmem>>, vector<1x16xf32>,
      %get3A_421 = vector.shape_cast %get3A_420 : vector<1x16xf32> to vector<16xf32>
      %mul3A_422 = arith.mulf %get3A_417, %get3A_421 : vector<16xf32>
      %swap3A_423 = arith.index_cast %scan3A_66 : i32 to index
      %swap3A_424 = arith.constant 80 : index
      %swap3A_425 = tpu.vector_load %arg12[%swap3A_423, %swap3A_424] {strides = array<i32>} : memref<64x128xf32, #tpu.memory_space<vmem>>, vector<1x16xf32>,
      %swap3A_426 = vector.shape_cast %swap3A_425 : vector<1x16xf32> to vector<16xf32>
      %swap3A_427 = vector.shape_cast %mul3A_422 : vector<16xf32> to vector<1x16xf32>
      tpu.vector_store %arg12[%swap3A_423, %swap3A_424], %swap3A_427 {strides = array<i32>} : memref<64x128xf32, #tpu.memory_space<vmem>>, vector<1x16xf32>,
      %get3A_428 = arith.index_cast %scan3A_66 : i32 to index
      %get3A_429 = arith.constant 96 : index
      %get3A_430 = tpu.vector_load %arg12[%get3A_428, %get3A_429] {strides = array<i32>} : memref<64x128xf32, #tpu.memory_space<vmem>>, vector<1x16xf32>,
      %get3A_431 = vector.shape_cast %get3A_430 : vector<1x16xf32> to vector<16xf32>
      %get3A_432 = arith.index_cast %scan3A_66 : i32 to index
      %get3A_433 = arith.constant 96 : index
      %get3A_434 = tpu.vector_load %arg13[%get3A_432, %get3A_433] {strides = array<i32>} : memref<64x128xf32, #tpu.memory_space<vmem>>, vector<1x16xf32>,
      %get3A_435 = vector.shape_cast %get3A_434 : vector<1x16xf32> to vector<16xf32>
      %mul3A_436 = arith.mulf %get3A_431, %get3A_435 : vector<16xf32>
      %swap3A_437 = arith.index_cast %scan3A_66 : i32 to index
      %swap3A_438 = arith.constant 96 : index
      %swap3A_439 = tpu.vector_load %arg12[%swap3A_437, %swap3A_438] {strides = array<i32>} : memref<64x128xf32, #tpu.memory_space<vmem>>, vector<1x16xf32>,
      %swap3A_440 = vector.shape_cast %swap3A_439 : vector<1x16xf32> to vector<16xf32>
      %swap3A_441 = vector.shape_cast %mul3A_436 : vector<16xf32> to vector<1x16xf32>
      tpu.vector_store %arg12[%swap3A_437, %swap3A_438], %swap3A_441 {strides = array<i32>} : memref<64x128xf32, #tpu.memory_space<vmem>>, vector<1x16xf32>,
      %get3A_442 = arith.index_cast %scan3A_66 : i32 to index
      %get3A_443 = arith.constant 112 : index
      %get3A_444 = tpu.vector_load %arg12[%get3A_442, %get3A_443] {strides = array<i32>} : memref<64x128xf32, #tpu.memory_space<vmem>>, vector<1x16xf32>,
      %get3A_445 = vector.shape_cast %get3A_444 : vector<1x16xf32> to vector<16xf32>
      %get3A_446 = arith.index_cast %scan3A_66 : i32 to index
      %get3A_447 = arith.constant 112 : index
      %get3A_448 = tpu.vector_load %arg13[%get3A_446, %get3A_447] {strides = array<i32>} : memref<64x128xf32, #tpu.memory_space<vmem>>, vector<1x16xf32>,
      %get3A_449 = vector.shape_cast %get3A_448 : vector<1x16xf32> to vector<16xf32>
      %mul3A_450 = arith.mulf %get3A_445, %get3A_449 : vector<16xf32>
      %swap3A_451 = arith.index_cast %scan3A_66 : i32 to index
      %swap3A_452 = arith.constant 112 : index
      %swap3A_453 = tpu.vector_load %arg12[%swap3A_451, %swap3A_452] {strides = array<i32>} : memref<64x128xf32, #tpu.memory_space<vmem>>, vector<1x16xf32>,
      %swap3A_454 = vector.shape_cast %swap3A_453 : vector<1x16xf32> to vector<16xf32>
      %swap3A_455 = vector.shape_cast %mul3A_450 : vector<16xf32> to vector<1x16xf32>
      tpu.vector_store %arg12[%swap3A_451, %swap3A_452], %swap3A_455 {strides = array<i32>} : memref<64x128xf32, #tpu.memory_space<vmem>>, vector<1x16xf32>,
    }
    %scan3A_31 = arith.constant 64 : i32
    "tpu.region"() ({
      %run_scoped3A = tpu.sem_alloc : memref<!tpu.dma_semaphore, #tpu.memory_space<semaphore_mem>>
      %dma_start3A_66 = arith.constant 0 : i32
      %dma_start3A_67 = tpu.memref_slice %arg6[%add3A_4, %dma_start3A_66] : memref<4096x320xi32, #tpu.memory_space<hbm>> -> memref<64x320xi32, #tpu.memory_space<hbm>>
      %dma_start3A_68 = arith.constant 0 : i32
      %dma_start3A_69 = tpu.memref_slice %arg6[%add3A_4, %dma_start3A_68] : memref<4096x320xi32, #tpu.memory_space<hbm>> -> memref<64x320xi32, #tpu.memory_space<hbm>>
      tpu.enqueue_dma source(%arg10 : memref<64x320xi32, #tpu.memory_space<vmem>>) target(%dma_start3A_69 : memref<64x320xi32, #tpu.memory_space<hbm>>) target_semaphore(%run_scoped3A : memref<!tpu.dma_semaphore, #tpu.memory_space<semaphore_mem>>)
      %dma_wait3A_70 = arith.constant 0 : i32
      %dma_wait3A_71 = tpu.memref_slice %arg6[%add3A_4, %dma_wait3A_70] : memref<4096x320xi32, #tpu.memory_space<hbm>> -> memref<64x320xi32, #tpu.memory_space<hbm>>
      %dma_wait3A_72 = arith.constant 0 : i32
      %dma_wait3A_73 = tpu.memref_slice %arg6[%add3A_4, %dma_wait3A_72] : memref<4096x320xi32, #tpu.memory_space<hbm>> -> memref<64x320xi32, #tpu.memory_space<hbm>>
      tpu.wait_dma2 semaphore(%run_scoped3A : memref<!tpu.dma_semaphore, #tpu.memory_space<semaphore_mem>>) src(%arg10 : memref<64x320xi32, #tpu.memory_space<vmem>>) dst(%dma_wait3A_73 : memref<64x320xi32, #tpu.memory_space<hbm>>)
      tpu.yield
    }) : () -> ()
    "tpu.region"() ({
      %run_scoped3A = tpu.sem_alloc : memref<!tpu.dma_semaphore, #tpu.memory_space<semaphore_mem>>
      %dma_start3A_66 = arith.constant 0 : i32
      %dma_start3A_67 = tpu.memref_slice %arg7[%add3A_4, %dma_start3A_66] : memref<4096x128xf32, #tpu.memory_space<hbm>> -> memref<64x128xf32, #tpu.memory_space<hbm>>
      %dma_start3A_68 = arith.constant 0 : i32
      %dma_start3A_69 = tpu.memref_slice %arg7[%add3A_4, %dma_start3A_68] : memref<4096x128xf32, #tpu.memory_space<hbm>> -> memref<64x128xf32, #tpu.memory_space<hbm>>
      tpu.enqueue_dma source(%arg12 : memref<64x128xf32, #tpu.memory_space<vmem>>) target(%dma_start3A_69 : memref<64x128xf32, #tpu.memory_space<hbm>>) target_semaphore(%run_scoped3A : memref<!tpu.dma_semaphore, #tpu.memory_space<semaphore_mem>>)
      %dma_wait3A_70 = arith.constant 0 : i32
      %dma_wait3A_71 = tpu.memref_slice %arg7[%add3A_4, %dma_wait3A_70] : memref<4096x128xf32, #tpu.memory_space<hbm>> -> memref<64x128xf32, #tpu.memory_space<hbm>>
      %dma_wait3A_72 = arith.constant 0 : i32
      %dma_wait3A_73 = tpu.memref_slice %arg7[%add3A_4, %dma_wait3A_72] : memref<4096x128xf32, #tpu.memory_space<hbm>> -> memref<64x128xf32, #tpu.memory_space<hbm>>
      tpu.wait_dma2 semaphore(%run_scoped3A : memref<!tpu.dma_semaphore, #tpu.memory_space<semaphore_mem>>) src(%arg12 : memref<64x128xf32, #tpu.memory_space<vmem>>) dst(%dma_wait3A_73 : memref<64x128xf32, #tpu.memory_space<hbm>>)
      tpu.yield
    }) : () -> ()
    %mul3A_32 = arith.constant 128 : i32
    %mul3A_33 = arith.muli %add3A, %mul3A_32 : i32
    %add3A_34 = arith.constant 64 : i32
    %add3A_35 = arith.addi %mul3A_33, %add3A_34 : i32
    "tpu.region"() ({
      %run_scoped3A = tpu.sem_alloc : memref<!tpu.dma_semaphore, #tpu.memory_space<semaphore_mem>>
      %dma_start3A_66 = tpu.memref_slice %arg4[%add3A_35] : memref<4096xi32, #tpu.memory_space<hbm>> -> memref<64xi32, #tpu.memory_space<hbm>>
      %dma_start3A_67 = tpu.memref_slice %arg4[%add3A_35] : memref<4096xi32, #tpu.memory_space<hbm>> -> memref<64xi32, #tpu.memory_space<hbm>>
      tpu.enqueue_dma source(%dma_start3A_67 : memref<64xi32, #tpu.memory_space<hbm>>) target(%arg8 : memref<64xi32, #tpu.memory_space<vmem>>) target_semaphore(%run_scoped3A : memref<!tpu.dma_semaphore, #tpu.memory_space<semaphore_mem>>)
      %dma_wait3A_68 = tpu.memref_slice %arg4[%add3A_35] : memref<4096xi32, #tpu.memory_space<hbm>> -> memref<64xi32, #tpu.memory_space<hbm>>
      %dma_wait3A_69 = tpu.memref_slice %arg4[%add3A_35] : memref<4096xi32, #tpu.memory_space<hbm>> -> memref<64xi32, #tpu.memory_space<hbm>>
      tpu.wait_dma2 semaphore(%run_scoped3A : memref<!tpu.dma_semaphore, #tpu.memory_space<semaphore_mem>>) src(%dma_wait3A_69 : memref<64xi32, #tpu.memory_space<hbm>>) dst(%arg8 : memref<64xi32, #tpu.memory_space<vmem>>)
      tpu.yield
    }) : () -> ()
    "tpu.region"() ({
      %run_scoped3A = tpu.sem_alloc : memref<!tpu.dma_semaphore, #tpu.memory_space<semaphore_mem>>
      %dma_start3A_66 = tpu.memref_slice %arg5[%add3A_35] : memref<4096xi32, #tpu.memory_space<hbm>> -> memref<64xi32, #tpu.memory_space<hbm>>
      %dma_start3A_67 = tpu.memref_slice %arg5[%add3A_35] : memref<4096xi32, #tpu.memory_space<hbm>> -> memref<64xi32, #tpu.memory_space<hbm>>
      tpu.enqueue_dma source(%dma_start3A_67 : memref<64xi32, #tpu.memory_space<hbm>>) target(%arg9 : memref<64xi32, #tpu.memory_space<vmem>>) target_semaphore(%run_scoped3A : memref<!tpu.dma_semaphore, #tpu.memory_space<semaphore_mem>>)
      %dma_wait3A_68 = tpu.memref_slice %arg5[%add3A_35] : memref<4096xi32, #tpu.memory_space<hbm>> -> memref<64xi32, #tpu.memory_space<hbm>>
      %dma_wait3A_69 = tpu.memref_slice %arg5[%add3A_35] : memref<4096xi32, #tpu.memory_space<hbm>> -> memref<64xi32, #tpu.memory_space<hbm>>
      tpu.wait_dma2 semaphore(%run_scoped3A : memref<!tpu.dma_semaphore, #tpu.memory_space<semaphore_mem>>) src(%dma_wait3A_69 : memref<64xi32, #tpu.memory_space<hbm>>) dst(%arg9 : memref<64xi32, #tpu.memory_space<vmem>>)
      tpu.yield
    }) : () -> ()
    %dma_start3A_36 = arith.constant 0 : i32
    %dma_start3A_37 = arith.constant 0 : i32
    %dma_start3A_38 = tpu.memref_slice %arg2[%dma_start3A_36, %dma_start3A_37] : memref<10000x320xi32, #tpu.memory_space<hbm>> -> memref<10000x320xi32, #tpu.memory_space<hbm>>
    tpu.enqueue_indirect_dma source(%dma_start3A_38 : memref<10000x320xi32, #tpu.memory_space<hbm>>) target(%arg10 : memref<64x320xi32, #tpu.memory_space<vmem>>) offsets(%arg8 : memref<64xi32, #tpu.memory_space<vmem>>) semaphore(%arg14 : memref<!tpu.dma_semaphore, #tpu.memory_space<semaphore_mem>>)
    %dma_wait3A_39 = arith.constant 0 : i32
    %dma_wait3A_40 = arith.constant 0 : i32
    %dma_wait3A_41 = tpu.memref_slice %arg2[%dma_wait3A_39, %dma_wait3A_40] : memref<10000x320xi32, #tpu.memory_space<hbm>> -> memref<10000x320xi32, #tpu.memory_space<hbm>>
    tpu.wait_indirect_dma semaphore(%arg14 : memref<!tpu.dma_semaphore, #tpu.memory_space<semaphore_mem>>) src(%dma_wait3A_41 : memref<10000x320xi32, #tpu.memory_space<hbm>>) dst(%arg10 : memref<64x320xi32, #tpu.memory_space<vmem>>)
    %dma_start3A_42 = arith.constant 0 : i32
    %dma_start3A_43 = arith.constant 0 : i32
    %dma_start3A_44 = tpu.memref_slice %arg2[%dma_start3A_42, %dma_start3A_43] : memref<10000x320xi32, #tpu.memory_space<hbm>> -> memref<10000x320xi32, #tpu.memory_space<hbm>>
    tpu.enqueue_indirect_dma source(%dma_start3A_44 : memref<10000x320xi32, #tpu.memory_space<hbm>>) target(%arg11 : memref<64x320xi32, #tpu.memory_space<vmem>>) offsets(%arg9 : memref<64xi32, #tpu.memory_space<vmem>>) semaphore(%arg14 : memref<!tpu.dma_semaphore, #tpu.memory_space<semaphore_mem>>)
    %dma_wait3A_45 = arith.constant 0 : i32
    %dma_wait3A_46 = arith.constant 0 : i32
    %dma_wait3A_47 = tpu.memref_slice %arg2[%dma_wait3A_45, %dma_wait3A_46] : memref<10000x320xi32, #tpu.memory_space<hbm>> -> memref<10000x320xi32, #tpu.memory_space<hbm>>
    tpu.wait_indirect_dma semaphore(%arg14 : memref<!tpu.dma_semaphore, #tpu.memory_space<semaphore_mem>>) src(%dma_wait3A_47 : memref<10000x320xi32, #tpu.memory_space<hbm>>) dst(%arg11 : memref<64x320xi32, #tpu.memory_space<vmem>>)
    %dma_start3A_48 = arith.constant 0 : i32
    %dma_start3A_49 = arith.constant 0 : i32
    %dma_start3A_50 = tpu.memref_slice %arg3[%dma_start3A_48, %dma_start3A_49] : memref<10000x128xf32, #tpu.memory_space<hbm>> -> memref<10000x128xf32, #tpu.memory_space<hbm>>
    tpu.enqueue_indirect_dma source(%dma_start3A_50 : memref<10000x128xf32, #tpu.memory_space<hbm>>) target(%arg12 : memref<64x128xf32, #tpu.memory_space<vmem>>) offsets(%arg8 : memref<64xi32, #tpu.memory_space<vmem>>) semaphore(%arg14 : memref<!tpu.dma_semaphore, #tpu.memory_space<semaphore_mem>>)
    %dma_wait3A_51 = arith.constant 0 : i32
    %dma_wait3A_52 = arith.constant 0 : i32
    %dma_wait3A_53 = tpu.memref_slice %arg3[%dma_wait3A_51, %dma_wait3A_52] : memref<10000x128xf32, #tpu.memory_space<hbm>> -> memref<10000x128xf32, #tpu.memory_space<hbm>>
    tpu.wait_indirect_dma semaphore(%arg14 : memref<!tpu.dma_semaphore, #tpu.memory_space<semaphore_mem>>) src(%dma_wait3A_53 : memref<10000x128xf32, #tpu.memory_space<hbm>>) dst(%arg12 : memref<64x128xf32, #tpu.memory_space<vmem>>)
    %dma_start3A_54 = arith.constant 0 : i32
    %dma_start3A_55 = arith.constant 0 : i32
    %dma_start3A_56 = tpu.memref_slice %arg3[%dma_start3A_54, %dma_start3A_55] : memref<10000x128xf32, #tpu.memory_space<hbm>> -> memref<10000x128xf32, #tpu.memory_space<hbm>>
    tpu.enqueue_indirect_dma source(%dma_start3A_56 : memref<10000x128xf32, #tpu.memory_space<hbm>>) target(%arg13 : memref<64x128xf32, #tpu.memory_space<vmem>>) offsets(%arg9 : memref<64xi32, #tpu.memory_space<vmem>>) semaphore(%arg14 : memref<!tpu.dma_semaphore, #tpu.memory_space<semaphore_mem>>)
    %dma_wait3A_57 = arith.constant 0 : i32
    %dma_wait3A_58 = arith.constant 0 : i32
    %dma_wait3A_59 = tpu.memref_slice %arg3[%dma_wait3A_57, %dma_wait3A_58] : memref<10000x128xf32, #tpu.memory_space<hbm>> -> memref<10000x128xf32, #tpu.memory_space<hbm>>
    tpu.wait_indirect_dma semaphore(%arg14 : memref<!tpu.dma_semaphore, #tpu.memory_space<semaphore_mem>>) src(%dma_wait3A_59 : memref<10000x128xf32, #tpu.memory_space<hbm>>) dst(%arg13 : memref<64x128xf32, #tpu.memory_space<vmem>>)
    %scan3A_60 = arith.constant 0 : i32
    %scan3A_61 = arith.constant 0 : i32
    %scan3A_62 = arith.constant 64 : i32
    %scan3A_63 = arith.addi %scan3A_61, %scan3A_62 : i32
    %scan3A_64 = arith.constant 1 : i32
    scf.for %scan3A_66 = %scan3A_61 to %scan3A_63 step %scan3A_64  : i32 {
      %get3A = arith.index_cast %scan3A_66 : i32 to index
      %get3A_67 = arith.constant 0 : index
      %get3A_68 = tpu.vector_load %arg10[%get3A, %get3A_67] {strides = array<i32>} : memref<64x320xi32, #tpu.memory_space<vmem>>, vector<1x16xi32>,
      %get3A_69 = vector.shape_cast %get3A_68 : vector<1x16xi32> to vector<16xi32>
      %get3A_70 = arith.index_cast %scan3A_66 : i32 to index
      %get3A_71 = arith.constant 0 : index
      %get3A_72 = tpu.vector_load %arg11[%get3A_70, %get3A_71] {strides = array<i32>} : memref<64x320xi32, #tpu.memory_space<vmem>>, vector<1x16xi32>,
      %get3A_73 = vector.shape_cast %get3A_72 : vector<1x16xi32> to vector<16xi32>
      %and3A = arith.andi %get3A_69, %get3A_73 : vector<16xi32>
      %swap3A = arith.index_cast %scan3A_66 : i32 to index
      %swap3A_74 = arith.constant 0 : index
      %swap3A_75 = tpu.vector_load %arg10[%swap3A, %swap3A_74] {strides = array<i32>} : memref<64x320xi32, #tpu.memory_space<vmem>>, vector<1x16xi32>,
      %swap3A_76 = vector.shape_cast %swap3A_75 : vector<1x16xi32> to vector<16xi32>
      %swap3A_77 = vector.shape_cast %and3A : vector<16xi32> to vector<1x16xi32>
      tpu.vector_store %arg10[%swap3A, %swap3A_74], %swap3A_77 {strides = array<i32>} : memref<64x320xi32, #tpu.memory_space<vmem>>, vector<1x16xi32>,
      %get3A_78 = arith.index_cast %scan3A_66 : i32 to index
      %get3A_79 = arith.constant 16 : index
      %get3A_80 = tpu.vector_load %arg10[%get3A_78, %get3A_79] {strides = array<i32>} : memref<64x320xi32, #tpu.memory_space<vmem>>, vector<1x16xi32>,
      %get3A_81 = vector.shape_cast %get3A_80 : vector<1x16xi32> to vector<16xi32>
      %get3A_82 = arith.index_cast %scan3A_66 : i32 to index
      %get3A_83 = arith.constant 16 : index
      %get3A_84 = tpu.vector_load %arg11[%get3A_82, %get3A_83] {strides = array<i32>} : memref<64x320xi32, #tpu.memory_space<vmem>>, vector<1x16xi32>,
      %get3A_85 = vector.shape_cast %get3A_84 : vector<1x16xi32> to vector<16xi32>
      %and3A_86 = arith.andi %get3A_81, %get3A_85 : vector<16xi32>
      %swap3A_87 = arith.index_cast %scan3A_66 : i32 to index
      %swap3A_88 = arith.constant 16 : index
      %swap3A_89 = tpu.vector_load %arg10[%swap3A_87, %swap3A_88] {strides = array<i32>} : memref<64x320xi32, #tpu.memory_space<vmem>>, vector<1x16xi32>,
      %swap3A_90 = vector.shape_cast %swap3A_89 : vector<1x16xi32> to vector<16xi32>
      %swap3A_91 = vector.shape_cast %and3A_86 : vector<16xi32> to vector<1x16xi32>
      tpu.vector_store %arg10[%swap3A_87, %swap3A_88], %swap3A_91 {strides = array<i32>} : memref<64x320xi32, #tpu.memory_space<vmem>>, vector<1x16xi32>,
      %get3A_92 = arith.index_cast %scan3A_66 : i32 to index
      %get3A_93 = arith.constant 32 : index
      %get3A_94 = tpu.vector_load %arg10[%get3A_92, %get3A_93] {strides = array<i32>} : memref<64x320xi32, #tpu.memory_space<vmem>>, vector<1x16xi32>,
      %get3A_95 = vector.shape_cast %get3A_94 : vector<1x16xi32> to vector<16xi32>
      %get3A_96 = arith.index_cast %scan3A_66 : i32 to index
      %get3A_97 = arith.constant 32 : index
      %get3A_98 = tpu.vector_load %arg11[%get3A_96, %get3A_97] {strides = array<i32>} : memref<64x320xi32, #tpu.memory_space<vmem>>, vector<1x16xi32>,
      %get3A_99 = vector.shape_cast %get3A_98 : vector<1x16xi32> to vector<16xi32>
      %and3A_100 = arith.andi %get3A_95, %get3A_99 : vector<16xi32>
      %swap3A_101 = arith.index_cast %scan3A_66 : i32 to index
      %swap3A_102 = arith.constant 32 : index
      %swap3A_103 = tpu.vector_load %arg10[%swap3A_101, %swap3A_102] {strides = array<i32>} : memref<64x320xi32, #tpu.memory_space<vmem>>, vector<1x16xi32>,
      %swap3A_104 = vector.shape_cast %swap3A_103 : vector<1x16xi32> to vector<16xi32>
      %swap3A_105 = vector.shape_cast %and3A_100 : vector<16xi32> to vector<1x16xi32>
      tpu.vector_store %arg10[%swap3A_101, %swap3A_102], %swap3A_105 {strides = array<i32>} : memref<64x320xi32, #tpu.memory_space<vmem>>, vector<1x16xi32>,
      %get3A_106 = arith.index_cast %scan3A_66 : i32 to index
      %get3A_107 = arith.constant 48 : index
      %get3A_108 = tpu.vector_load %arg10[%get3A_106, %get3A_107] {strides = array<i32>} : memref<64x320xi32, #tpu.memory_space<vmem>>, vector<1x16xi32>,
      %get3A_109 = vector.shape_cast %get3A_108 : vector<1x16xi32> to vector<16xi32>
      %get3A_110 = arith.index_cast %scan3A_66 : i32 to index
      %get3A_111 = arith.constant 48 : index
      %get3A_112 = tpu.vector_load %arg11[%get3A_110, %get3A_111] {strides = array<i32>} : memref<64x320xi32, #tpu.memory_space<vmem>>, vector<1x16xi32>,
      %get3A_113 = vector.shape_cast %get3A_112 : vector<1x16xi32> to vector<16xi32>
      %and3A_114 = arith.andi %get3A_109, %get3A_113 : vector<16xi32>
      %swap3A_115 = arith.index_cast %scan3A_66 : i32 to index
      %swap3A_116 = arith.constant 48 : index
      %swap3A_117 = tpu.vector_load %arg10[%swap3A_115, %swap3A_116] {strides = array<i32>} : memref<64x320xi32, #tpu.memory_space<vmem>>, vector<1x16xi32>,
      %swap3A_118 = vector.shape_cast %swap3A_117 : vector<1x16xi32> to vector<16xi32>
      %swap3A_119 = vector.shape_cast %and3A_114 : vector<16xi32> to vector<1x16xi32>
      tpu.vector_store %arg10[%swap3A_115, %swap3A_116], %swap3A_119 {strides = array<i32>} : memref<64x320xi32, #tpu.memory_space<vmem>>, vector<1x16xi32>,
      %get3A_120 = arith.index_cast %scan3A_66 : i32 to index
      %get3A_121 = arith.constant 64 : index
      %get3A_122 = tpu.vector_load %arg10[%get3A_120, %get3A_121] {strides = array<i32>} : memref<64x320xi32, #tpu.memory_space<vmem>>, vector<1x16xi32>,
      %get3A_123 = vector.shape_cast %get3A_122 : vector<1x16xi32> to vector<16xi32>
      %get3A_124 = arith.index_cast %scan3A_66 : i32 to index
      %get3A_125 = arith.constant 64 : index
      %get3A_126 = tpu.vector_load %arg11[%get3A_124, %get3A_125] {strides = array<i32>} : memref<64x320xi32, #tpu.memory_space<vmem>>, vector<1x16xi32>,
      %get3A_127 = vector.shape_cast %get3A_126 : vector<1x16xi32> to vector<16xi32>
      %and3A_128 = arith.andi %get3A_123, %get3A_127 : vector<16xi32>
      %swap3A_129 = arith.index_cast %scan3A_66 : i32 to index
      %swap3A_130 = arith.constant 64 : index
      %swap3A_131 = tpu.vector_load %arg10[%swap3A_129, %swap3A_130] {strides = array<i32>} : memref<64x320xi32, #tpu.memory_space<vmem>>, vector<1x16xi32>,
      %swap3A_132 = vector.shape_cast %swap3A_131 : vector<1x16xi32> to vector<16xi32>
      %swap3A_133 = vector.shape_cast %and3A_128 : vector<16xi32> to vector<1x16xi32>
      tpu.vector_store %arg10[%swap3A_129, %swap3A_130], %swap3A_133 {strides = array<i32>} : memref<64x320xi32, #tpu.memory_space<vmem>>, vector<1x16xi32>,
      %get3A_134 = arith.index_cast %scan3A_66 : i32 to index
      %get3A_135 = arith.constant 80 : index
      %get3A_136 = tpu.vector_load %arg10[%get3A_134, %get3A_135] {strides = array<i32>} : memref<64x320xi32, #tpu.memory_space<vmem>>, vector<1x16xi32>,
      %get3A_137 = vector.shape_cast %get3A_136 : vector<1x16xi32> to vector<16xi32>
      %get3A_138 = arith.index_cast %scan3A_66 : i32 to index
      %get3A_139 = arith.constant 80 : index
      %get3A_140 = tpu.vector_load %arg11[%get3A_138, %get3A_139] {strides = array<i32>} : memref<64x320xi32, #tpu.memory_space<vmem>>, vector<1x16xi32>,
      %get3A_141 = vector.shape_cast %get3A_140 : vector<1x16xi32> to vector<16xi32>
      %and3A_142 = arith.andi %get3A_137, %get3A_141 : vector<16xi32>
      %swap3A_143 = arith.index_cast %scan3A_66 : i32 to index
      %swap3A_144 = arith.constant 80 : index
      %swap3A_145 = tpu.vector_load %arg10[%swap3A_143, %swap3A_144] {strides = array<i32>} : memref<64x320xi32, #tpu.memory_space<vmem>>, vector<1x16xi32>,
      %swap3A_146 = vector.shape_cast %swap3A_145 : vector<1x16xi32> to vector<16xi32>
      %swap3A_147 = vector.shape_cast %and3A_142 : vector<16xi32> to vector<1x16xi32>
      tpu.vector_store %arg10[%swap3A_143, %swap3A_144], %swap3A_147 {strides = array<i32>} : memref<64x320xi32, #tpu.memory_space<vmem>>, vector<1x16xi32>,
      %get3A_148 = arith.index_cast %scan3A_66 : i32 to index
      %get3A_149 = arith.constant 96 : index
      %get3A_150 = tpu.vector_load %arg10[%get3A_148, %get3A_149] {strides = array<i32>} : memref<64x320xi32, #tpu.memory_space<vmem>>, vector<1x16xi32>,
      %get3A_151 = vector.shape_cast %get3A_150 : vector<1x16xi32> to vector<16xi32>
      %get3A_152 = arith.index_cast %scan3A_66 : i32 to index
      %get3A_153 = arith.constant 96 : index
      %get3A_154 = tpu.vector_load %arg11[%get3A_152, %get3A_153] {strides = array<i32>} : memref<64x320xi32, #tpu.memory_space<vmem>>, vector<1x16xi32>,
      %get3A_155 = vector.shape_cast %get3A_154 : vector<1x16xi32> to vector<16xi32>
      %and3A_156 = arith.andi %get3A_151, %get3A_155 : vector<16xi32>
      %swap3A_157 = arith.index_cast %scan3A_66 : i32 to index
      %swap3A_158 = arith.constant 96 : index
      %swap3A_159 = tpu.vector_load %arg10[%swap3A_157, %swap3A_158] {strides = array<i32>} : memref<64x320xi32, #tpu.memory_space<vmem>>, vector<1x16xi32>,
      %swap3A_160 = vector.shape_cast %swap3A_159 : vector<1x16xi32> to vector<16xi32>
      %swap3A_161 = vector.shape_cast %and3A_156 : vector<16xi32> to vector<1x16xi32>
      tpu.vector_store %arg10[%swap3A_157, %swap3A_158], %swap3A_161 {strides = array<i32>} : memref<64x320xi32, #tpu.memory_space<vmem>>, vector<1x16xi32>,
      %get3A_162 = arith.index_cast %scan3A_66 : i32 to index
      %get3A_163 = arith.constant 112 : index
      %get3A_164 = tpu.vector_load %arg10[%get3A_162, %get3A_163] {strides = array<i32>} : memref<64x320xi32, #tpu.memory_space<vmem>>, vector<1x16xi32>,
      %get3A_165 = vector.shape_cast %get3A_164 : vector<1x16xi32> to vector<16xi32>
      %get3A_166 = arith.index_cast %scan3A_66 : i32 to index
      %get3A_167 = arith.constant 112 : index
      %get3A_168 = tpu.vector_load %arg11[%get3A_166, %get3A_167] {strides = array<i32>} : memref<64x320xi32, #tpu.memory_space<vmem>>, vector<1x16xi32>,
      %get3A_169 = vector.shape_cast %get3A_168 : vector<1x16xi32> to vector<16xi32>
      %and3A_170 = arith.andi %get3A_165, %get3A_169 : vector<16xi32>
      %swap3A_171 = arith.index_cast %scan3A_66 : i32 to index
      %swap3A_172 = arith.constant 112 : index
      %swap3A_173 = tpu.vector_load %arg10[%swap3A_171, %swap3A_172] {strides = array<i32>} : memref<64x320xi32, #tpu.memory_space<vmem>>, vector<1x16xi32>,
      %swap3A_174 = vector.shape_cast %swap3A_173 : vector<1x16xi32> to vector<16xi32>
      %swap3A_175 = vector.shape_cast %and3A_170 : vector<16xi32> to vector<1x16xi32>
      tpu.vector_store %arg10[%swap3A_171, %swap3A_172], %swap3A_175 {strides = array<i32>} : memref<64x320xi32, #tpu.memory_space<vmem>>, vector<1x16xi32>,
      %get3A_176 = arith.index_cast %scan3A_66 : i32 to index
      %get3A_177 = arith.constant 128 : index
      %get3A_178 = tpu.vector_load %arg10[%get3A_176, %get3A_177] {strides = array<i32>} : memref<64x320xi32, #tpu.memory_space<vmem>>, vector<1x16xi32>,
      %get3A_179 = vector.shape_cast %get3A_178 : vector<1x16xi32> to vector<16xi32>
      %get3A_180 = arith.index_cast %scan3A_66 : i32 to index
      %get3A_181 = arith.constant 128 : index
      %get3A_182 = tpu.vector_load %arg11[%get3A_180, %get3A_181] {strides = array<i32>} : memref<64x320xi32, #tpu.memory_space<vmem>>, vector<1x16xi32>,
      %get3A_183 = vector.shape_cast %get3A_182 : vector<1x16xi32> to vector<16xi32>
      %and3A_184 = arith.andi %get3A_179, %get3A_183 : vector<16xi32>
      %swap3A_185 = arith.index_cast %scan3A_66 : i32 to index
      %swap3A_186 = arith.constant 128 : index
      %swap3A_187 = tpu.vector_load %arg10[%swap3A_185, %swap3A_186] {strides = array<i32>} : memref<64x320xi32, #tpu.memory_space<vmem>>, vector<1x16xi32>,
      %swap3A_188 = vector.shape_cast %swap3A_187 : vector<1x16xi32> to vector<16xi32>
      %swap3A_189 = vector.shape_cast %and3A_184 : vector<16xi32> to vector<1x16xi32>
      tpu.vector_store %arg10[%swap3A_185, %swap3A_186], %swap3A_189 {strides = array<i32>} : memref<64x320xi32, #tpu.memory_space<vmem>>, vector<1x16xi32>,
      %get3A_190 = arith.index_cast %scan3A_66 : i32 to index
      %get3A_191 = arith.constant 144 : index
      %get3A_192 = tpu.vector_load %arg10[%get3A_190, %get3A_191] {strides = array<i32>} : memref<64x320xi32, #tpu.memory_space<vmem>>, vector<1x16xi32>,
      %get3A_193 = vector.shape_cast %get3A_192 : vector<1x16xi32> to vector<16xi32>
      %get3A_194 = arith.index_cast %scan3A_66 : i32 to index
      %get3A_195 = arith.constant 144 : index
      %get3A_196 = tpu.vector_load %arg11[%get3A_194, %get3A_195] {strides = array<i32>} : memref<64x320xi32, #tpu.memory_space<vmem>>, vector<1x16xi32>,
      %get3A_197 = vector.shape_cast %get3A_196 : vector<1x16xi32> to vector<16xi32>
      %and3A_198 = arith.andi %get3A_193, %get3A_197 : vector<16xi32>
      %swap3A_199 = arith.index_cast %scan3A_66 : i32 to index
      %swap3A_200 = arith.constant 144 : index
      %swap3A_201 = tpu.vector_load %arg10[%swap3A_199, %swap3A_200] {strides = array<i32>} : memref<64x320xi32, #tpu.memory_space<vmem>>, vector<1x16xi32>,
      %swap3A_202 = vector.shape_cast %swap3A_201 : vector<1x16xi32> to vector<16xi32>
      %swap3A_203 = vector.shape_cast %and3A_198 : vector<16xi32> to vector<1x16xi32>
      tpu.vector_store %arg10[%swap3A_199, %swap3A_200], %swap3A_203 {strides = array<i32>} : memref<64x320xi32, #tpu.memory_space<vmem>>, vector<1x16xi32>,
      %get3A_204 = arith.index_cast %scan3A_66 : i32 to index
      %get3A_205 = arith.constant 160 : index
      %get3A_206 = tpu.vector_load %arg10[%get3A_204, %get3A_205] {strides = array<i32>} : memref<64x320xi32, #tpu.memory_space<vmem>>, vector<1x16xi32>,
      %get3A_207 = vector.shape_cast %get3A_206 : vector<1x16xi32> to vector<16xi32>
      %get3A_208 = arith.index_cast %scan3A_66 : i32 to index
      %get3A_209 = arith.constant 160 : index
      %get3A_210 = tpu.vector_load %arg11[%get3A_208, %get3A_209] {strides = array<i32>} : memref<64x320xi32, #tpu.memory_space<vmem>>, vector<1x16xi32>,
      %get3A_211 = vector.shape_cast %get3A_210 : vector<1x16xi32> to vector<16xi32>
      %and3A_212 = arith.andi %get3A_207, %get3A_211 : vector<16xi32>
      %swap3A_213 = arith.index_cast %scan3A_66 : i32 to index
      %swap3A_214 = arith.constant 160 : index
      %swap3A_215 = tpu.vector_load %arg10[%swap3A_213, %swap3A_214] {strides = array<i32>} : memref<64x320xi32, #tpu.memory_space<vmem>>, vector<1x16xi32>,
      %swap3A_216 = vector.shape_cast %swap3A_215 : vector<1x16xi32> to vector<16xi32>
      %swap3A_217 = vector.shape_cast %and3A_212 : vector<16xi32> to vector<1x16xi32>
      tpu.vector_store %arg10[%swap3A_213, %swap3A_214], %swap3A_217 {strides = array<i32>} : memref<64x320xi32, #tpu.memory_space<vmem>>, vector<1x16xi32>,
      %get3A_218 = arith.index_cast %scan3A_66 : i32 to index
      %get3A_219 = arith.constant 176 : index
      %get3A_220 = tpu.vector_load %arg10[%get3A_218, %get3A_219] {strides = array<i32>} : memref<64x320xi32, #tpu.memory_space<vmem>>, vector<1x16xi32>,
      %get3A_221 = vector.shape_cast %get3A_220 : vector<1x16xi32> to vector<16xi32>
      %get3A_222 = arith.index_cast %scan3A_66 : i32 to index
      %get3A_223 = arith.constant 176 : index
      %get3A_224 = tpu.vector_load %arg11[%get3A_222, %get3A_223] {strides = array<i32>} : memref<64x320xi32, #tpu.memory_space<vmem>>, vector<1x16xi32>,
      %get3A_225 = vector.shape_cast %get3A_224 : vector<1x16xi32> to vector<16xi32>
      %and3A_226 = arith.andi %get3A_221, %get3A_225 : vector<16xi32>
      %swap3A_227 = arith.index_cast %scan3A_66 : i32 to index
      %swap3A_228 = arith.constant 176 : index
      %swap3A_229 = tpu.vector_load %arg10[%swap3A_227, %swap3A_228] {strides = array<i32>} : memref<64x320xi32, #tpu.memory_space<vmem>>, vector<1x16xi32>,
      %swap3A_230 = vector.shape_cast %swap3A_229 : vector<1x16xi32> to vector<16xi32>
      %swap3A_231 = vector.shape_cast %and3A_226 : vector<16xi32> to vector<1x16xi32>
      tpu.vector_store %arg10[%swap3A_227, %swap3A_228], %swap3A_231 {strides = array<i32>} : memref<64x320xi32, #tpu.memory_space<vmem>>, vector<1x16xi32>,
      %get3A_232 = arith.index_cast %scan3A_66 : i32 to index
      %get3A_233 = arith.constant 192 : index
      %get3A_234 = tpu.vector_load %arg10[%get3A_232, %get3A_233] {strides = array<i32>} : memref<64x320xi32, #tpu.memory_space<vmem>>, vector<1x16xi32>,
      %get3A_235 = vector.shape_cast %get3A_234 : vector<1x16xi32> to vector<16xi32>
      %get3A_236 = arith.index_cast %scan3A_66 : i32 to index
      %get3A_237 = arith.constant 192 : index
      %get3A_238 = tpu.vector_load %arg11[%get3A_236, %get3A_237] {strides = array<i32>} : memref<64x320xi32, #tpu.memory_space<vmem>>, vector<1x16xi32>,
      %get3A_239 = vector.shape_cast %get3A_238 : vector<1x16xi32> to vector<16xi32>
      %and3A_240 = arith.andi %get3A_235, %get3A_239 : vector<16xi32>
      %swap3A_241 = arith.index_cast %scan3A_66 : i32 to index
      %swap3A_242 = arith.constant 192 : index
      %swap3A_243 = tpu.vector_load %arg10[%swap3A_241, %swap3A_242] {strides = array<i32>} : memref<64x320xi32, #tpu.memory_space<vmem>>, vector<1x16xi32>,
      %swap3A_244 = vector.shape_cast %swap3A_243 : vector<1x16xi32> to vector<16xi32>
      %swap3A_245 = vector.shape_cast %and3A_240 : vector<16xi32> to vector<1x16xi32>
      tpu.vector_store %arg10[%swap3A_241, %swap3A_242], %swap3A_245 {strides = array<i32>} : memref<64x320xi32, #tpu.memory_space<vmem>>, vector<1x16xi32>,
      %get3A_246 = arith.index_cast %scan3A_66 : i32 to index
      %get3A_247 = arith.constant 208 : index
      %get3A_248 = tpu.vector_load %arg10[%get3A_246, %get3A_247] {strides = array<i32>} : memref<64x320xi32, #tpu.memory_space<vmem>>, vector<1x16xi32>,
      %get3A_249 = vector.shape_cast %get3A_248 : vector<1x16xi32> to vector<16xi32>
      %get3A_250 = arith.index_cast %scan3A_66 : i32 to index
      %get3A_251 = arith.constant 208 : index
      %get3A_252 = tpu.vector_load %arg11[%get3A_250, %get3A_251] {strides = array<i32>} : memref<64x320xi32, #tpu.memory_space<vmem>>, vector<1x16xi32>,
      %get3A_253 = vector.shape_cast %get3A_252 : vector<1x16xi32> to vector<16xi32>
      %and3A_254 = arith.andi %get3A_249, %get3A_253 : vector<16xi32>
      %swap3A_255 = arith.index_cast %scan3A_66 : i32 to index
      %swap3A_256 = arith.constant 208 : index
      %swap3A_257 = tpu.vector_load %arg10[%swap3A_255, %swap3A_256] {strides = array<i32>} : memref<64x320xi32, #tpu.memory_space<vmem>>, vector<1x16xi32>,
      %swap3A_258 = vector.shape_cast %swap3A_257 : vector<1x16xi32> to vector<16xi32>
      %swap3A_259 = vector.shape_cast %and3A_254 : vector<16xi32> to vector<1x16xi32>
      tpu.vector_store %arg10[%swap3A_255, %swap3A_256], %swap3A_259 {strides = array<i32>} : memref<64x320xi32, #tpu.memory_space<vmem>>, vector<1x16xi32>,
      %get3A_260 = arith.index_cast %scan3A_66 : i32 to index
      %get3A_261 = arith.constant 224 : index
      %get3A_262 = tpu.vector_load %arg10[%get3A_260, %get3A_261] {strides = array<i32>} : memref<64x320xi32, #tpu.memory_space<vmem>>, vector<1x16xi32>,
      %get3A_263 = vector.shape_cast %get3A_262 : vector<1x16xi32> to vector<16xi32>
      %get3A_264 = arith.index_cast %scan3A_66 : i32 to index
      %get3A_265 = arith.constant 224 : index
      %get3A_266 = tpu.vector_load %arg11[%get3A_264, %get3A_265] {strides = array<i32>} : memref<64x320xi32, #tpu.memory_space<vmem>>, vector<1x16xi32>,
      %get3A_267 = vector.shape_cast %get3A_266 : vector<1x16xi32> to vector<16xi32>
      %and3A_268 = arith.andi %get3A_263, %get3A_267 : vector<16xi32>
      %swap3A_269 = arith.index_cast %scan3A_66 : i32 to index
      %swap3A_270 = arith.constant 224 : index
      %swap3A_271 = tpu.vector_load %arg10[%swap3A_269, %swap3A_270] {strides = array<i32>} : memref<64x320xi32, #tpu.memory_space<vmem>>, vector<1x16xi32>,
      %swap3A_272 = vector.shape_cast %swap3A_271 : vector<1x16xi32> to vector<16xi32>
      %swap3A_273 = vector.shape_cast %and3A_268 : vector<16xi32> to vector<1x16xi32>
      tpu.vector_store %arg10[%swap3A_269, %swap3A_270], %swap3A_273 {strides = array<i32>} : memref<64x320xi32, #tpu.memory_space<vmem>>, vector<1x16xi32>,
      %get3A_274 = arith.index_cast %scan3A_66 : i32 to index
      %get3A_275 = arith.constant 240 : index
      %get3A_276 = tpu.vector_load %arg10[%get3A_274, %get3A_275] {strides = array<i32>} : memref<64x320xi32, #tpu.memory_space<vmem>>, vector<1x16xi32>,
      %get3A_277 = vector.shape_cast %get3A_276 : vector<1x16xi32> to vector<16xi32>
      %get3A_278 = arith.index_cast %scan3A_66 : i32 to index
      %get3A_279 = arith.constant 240 : index
      %get3A_280 = tpu.vector_load %arg11[%get3A_278, %get3A_279] {strides = array<i32>} : memref<64x320xi32, #tpu.memory_space<vmem>>, vector<1x16xi32>,
      %get3A_281 = vector.shape_cast %get3A_280 : vector<1x16xi32> to vector<16xi32>
      %and3A_282 = arith.andi %get3A_277, %get3A_281 : vector<16xi32>
      %swap3A_283 = arith.index_cast %scan3A_66 : i32 to index
      %swap3A_284 = arith.constant 240 : index
      %swap3A_285 = tpu.vector_load %arg10[%swap3A_283, %swap3A_284] {strides = array<i32>} : memref<64x320xi32, #tpu.memory_space<vmem>>, vector<1x16xi32>,
      %swap3A_286 = vector.shape_cast %swap3A_285 : vector<1x16xi32> to vector<16xi32>
      %swap3A_287 = vector.shape_cast %and3A_282 : vector<16xi32> to vector<1x16xi32>
      tpu.vector_store %arg10[%swap3A_283, %swap3A_284], %swap3A_287 {strides = array<i32>} : memref<64x320xi32, #tpu.memory_space<vmem>>, vector<1x16xi32>,
      %get3A_288 = arith.index_cast %scan3A_66 : i32 to index
      %get3A_289 = arith.constant 256 : index
      %get3A_290 = tpu.vector_load %arg10[%get3A_288, %get3A_289] {strides = array<i32>} : memref<64x320xi32, #tpu.memory_space<vmem>>, vector<1x16xi32>,
      %get3A_291 = vector.shape_cast %get3A_290 : vector<1x16xi32> to vector<16xi32>
      %get3A_292 = arith.index_cast %scan3A_66 : i32 to index
      %get3A_293 = arith.constant 256 : index
      %get3A_294 = tpu.vector_load %arg11[%get3A_292, %get3A_293] {strides = array<i32>} : memref<64x320xi32, #tpu.memory_space<vmem>>, vector<1x16xi32>,
      %get3A_295 = vector.shape_cast %get3A_294 : vector<1x16xi32> to vector<16xi32>
      %and3A_296 = arith.andi %get3A_291, %get3A_295 : vector<16xi32>
      %swap3A_297 = arith.index_cast %scan3A_66 : i32 to index
      %swap3A_298 = arith.constant 256 : index
      %swap3A_299 = tpu.vector_load %arg10[%swap3A_297, %swap3A_298] {strides = array<i32>} : memref<64x320xi32, #tpu.memory_space<vmem>>, vector<1x16xi32>,
      %swap3A_300 = vector.shape_cast %swap3A_299 : vector<1x16xi32> to vector<16xi32>
      %swap3A_301 = vector.shape_cast %and3A_296 : vector<16xi32> to vector<1x16xi32>
      tpu.vector_store %arg10[%swap3A_297, %swap3A_298], %swap3A_301 {strides = array<i32>} : memref<64x320xi32, #tpu.memory_space<vmem>>, vector<1x16xi32>,
      %get3A_302 = arith.index_cast %scan3A_66 : i32 to index
      %get3A_303 = arith.constant 272 : index
      %get3A_304 = tpu.vector_load %arg10[%get3A_302, %get3A_303] {strides = array<i32>} : memref<64x320xi32, #tpu.memory_space<vmem>>, vector<1x16xi32>,
      %get3A_305 = vector.shape_cast %get3A_304 : vector<1x16xi32> to vector<16xi32>
      %get3A_306 = arith.index_cast %scan3A_66 : i32 to index
      %get3A_307 = arith.constant 272 : index
      %get3A_308 = tpu.vector_load %arg11[%get3A_306, %get3A_307] {strides = array<i32>} : memref<64x320xi32, #tpu.memory_space<vmem>>, vector<1x16xi32>,
      %get3A_309 = vector.shape_cast %get3A_308 : vector<1x16xi32> to vector<16xi32>
      %and3A_310 = arith.andi %get3A_305, %get3A_309 : vector<16xi32>
      %swap3A_311 = arith.index_cast %scan3A_66 : i32 to index
      %swap3A_312 = arith.constant 272 : index
      %swap3A_313 = tpu.vector_load %arg10[%swap3A_311, %swap3A_312] {strides = array<i32>} : memref<64x320xi32, #tpu.memory_space<vmem>>, vector<1x16xi32>,
      %swap3A_314 = vector.shape_cast %swap3A_313 : vector<1x16xi32> to vector<16xi32>
      %swap3A_315 = vector.shape_cast %and3A_310 : vector<16xi32> to vector<1x16xi32>
      tpu.vector_store %arg10[%swap3A_311, %swap3A_312], %swap3A_315 {strides = array<i32>} : memref<64x320xi32, #tpu.memory_space<vmem>>, vector<1x16xi32>,
      %get3A_316 = arith.index_cast %scan3A_66 : i32 to index
      %get3A_317 = arith.constant 288 : index
      %get3A_318 = tpu.vector_load %arg10[%get3A_316, %get3A_317] {strides = array<i32>} : memref<64x320xi32, #tpu.memory_space<vmem>>, vector<1x16xi32>,
      %get3A_319 = vector.shape_cast %get3A_318 : vector<1x16xi32> to vector<16xi32>
      %get3A_320 = arith.index_cast %scan3A_66 : i32 to index
      %get3A_321 = arith.constant 288 : index
      %get3A_322 = tpu.vector_load %arg11[%get3A_320, %get3A_321] {strides = array<i32>} : memref<64x320xi32, #tpu.memory_space<vmem>>, vector<1x16xi32>,
      %get3A_323 = vector.shape_cast %get3A_322 : vector<1x16xi32> to vector<16xi32>
      %and3A_324 = arith.andi %get3A_319, %get3A_323 : vector<16xi32>
      %swap3A_325 = arith.index_cast %scan3A_66 : i32 to index
      %swap3A_326 = arith.constant 288 : index
      %swap3A_327 = tpu.vector_load %arg10[%swap3A_325, %swap3A_326] {strides = array<i32>} : memref<64x320xi32, #tpu.memory_space<vmem>>, vector<1x16xi32>,
      %swap3A_328 = vector.shape_cast %swap3A_327 : vector<1x16xi32> to vector<16xi32>
      %swap3A_329 = vector.shape_cast %and3A_324 : vector<16xi32> to vector<1x16xi32>
      tpu.vector_store %arg10[%swap3A_325, %swap3A_326], %swap3A_329 {strides = array<i32>} : memref<64x320xi32, #tpu.memory_space<vmem>>, vector<1x16xi32>,
      %get3A_330 = arith.index_cast %scan3A_66 : i32 to index
      %get3A_331 = arith.constant 304 : index
      %get3A_332 = tpu.vector_load %arg10[%get3A_330, %get3A_331] {strides = array<i32>} : memref<64x320xi32, #tpu.memory_space<vmem>>, vector<1x16xi32>,
      %get3A_333 = vector.shape_cast %get3A_332 : vector<1x16xi32> to vector<16xi32>
      %get3A_334 = arith.index_cast %scan3A_66 : i32 to index
      %get3A_335 = arith.constant 304 : index
      %get3A_336 = tpu.vector_load %arg11[%get3A_334, %get3A_335] {strides = array<i32>} : memref<64x320xi32, #tpu.memory_space<vmem>>, vector<1x16xi32>,
      %get3A_337 = vector.shape_cast %get3A_336 : vector<1x16xi32> to vector<16xi32>
      %and3A_338 = arith.andi %get3A_333, %get3A_337 : vector<16xi32>
      %swap3A_339 = arith.index_cast %scan3A_66 : i32 to index
      %swap3A_340 = arith.constant 304 : index
      %swap3A_341 = tpu.vector_load %arg10[%swap3A_339, %swap3A_340] {strides = array<i32>} : memref<64x320xi32, #tpu.memory_space<vmem>>, vector<1x16xi32>,
      %swap3A_342 = vector.shape_cast %swap3A_341 : vector<1x16xi32> to vector<16xi32>
      %swap3A_343 = vector.shape_cast %and3A_338 : vector<16xi32> to vector<1x16xi32>
      tpu.vector_store %arg10[%swap3A_339, %swap3A_340], %swap3A_343 {strides = array<i32>} : memref<64x320xi32, #tpu.memory_space<vmem>>, vector<1x16xi32>,
      %get3A_344 = arith.index_cast %scan3A_66 : i32 to index
      %get3A_345 = arith.constant 0 : index
      %get3A_346 = tpu.vector_load %arg12[%get3A_344, %get3A_345] {strides = array<i32>} : memref<64x128xf32, #tpu.memory_space<vmem>>, vector<1x16xf32>,
      %get3A_347 = vector.shape_cast %get3A_346 : vector<1x16xf32> to vector<16xf32>
      %get3A_348 = arith.index_cast %scan3A_66 : i32 to index
      %get3A_349 = arith.constant 0 : index
      %get3A_350 = tpu.vector_load %arg13[%get3A_348, %get3A_349] {strides = array<i32>} : memref<64x128xf32, #tpu.memory_space<vmem>>, vector<1x16xf32>,
      %get3A_351 = vector.shape_cast %get3A_350 : vector<1x16xf32> to vector<16xf32>
      %mul3A_352 = arith.mulf %get3A_347, %get3A_351 : vector<16xf32>
      %swap3A_353 = arith.index_cast %scan3A_66 : i32 to index
      %swap3A_354 = arith.constant 0 : index
      %swap3A_355 = tpu.vector_load %arg12[%swap3A_353, %swap3A_354] {strides = array<i32>} : memref<64x128xf32, #tpu.memory_space<vmem>>, vector<1x16xf32>,
      %swap3A_356 = vector.shape_cast %swap3A_355 : vector<1x16xf32> to vector<16xf32>
      %swap3A_357 = vector.shape_cast %mul3A_352 : vector<16xf32> to vector<1x16xf32>
      tpu.vector_store %arg12[%swap3A_353, %swap3A_354], %swap3A_357 {strides = array<i32>} : memref<64x128xf32, #tpu.memory_space<vmem>>, vector<1x16xf32>,
      %get3A_358 = arith.index_cast %scan3A_66 : i32 to index
      %get3A_359 = arith.constant 16 : index
      %get3A_360 = tpu.vector_load %arg12[%get3A_358, %get3A_359] {strides = array<i32>} : memref<64x128xf32, #tpu.memory_space<vmem>>, vector<1x16xf32>,
      %get3A_361 = vector.shape_cast %get3A_360 : vector<1x16xf32> to vector<16xf32>
      %get3A_362 = arith.index_cast %scan3A_66 : i32 to index
      %get3A_363 = arith.constant 16 : index
      %get3A_364 = tpu.vector_load %arg13[%get3A_362, %get3A_363] {strides = array<i32>} : memref<64x128xf32, #tpu.memory_space<vmem>>, vector<1x16xf32>,
      %get3A_365 = vector.shape_cast %get3A_364 : vector<1x16xf32> to vector<16xf32>
      %mul3A_366 = arith.mulf %get3A_361, %get3A_365 : vector<16xf32>
      %swap3A_367 = arith.index_cast %scan3A_66 : i32 to index
      %swap3A_368 = arith.constant 16 : index
      %swap3A_369 = tpu.vector_load %arg12[%swap3A_367, %swap3A_368] {strides = array<i32>} : memref<64x128xf32, #tpu.memory_space<vmem>>, vector<1x16xf32>,
      %swap3A_370 = vector.shape_cast %swap3A_369 : vector<1x16xf32> to vector<16xf32>
      %swap3A_371 = vector.shape_cast %mul3A_366 : vector<16xf32> to vector<1x16xf32>
      tpu.vector_store %arg12[%swap3A_367, %swap3A_368], %swap3A_371 {strides = array<i32>} : memref<64x128xf32, #tpu.memory_space<vmem>>, vector<1x16xf32>,
      %get3A_372 = arith.index_cast %scan3A_66 : i32 to index
      %get3A_373 = arith.constant 32 : index
      %get3A_374 = tpu.vector_load %arg12[%get3A_372, %get3A_373] {strides = array<i32>} : memref<64x128xf32, #tpu.memory_space<vmem>>, vector<1x16xf32>,
      %get3A_375 = vector.shape_cast %get3A_374 : vector<1x16xf32> to vector<16xf32>
      %get3A_376 = arith.index_cast %scan3A_66 : i32 to index
      %get3A_377 = arith.constant 32 : index
      %get3A_378 = tpu.vector_load %arg13[%get3A_376, %get3A_377] {strides = array<i32>} : memref<64x128xf32, #tpu.memory_space<vmem>>, vector<1x16xf32>,
      %get3A_379 = vector.shape_cast %get3A_378 : vector<1x16xf32> to vector<16xf32>
      %mul3A_380 = arith.mulf %get3A_375, %get3A_379 : vector<16xf32>
      %swap3A_381 = arith.index_cast %scan3A_66 : i32 to index
      %swap3A_382 = arith.constant 32 : index
      %swap3A_383 = tpu.vector_load %arg12[%swap3A_381, %swap3A_382] {strides = array<i32>} : memref<64x128xf32, #tpu.memory_space<vmem>>, vector<1x16xf32>,
      %swap3A_384 = vector.shape_cast %swap3A_383 : vector<1x16xf32> to vector<16xf32>
      %swap3A_385 = vector.shape_cast %mul3A_380 : vector<16xf32> to vector<1x16xf32>
      tpu.vector_store %arg12[%swap3A_381, %swap3A_382], %swap3A_385 {strides = array<i32>} : memref<64x128xf32, #tpu.memory_space<vmem>>, vector<1x16xf32>,
      %get3A_386 = arith.index_cast %scan3A_66 : i32 to index
      %get3A_387 = arith.constant 48 : index
      %get3A_388 = tpu.vector_load %arg12[%get3A_386, %get3A_387] {strides = array<i32>} : memref<64x128xf32, #tpu.memory_space<vmem>>, vector<1x16xf32>,
      %get3A_389 = vector.shape_cast %get3A_388 : vector<1x16xf32> to vector<16xf32>
      %get3A_390 = arith.index_cast %scan3A_66 : i32 to index
      %get3A_391 = arith.constant 48 : index
      %get3A_392 = tpu.vector_load %arg13[%get3A_390, %get3A_391] {strides = array<i32>} : memref<64x128xf32, #tpu.memory_space<vmem>>, vector<1x16xf32>,
      %get3A_393 = vector.shape_cast %get3A_392 : vector<1x16xf32> to vector<16xf32>
      %mul3A_394 = arith.mulf %get3A_389, %get3A_393 : vector<16xf32>
      %swap3A_395 = arith.index_cast %scan3A_66 : i32 to index
      %swap3A_396 = arith.constant 48 : index
      %swap3A_397 = tpu.vector_load %arg12[%swap3A_395, %swap3A_396] {strides = array<i32>} : memref<64x128xf32, #tpu.memory_space<vmem>>, vector<1x16xf32>,
      %swap3A_398 = vector.shape_cast %swap3A_397 : vector<1x16xf32> to vector<16xf32>
      %swap3A_399 = vector.shape_cast %mul3A_394 : vector<16xf32> to vector<1x16xf32>
      tpu.vector_store %arg12[%swap3A_395, %swap3A_396], %swap3A_399 {strides = array<i32>} : memref<64x128xf32, #tpu.memory_space<vmem>>, vector<1x16xf32>,
      %get3A_400 = arith.index_cast %scan3A_66 : i32 to index
      %get3A_401 = arith.constant 64 : index
      %get3A_402 = tpu.vector_load %arg12[%get3A_400, %get3A_401] {strides = array<i32>} : memref<64x128xf32, #tpu.memory_space<vmem>>, vector<1x16xf32>,
      %get3A_403 = vector.shape_cast %get3A_402 : vector<1x16xf32> to vector<16xf32>
      %get3A_404 = arith.index_cast %scan3A_66 : i32 to index
      %get3A_405 = arith.constant 64 : index
      %get3A_406 = tpu.vector_load %arg13[%get3A_404, %get3A_405] {strides = array<i32>} : memref<64x128xf32, #tpu.memory_space<vmem>>, vector<1x16xf32>,
      %get3A_407 = vector.shape_cast %get3A_406 : vector<1x16xf32> to vector<16xf32>
      %mul3A_408 = arith.mulf %get3A_403, %get3A_407 : vector<16xf32>
      %swap3A_409 = arith.index_cast %scan3A_66 : i32 to index
      %swap3A_410 = arith.constant 64 : index
      %swap3A_411 = tpu.vector_load %arg12[%swap3A_409, %swap3A_410] {strides = array<i32>} : memref<64x128xf32, #tpu.memory_space<vmem>>, vector<1x16xf32>,
      %swap3A_412 = vector.shape_cast %swap3A_411 : vector<1x16xf32> to vector<16xf32>
      %swap3A_413 = vector.shape_cast %mul3A_408 : vector<16xf32> to vector<1x16xf32>
      tpu.vector_store %arg12[%swap3A_409, %swap3A_410], %swap3A_413 {strides = array<i32>} : memref<64x128xf32, #tpu.memory_space<vmem>>, vector<1x16xf32>,
      %get3A_414 = arith.index_cast %scan3A_66 : i32 to index
      %get3A_415 = arith.constant 80 : index
      %get3A_416 = tpu.vector_load %arg12[%get3A_414, %get3A_415] {strides = array<i32>} : memref<64x128xf32, #tpu.memory_space<vmem>>, vector<1x16xf32>,
      %get3A_417 = vector.shape_cast %get3A_416 : vector<1x16xf32> to vector<16xf32>
      %get3A_418 = arith.index_cast %scan3A_66 : i32 to index
      %get3A_419 = arith.constant 80 : index
      %get3A_420 = tpu.vector_load %arg13[%get3A_418, %get3A_419] {strides = array<i32>} : memref<64x128xf32, #tpu.memory_space<vmem>>, vector<1x16xf32>,
      %get3A_421 = vector.shape_cast %get3A_420 : vector<1x16xf32> to vector<16xf32>
      %mul3A_422 = arith.mulf %get3A_417, %get3A_421 : vector<16xf32>
      %swap3A_423 = arith.index_cast %scan3A_66 : i32 to index
      %swap3A_424 = arith.constant 80 : index
      %swap3A_425 = tpu.vector_load %arg12[%swap3A_423, %swap3A_424] {strides = array<i32>} : memref<64x128xf32, #tpu.memory_space<vmem>>, vector<1x16xf32>,
      %swap3A_426 = vector.shape_cast %swap3A_425 : vector<1x16xf32> to vector<16xf32>
      %swap3A_427 = vector.shape_cast %mul3A_422 : vector<16xf32> to vector<1x16xf32>
      tpu.vector_store %arg12[%swap3A_423, %swap3A_424], %swap3A_427 {strides = array<i32>} : memref<64x128xf32, #tpu.memory_space<vmem>>, vector<1x16xf32>,
      %get3A_428 = arith.index_cast %scan3A_66 : i32 to index
      %get3A_429 = arith.constant 96 : index
      %get3A_430 = tpu.vector_load %arg12[%get3A_428, %get3A_429] {strides = array<i32>} : memref<64x128xf32, #tpu.memory_space<vmem>>, vector<1x16xf32>,
      %get3A_431 = vector.shape_cast %get3A_430 : vector<1x16xf32> to vector<16xf32>
      %get3A_432 = arith.index_cast %scan3A_66 : i32 to index
      %get3A_433 = arith.constant 96 : index
      %get3A_434 = tpu.vector_load %arg13[%get3A_432, %get3A_433] {strides = array<i32>} : memref<64x128xf32, #tpu.memory_space<vmem>>, vector<1x16xf32>,
      %get3A_435 = vector.shape_cast %get3A_434 : vector<1x16xf32> to vector<16xf32>
      %mul3A_436 = arith.mulf %get3A_431, %get3A_435 : vector<16xf32>
      %swap3A_437 = arith.index_cast %scan3A_66 : i32 to index
      %swap3A_438 = arith.constant 96 : index
      %swap3A_439 = tpu.vector_load %arg12[%swap3A_437, %swap3A_438] {strides = array<i32>} : memref<64x128xf32, #tpu.memory_space<vmem>>, vector<1x16xf32>,
      %swap3A_440 = vector.shape_cast %swap3A_439 : vector<1x16xf32> to vector<16xf32>
      %swap3A_441 = vector.shape_cast %mul3A_436 : vector<16xf32> to vector<1x16xf32>
      tpu.vector_store %arg12[%swap3A_437, %swap3A_438], %swap3A_441 {strides = array<i32>} : memref<64x128xf32, #tpu.memory_space<vmem>>, vector<1x16xf32>,
      %get3A_442 = arith.index_cast %scan3A_66 : i32 to index
      %get3A_443 = arith.constant 112 : index
      %get3A_444 = tpu.vector_load %arg12[%get3A_442, %get3A_443] {strides = array<i32>} : memref<64x128xf32, #tpu.memory_space<vmem>>, vector<1x16xf32>,
      %get3A_445 = vector.shape_cast %get3A_444 : vector<1x16xf32> to vector<16xf32>
      %get3A_446 = arith.index_cast %scan3A_66 : i32 to index
      %get3A_447 = arith.constant 112 : index
      %get3A_448 = tpu.vector_load %arg13[%get3A_446, %get3A_447] {strides = array<i32>} : memref<64x128xf32, #tpu.memory_space<vmem>>, vector<1x16xf32>,
      %get3A_449 = vector.shape_cast %get3A_448 : vector<1x16xf32> to vector<16xf32>
      %mul3A_450 = arith.mulf %get3A_445, %get3A_449 : vector<16xf32>
      %swap3A_451 = arith.index_cast %scan3A_66 : i32 to index
      %swap3A_452 = arith.constant 112 : index
      %swap3A_453 = tpu.vector_load %arg12[%swap3A_451, %swap3A_452] {strides = array<i32>} : memref<64x128xf32, #tpu.memory_space<vmem>>, vector<1x16xf32>,
      %swap3A_454 = vector.shape_cast %swap3A_453 : vector<1x16xf32> to vector<16xf32>
      %swap3A_455 = vector.shape_cast %mul3A_450 : vector<16xf32> to vector<1x16xf32>
      tpu.vector_store %arg12[%swap3A_451, %swap3A_452], %swap3A_455 {strides = array<i32>} : memref<64x128xf32, #tpu.memory_space<vmem>>, vector<1x16xf32>,
    }
    %scan3A_65 = arith.constant 64 : i32
    "tpu.region"() ({
      %run_scoped3A = tpu.sem_alloc : memref<!tpu.dma_semaphore, #tpu.memory_space<semaphore_mem>>
      %dma_start3A_66 = arith.constant 0 : i32
      %dma_start3A_67 = tpu.memref_slice %arg6[%add3A_35, %dma_start3A_66] : memref<4096x320xi32, #tpu.memory_space<hbm>> -> memref<64x320xi32, #tpu.memory_space<hbm>>
      %dma_start3A_68 = arith.constant 0 : i32
      %dma_start3A_69 = tpu.memref_slice %arg6[%add3A_35, %dma_start3A_68] : memref<4096x320xi32, #tpu.memory_space<hbm>> -> memref<64x320xi32, #tpu.memory_space<hbm>>
      tpu.enqueue_dma source(%arg10 : memref<64x320xi32, #tpu.memory_space<vmem>>) target(%dma_start3A_69 : memref<64x320xi32, #tpu.memory_space<hbm>>) target_semaphore(%run_scoped3A : memref<!tpu.dma_semaphore, #tpu.memory_space<semaphore_mem>>)
      %dma_wait3A_70 = arith.constant 0 : i32
      %dma_wait3A_71 = tpu.memref_slice %arg6[%add3A_35, %dma_wait3A_70] : memref<4096x320xi32, #tpu.memory_space<hbm>> -> memref<64x320xi32, #tpu.memory_space<hbm>>
      %dma_wait3A_72 = arith.constant 0 : i32
      %dma_wait3A_73 = tpu.memref_slice %arg6[%add3A_35, %dma_wait3A_72] : memref<4096x320xi32, #tpu.memory_space<hbm>> -> memref<64x320xi32, #tpu.memory_space<hbm>>
      tpu.wait_dma2 semaphore(%run_scoped3A : memref<!tpu.dma_semaphore, #tpu.memory_space<semaphore_mem>>) src(%arg10 : memref<64x320xi32, #tpu.memory_space<vmem>>) dst(%dma_wait3A_73 : memref<64x320xi32, #tpu.memory_space<hbm>>)
      tpu.yield
    }) : () -> ()
    "tpu.region"() ({
      %run_scoped3A = tpu.sem_alloc : memref<!tpu.dma_semaphore, #tpu.memory_space<semaphore_mem>>
      %dma_start3A_66 = arith.constant 0 : i32
      %dma_start3A_67 = tpu.memref_slice %arg7[%add3A_35, %dma_start3A_66] : memref<4096x128xf32, #tpu.memory_space<hbm>> -> memref<64x128xf32, #tpu.memory_space<hbm>>
      %dma_start3A_68 = arith.constant 0 : i32
      %dma_start3A_69 = tpu.memref_slice %arg7[%add3A_35, %dma_start3A_68] : memref<4096x128xf32, #tpu.memory_space<hbm>> -> memref<64x128xf32, #tpu.memory_space<hbm>>
      tpu.enqueue_dma source(%arg12 : memref<64x128xf32, #tpu.memory_space<vmem>>) target(%dma_start3A_69 : memref<64x128xf32, #tpu.memory_space<hbm>>) target_semaphore(%run_scoped3A : memref<!tpu.dma_semaphore, #tpu.memory_space<semaphore_mem>>)
      %dma_wait3A_70 = arith.constant 0 : i32
      %dma_wait3A_71 = tpu.memref_slice %arg7[%add3A_35, %dma_wait3A_70] : memref<4096x128xf32, #tpu.memory_space<hbm>> -> memref<64x128xf32, #tpu.memory_space<hbm>>
      %dma_wait3A_72 = arith.constant 0 : i32
      %dma_wait3A_73 = tpu.memref_slice %arg7[%add3A_35, %dma_wait3A_72] : memref<4096x128xf32, #tpu.memory_space<hbm>> -> memref<64x128xf32, #tpu.memory_space<hbm>>
      tpu.wait_dma2 semaphore(%run_scoped3A : memref<!tpu.dma_semaphore, #tpu.memory_space<semaphore_mem>>) src(%arg12 : memref<64x128xf32, #tpu.memory_space<vmem>>) dst(%dma_wait3A_73 : memref<64x128xf32, #tpu.memory_space<hbm>>)
      tpu.yield
    }) : () -> ()
    return
  }
}

#map = affine_map<(d0, d1) -> (0)>
module attributes {stable_mosaic.version = 14 : i64} {
  func.func @_sc_build_body(%arg0: i32, %arg1: i32, %arg2: memref<160256xi32, #tpu.memory_space<hbm>>, %arg3: memref<160256xi32, #tpu.memory_space<hbm>>, %arg4: memref<160256xi32, #tpu.memory_space<hbm>>, %arg5: memref<3200000xi32, #tpu.memory_space<hbm>>, %arg6: memref<10016xi32, #tpu.memory_space<vmem>>, %arg7: memref<10016xi32, #tpu.memory_space<vmem>>, %arg8: memref<10016xi32, #tpu.memory_space<vmem>>, %arg9: memref<10016xi32, #tpu.memory_space<vmem>>, %arg10: memref<10016xi32, #tpu.memory_space<vmem>>, %arg11: memref<10000xi32, #tpu.memory_space<vmem>>, %arg12: memref<800000xi32, #tpu.memory_space<vmem_shared>>) attributes {dimension_semantics = [#tpu.dimension_semantics<core_parallel>, #tpu.dimension_semantics<subcore_parallel>], iteration_bounds = array<i64: 2, 16>, scalar_prefetch = 0 : i64, scratch_operands = 7 : i64, tpu.core_type = #tpu.core_type<sc_vector_subcore>, window_params = [{transform_indices = #map}, {transform_indices = #map}, {transform_indices = #map}, {transform_indices = #map}]} {
    %mul3A = arith.constant 10016 : i32
    %mul3A_0 = arith.muli %arg1, %mul3A : i32
    "tpu.region"() ({
      %run_scoped3A = tpu.sem_alloc : memref<!tpu.dma_semaphore, #tpu.memory_space<semaphore_mem>>
      %dma_start3A = tpu.memref_slice %arg2[%mul3A_0] : memref<160256xi32, #tpu.memory_space<hbm>> -> memref<10016xi32, #tpu.memory_space<hbm>>
      %dma_start3A_184 = tpu.memref_slice %arg2[%mul3A_0] : memref<160256xi32, #tpu.memory_space<hbm>> -> memref<10016xi32, #tpu.memory_space<hbm>>
      tpu.enqueue_dma source(%dma_start3A_184 : memref<10016xi32, #tpu.memory_space<hbm>>) target(%arg6 : memref<10016xi32, #tpu.memory_space<vmem>>) target_semaphore(%run_scoped3A : memref<!tpu.dma_semaphore, #tpu.memory_space<semaphore_mem>>)
      %dma_wait3A = tpu.memref_slice %arg2[%mul3A_0] : memref<160256xi32, #tpu.memory_space<hbm>> -> memref<10016xi32, #tpu.memory_space<hbm>>
      %dma_wait3A_185 = tpu.memref_slice %arg2[%mul3A_0] : memref<160256xi32, #tpu.memory_space<hbm>> -> memref<10016xi32, #tpu.memory_space<hbm>>
      tpu.wait_dma2 semaphore(%run_scoped3A : memref<!tpu.dma_semaphore, #tpu.memory_space<semaphore_mem>>) src(%dma_wait3A_185 : memref<10016xi32, #tpu.memory_space<hbm>>) dst(%arg6 : memref<10016xi32, #tpu.memory_space<vmem>>)
      tpu.yield
    }) : () -> ()
    "tpu.region"() ({
      %run_scoped3A = tpu.sem_alloc : memref<!tpu.dma_semaphore, #tpu.memory_space<semaphore_mem>>
      %dma_start3A = tpu.memref_slice %arg3[%mul3A_0] : memref<160256xi32, #tpu.memory_space<hbm>> -> memref<10016xi32, #tpu.memory_space<hbm>>
      %dma_start3A_184 = tpu.memref_slice %arg3[%mul3A_0] : memref<160256xi32, #tpu.memory_space<hbm>> -> memref<10016xi32, #tpu.memory_space<hbm>>
      tpu.enqueue_dma source(%dma_start3A_184 : memref<10016xi32, #tpu.memory_space<hbm>>) target(%arg7 : memref<10016xi32, #tpu.memory_space<vmem>>) target_semaphore(%run_scoped3A : memref<!tpu.dma_semaphore, #tpu.memory_space<semaphore_mem>>)
      %dma_wait3A = tpu.memref_slice %arg3[%mul3A_0] : memref<160256xi32, #tpu.memory_space<hbm>> -> memref<10016xi32, #tpu.memory_space<hbm>>
      %dma_wait3A_185 = tpu.memref_slice %arg3[%mul3A_0] : memref<160256xi32, #tpu.memory_space<hbm>> -> memref<10016xi32, #tpu.memory_space<hbm>>
      tpu.wait_dma2 semaphore(%run_scoped3A : memref<!tpu.dma_semaphore, #tpu.memory_space<semaphore_mem>>) src(%dma_wait3A_185 : memref<10016xi32, #tpu.memory_space<hbm>>) dst(%arg7 : memref<10016xi32, #tpu.memory_space<vmem>>)
      tpu.yield
    }) : () -> ()
    "tpu.region"() ({
      %run_scoped3A = tpu.sem_alloc : memref<!tpu.dma_semaphore, #tpu.memory_space<semaphore_mem>>
      %dma_start3A = tpu.memref_slice %arg4[%mul3A_0] : memref<160256xi32, #tpu.memory_space<hbm>> -> memref<10016xi32, #tpu.memory_space<hbm>>
      %dma_start3A_184 = tpu.memref_slice %arg4[%mul3A_0] : memref<160256xi32, #tpu.memory_space<hbm>> -> memref<10016xi32, #tpu.memory_space<hbm>>
      tpu.enqueue_dma source(%dma_start3A_184 : memref<10016xi32, #tpu.memory_space<hbm>>) target(%arg8 : memref<10016xi32, #tpu.memory_space<vmem>>) target_semaphore(%run_scoped3A : memref<!tpu.dma_semaphore, #tpu.memory_space<semaphore_mem>>)
      %dma_wait3A = tpu.memref_slice %arg4[%mul3A_0] : memref<160256xi32, #tpu.memory_space<hbm>> -> memref<10016xi32, #tpu.memory_space<hbm>>
      %dma_wait3A_185 = tpu.memref_slice %arg4[%mul3A_0] : memref<160256xi32, #tpu.memory_space<hbm>> -> memref<10016xi32, #tpu.memory_space<hbm>>
      tpu.wait_dma2 semaphore(%run_scoped3A : memref<!tpu.dma_semaphore, #tpu.memory_space<semaphore_mem>>) src(%dma_wait3A_185 : memref<10016xi32, #tpu.memory_space<hbm>>) dst(%arg8 : memref<10016xi32, #tpu.memory_space<vmem>>)
      tpu.yield
    }) : () -> ()
    %mul3A_1 = arith.constant 2500 : i32
    %mul3A_2 = arith.muli %arg0, %mul3A_1 : i32
    %add3A = arith.constant 0 : i32
    %add3A_3 = arith.addi %add3A, %mul3A_2 : i32
    %scan3A = arith.constant 0 : i32
    %scan3A_4 = arith.constant 0 : i32
    %scan3A_5 = arith.constant 625 : i32
    %scan3A_6 = arith.addi %scan3A_4, %scan3A_5 : i32
    %scan3A_7 = arith.constant 1 : i32
    scf.for %scan3A_184 = %scan3A_4 to %scan3A_6 step %scan3A_7  : i32 {
      %broadcast_in_dim3A = arith.constant 0 : i32
      %broadcast_in_dim3A_185 = vector.broadcast %broadcast_in_dim3A : i32 to vector<16xi32>
      %mul3A_186 = arith.constant 16 : i32
      %mul3A_187 = arith.muli %scan3A_184, %mul3A_186 : i32
      %swap3A = arith.index_cast %mul3A_187 : i32 to index
      %swap3A_188 = tpu.vector_load %arg11[%swap3A] {strides = array<i32>} : memref<10000xi32, #tpu.memory_space<vmem>>, vector<16xi32>,
      %swap3A_189 = vector.shape_cast %swap3A_188 : vector<16xi32> to vector<16xi32>
      %swap3A_190 = vector.shape_cast %broadcast_in_dim3A_185 : vector<16xi32> to vector<16xi32>
      tpu.vector_store %arg11[%swap3A], %swap3A_190 {strides = array<i32>} : memref<10000xi32, #tpu.memory_space<vmem>>, vector<16xi32>,
    }
    %scan3A_8 = arith.constant 625 : i32
    %mul3A_9 = arith.constant 50000 : i32
    %mul3A_10 = arith.muli %arg1, %mul3A_9 : i32
    %add3A_11 = arith.constant 0 : i32
    %add3A_12 = arith.addi %mul3A_10, %add3A_11 : i32
    "tpu.region"() ({
      %run_scoped3A = tpu.sem_alloc : memref<!tpu.dma_semaphore, #tpu.memory_space<semaphore_mem>>
      %dma_start3A = tpu.memref_slice %arg12[%add3A_12] : memref<800000xi32, #tpu.memory_space<vmem_shared>> -> memref<10000xi32, #tpu.memory_space<vmem_shared>>
      %dma_start3A_184 = tpu.memref_slice %arg12[%add3A_12] : memref<800000xi32, #tpu.memory_space<vmem_shared>> -> memref<10000xi32, #tpu.memory_space<vmem_shared>>
      tpu.enqueue_dma source(%arg11 : memref<10000xi32, #tpu.memory_space<vmem>>) target(%dma_start3A_184 : memref<10000xi32, #tpu.memory_space<vmem_shared>>) target_semaphore(%run_scoped3A : memref<!tpu.dma_semaphore, #tpu.memory_space<semaphore_mem>>)
      %dma_wait3A = tpu.memref_slice %arg12[%add3A_12] : memref<800000xi32, #tpu.memory_space<vmem_shared>> -> memref<10000xi32, #tpu.memory_space<vmem_shared>>
      %dma_wait3A_185 = tpu.memref_slice %arg12[%add3A_12] : memref<800000xi32, #tpu.memory_space<vmem_shared>> -> memref<10000xi32, #tpu.memory_space<vmem_shared>>
      tpu.wait_dma2 semaphore(%run_scoped3A : memref<!tpu.dma_semaphore, #tpu.memory_space<semaphore_mem>>) src(%arg11 : memref<10000xi32, #tpu.memory_space<vmem>>) dst(%dma_wait3A_185 : memref<10000xi32, #tpu.memory_space<vmem_shared>>)
      tpu.yield
    }) : () -> ()
    %mul3A_13 = arith.constant 50000 : i32
    %mul3A_14 = arith.muli %arg1, %mul3A_13 : i32
    %add3A_15 = arith.constant 10000 : i32
    %add3A_16 = arith.addi %mul3A_14, %add3A_15 : i32
    "tpu.region"() ({
      %run_scoped3A = tpu.sem_alloc : memref<!tpu.dma_semaphore, #tpu.memory_space<semaphore_mem>>
      %dma_start3A = tpu.memref_slice %arg12[%add3A_16] : memref<800000xi32, #tpu.memory_space<vmem_shared>> -> memref<10000xi32, #tpu.memory_space<vmem_shared>>
      %dma_start3A_184 = tpu.memref_slice %arg12[%add3A_16] : memref<800000xi32, #tpu.memory_space<vmem_shared>> -> memref<10000xi32, #tpu.memory_space<vmem_shared>>
      tpu.enqueue_dma source(%arg11 : memref<10000xi32, #tpu.memory_space<vmem>>) target(%dma_start3A_184 : memref<10000xi32, #tpu.memory_space<vmem_shared>>) target_semaphore(%run_scoped3A : memref<!tpu.dma_semaphore, #tpu.memory_space<semaphore_mem>>)
      %dma_wait3A = tpu.memref_slice %arg12[%add3A_16] : memref<800000xi32, #tpu.memory_space<vmem_shared>> -> memref<10000xi32, #tpu.memory_space<vmem_shared>>
      %dma_wait3A_185 = tpu.memref_slice %arg12[%add3A_16] : memref<800000xi32, #tpu.memory_space<vmem_shared>> -> memref<10000xi32, #tpu.memory_space<vmem_shared>>
      tpu.wait_dma2 semaphore(%run_scoped3A : memref<!tpu.dma_semaphore, #tpu.memory_space<semaphore_mem>>) src(%arg11 : memref<10000xi32, #tpu.memory_space<vmem>>) dst(%dma_wait3A_185 : memref<10000xi32, #tpu.memory_space<vmem_shared>>)
      tpu.yield
    }) : () -> ()
    %mul3A_17 = arith.constant 50000 : i32
    %mul3A_18 = arith.muli %arg1, %mul3A_17 : i32
    %add3A_19 = arith.constant 20000 : i32
    %add3A_20 = arith.addi %mul3A_18, %add3A_19 : i32
    "tpu.region"() ({
      %run_scoped3A = tpu.sem_alloc : memref<!tpu.dma_semaphore, #tpu.memory_space<semaphore_mem>>
      %dma_start3A = tpu.memref_slice %arg12[%add3A_20] : memref<800000xi32, #tpu.memory_space<vmem_shared>> -> memref<10000xi32, #tpu.memory_space<vmem_shared>>
      %dma_start3A_184 = tpu.memref_slice %arg12[%add3A_20] : memref<800000xi32, #tpu.memory_space<vmem_shared>> -> memref<10000xi32, #tpu.memory_space<vmem_shared>>
      tpu.enqueue_dma source(%arg11 : memref<10000xi32, #tpu.memory_space<vmem>>) target(%dma_start3A_184 : memref<10000xi32, #tpu.memory_space<vmem_shared>>) target_semaphore(%run_scoped3A : memref<!tpu.dma_semaphore, #tpu.memory_space<semaphore_mem>>)
      %dma_wait3A = tpu.memref_slice %arg12[%add3A_20] : memref<800000xi32, #tpu.memory_space<vmem_shared>> -> memref<10000xi32, #tpu.memory_space<vmem_shared>>
      %dma_wait3A_185 = tpu.memref_slice %arg12[%add3A_20] : memref<800000xi32, #tpu.memory_space<vmem_shared>> -> memref<10000xi32, #tpu.memory_space<vmem_shared>>
      tpu.wait_dma2 semaphore(%run_scoped3A : memref<!tpu.dma_semaphore, #tpu.memory_space<semaphore_mem>>) src(%arg11 : memref<10000xi32, #tpu.memory_space<vmem>>) dst(%dma_wait3A_185 : memref<10000xi32, #tpu.memory_space<vmem_shared>>)
      tpu.yield
    }) : () -> ()
    %mul3A_21 = arith.constant 50000 : i32
    %mul3A_22 = arith.muli %arg1, %mul3A_21 : i32
    %add3A_23 = arith.constant 30000 : i32
    %add3A_24 = arith.addi %mul3A_22, %add3A_23 : i32
    "tpu.region"() ({
      %run_scoped3A = tpu.sem_alloc : memref<!tpu.dma_semaphore, #tpu.memory_space<semaphore_mem>>
      %dma_start3A = tpu.memref_slice %arg12[%add3A_24] : memref<800000xi32, #tpu.memory_space<vmem_shared>> -> memref<10000xi32, #tpu.memory_space<vmem_shared>>
      %dma_start3A_184 = tpu.memref_slice %arg12[%add3A_24] : memref<800000xi32, #tpu.memory_space<vmem_shared>> -> memref<10000xi32, #tpu.memory_space<vmem_shared>>
      tpu.enqueue_dma source(%arg11 : memref<10000xi32, #tpu.memory_space<vmem>>) target(%dma_start3A_184 : memref<10000xi32, #tpu.memory_space<vmem_shared>>) target_semaphore(%run_scoped3A : memref<!tpu.dma_semaphore, #tpu.memory_space<semaphore_mem>>)
      %dma_wait3A = tpu.memref_slice %arg12[%add3A_24] : memref<800000xi32, #tpu.memory_space<vmem_shared>> -> memref<10000xi32, #tpu.memory_space<vmem_shared>>
      %dma_wait3A_185 = tpu.memref_slice %arg12[%add3A_24] : memref<800000xi32, #tpu.memory_space<vmem_shared>> -> memref<10000xi32, #tpu.memory_space<vmem_shared>>
      tpu.wait_dma2 semaphore(%run_scoped3A : memref<!tpu.dma_semaphore, #tpu.memory_space<semaphore_mem>>) src(%arg11 : memref<10000xi32, #tpu.memory_space<vmem>>) dst(%dma_wait3A_185 : memref<10000xi32, #tpu.memory_space<vmem_shared>>)
      tpu.yield
    }) : () -> ()
    %mul3A_25 = arith.constant 50000 : i32
    %mul3A_26 = arith.muli %arg1, %mul3A_25 : i32
    %add3A_27 = arith.constant 40000 : i32
    %add3A_28 = arith.addi %mul3A_26, %add3A_27 : i32
    "tpu.region"() ({
      %run_scoped3A = tpu.sem_alloc : memref<!tpu.dma_semaphore, #tpu.memory_space<semaphore_mem>>
      %dma_start3A = tpu.memref_slice %arg12[%add3A_28] : memref<800000xi32, #tpu.memory_space<vmem_shared>> -> memref<10000xi32, #tpu.memory_space<vmem_shared>>
      %dma_start3A_184 = tpu.memref_slice %arg12[%add3A_28] : memref<800000xi32, #tpu.memory_space<vmem_shared>> -> memref<10000xi32, #tpu.memory_space<vmem_shared>>
      tpu.enqueue_dma source(%arg11 : memref<10000xi32, #tpu.memory_space<vmem>>) target(%dma_start3A_184 : memref<10000xi32, #tpu.memory_space<vmem_shared>>) target_semaphore(%run_scoped3A : memref<!tpu.dma_semaphore, #tpu.memory_space<semaphore_mem>>)
      %dma_wait3A = tpu.memref_slice %arg12[%add3A_28] : memref<800000xi32, #tpu.memory_space<vmem_shared>> -> memref<10000xi32, #tpu.memory_space<vmem_shared>>
      %dma_wait3A_185 = tpu.memref_slice %arg12[%add3A_28] : memref<800000xi32, #tpu.memory_space<vmem_shared>> -> memref<10000xi32, #tpu.memory_space<vmem_shared>>
      tpu.wait_dma2 semaphore(%run_scoped3A : memref<!tpu.dma_semaphore, #tpu.memory_space<semaphore_mem>>) src(%arg11 : memref<10000xi32, #tpu.memory_space<vmem>>) dst(%dma_wait3A_185 : memref<10000xi32, #tpu.memory_space<vmem_shared>>)
      tpu.yield
    }) : () -> ()
    %barrier3A = arith.constant 0 : index
    tpu.barrier barrier_id(%barrier3A)
    %scan3A_29 = arith.constant 0 : i32
    %scan3A_30 = arith.constant 0 : i32
    %scan3A_31 = arith.constant 626 : i32
    %scan3A_32 = arith.addi %scan3A_30, %scan3A_31 : i32
    %scan3A_33 = arith.constant 1 : i32
    scf.for %scan3A_184 = %scan3A_30 to %scan3A_32 step %scan3A_33  : i32 {
      %mul3A_185 = arith.constant 16 : i32
      %mul3A_186 = arith.muli %scan3A_184, %mul3A_185 : i32
      %get3A = arith.index_cast %mul3A_186 : i32 to index
      %get3A_187 = tpu.vector_load %arg6[%get3A] {strides = array<i32>} : memref<10016xi32, #tpu.memory_space<vmem>>, vector<16xi32>,
      %get3A_188 = vector.shape_cast %get3A_187 : vector<16xi32> to vector<16xi32>
      %get3A_189 = arith.index_cast %mul3A_186 : i32 to index
      %get3A_190 = tpu.vector_load %arg7[%get3A_189] {strides = array<i32>} : memref<10016xi32, #tpu.memory_space<vmem>>, vector<16xi32>,
      %get3A_191 = vector.shape_cast %get3A_190 : vector<16xi32> to vector<16xi32>
      %get3A_192 = arith.index_cast %mul3A_186 : i32 to index
      %get3A_193 = tpu.vector_load %arg8[%get3A_192] {strides = array<i32>} : memref<10016xi32, #tpu.memory_space<vmem>>, vector<16xi32>,
      %get3A_194 = vector.shape_cast %get3A_193 : vector<16xi32> to vector<16xi32>
      %shift_right_arithmetic3A = arith.constant 5 : i32
      %shift_right_arithmetic3A_195 = vector.broadcast %shift_right_arithmetic3A : i32 to vector<16xi32>
      %shift_right_arithmetic3A_196 = arith.shrsi %get3A_191, %shift_right_arithmetic3A_195 : vector<16xi32>
      %and3A = arith.constant 31 : i32
      %and3A_197 = vector.broadcast %and3A : i32 to vector<16xi32>
      %and3A_198 = arith.andi %get3A_191, %and3A_197 : vector<16xi32>
      %shift_left3A = arith.shli %get3A_194, %and3A_198 : vector<16xi32>
      %sub3A = vector.broadcast %add3A_3 : i32 to vector<16xi32>
      %sub3A_199 = arith.subi %get3A_188, %sub3A : vector<16xi32>
      %ge3A = arith.constant 0 : i32
      %ge3A_200 = vector.broadcast %ge3A : i32 to vector<16xi32>
      %ge3A_201 = arith.cmpi sge, %sub3A_199, %ge3A_200 : vector<16xi32>
      %lt3A = arith.constant 2500 : i32
      %lt3A_202 = vector.broadcast %lt3A : i32 to vector<16xi32>
      %lt3A_203 = arith.cmpi slt, %sub3A_199, %lt3A_202 : vector<16xi32>
      %and3A_204 = arith.andi %ge3A_201, %lt3A_203 : vector<16xi1>
      %mul3A_205 = arith.constant 320 : i32
      %mul3A_206 = vector.broadcast %mul3A_205 : i32 to vector<16xi32>
      %mul3A_207 = arith.muli %sub3A_199, %mul3A_206 : vector<16xi32>
      %add3A_208 = arith.addi %mul3A_207, %shift_right_arithmetic3A_196 : vector<16xi32>
      %jit3A = arith.constant 0 : i32
      %broadcast_in_dim3A = vector.broadcast %jit3A : i32 to vector<16xi32>
      %select_n3A = arith.select %and3A_204, %add3A_208, %broadcast_in_dim3A : vector<16xi1>, vector<16xi32>
      %swap3A = arith.index_cast %mul3A_186 : i32 to index
      %swap3A_209 = tpu.vector_load %arg9[%swap3A] {strides = array<i32>} : memref<10016xi32, #tpu.memory_space<vmem>>, vector<16xi32>,
      %swap3A_210 = vector.shape_cast %swap3A_209 : vector<16xi32> to vector<16xi32>
      %swap3A_211 = vector.shape_cast %select_n3A : vector<16xi32> to vector<16xi32>
      tpu.vector_store %arg9[%swap3A], %swap3A_211 {strides = array<i32>} : memref<10016xi32, #tpu.memory_space<vmem>>, vector<16xi32>,
      %jit3A_212 = arith.constant 0 : i32
      %broadcast_in_dim3A_213 = vector.broadcast %jit3A_212 : i32 to vector<16xi32>
      %select_n3A_214 = arith.select %and3A_204, %shift_left3A, %broadcast_in_dim3A_213 : vector<16xi1>, vector<16xi32>
      %swap3A_215 = arith.index_cast %mul3A_186 : i32 to index
      %swap3A_216 = tpu.vector_load %arg10[%swap3A_215] {strides = array<i32>} : memref<10016xi32, #tpu.memory_space<vmem>>, vector<16xi32>,
      %swap3A_217 = vector.shape_cast %swap3A_216 : vector<16xi32> to vector<16xi32>
      %swap3A_218 = vector.shape_cast %select_n3A_214 : vector<16xi32> to vector<16xi32>
      tpu.vector_store %arg10[%swap3A_215], %swap3A_218 {strides = array<i32>} : memref<10016xi32, #tpu.memory_space<vmem>>, vector<16xi32>,
    }
    %scan3A_34 = arith.constant 626 : i32
    "tpu.region"() ({
      %run_scoped3A = tpu.sem_alloc : memref<!tpu.dma_semaphore, #tpu.memory_space<semaphore_mem>>
      %dma_start3A = arith.constant 0 : i32
      %dma_start3A_184 = tpu.memref_slice %arg12[%dma_start3A] : memref<800000xi32, #tpu.memory_space<vmem_shared>> -> memref<800000xi32, #tpu.memory_space<vmem_shared>>
      tpu.enqueue_indirect_dma source(%arg10 : memref<10016xi32, #tpu.memory_space<vmem>>) target(%dma_start3A_184 : memref<800000xi32, #tpu.memory_space<vmem_shared>>) offsets(%arg9 : memref<10016xi32, #tpu.memory_space<vmem>>) semaphore(%run_scoped3A : memref<!tpu.dma_semaphore, #tpu.memory_space<semaphore_mem>>) {add = true}
      %dma_wait3A = arith.constant 0 : i32
      %dma_wait3A_185 = tpu.memref_slice %arg12[%dma_wait3A] : memref<800000xi32, #tpu.memory_space<vmem_shared>> -> memref<800000xi32, #tpu.memory_space<vmem_shared>>
      tpu.wait_indirect_dma semaphore(%run_scoped3A : memref<!tpu.dma_semaphore, #tpu.memory_space<semaphore_mem>>) src(%arg10 : memref<10016xi32, #tpu.memory_space<vmem>>) dst(%dma_wait3A_185 : memref<800000xi32, #tpu.memory_space<vmem_shared>>)
      tpu.yield
    }) : () -> ()
    %barrier3A_35 = arith.constant 0 : index
    tpu.barrier barrier_id(%barrier3A_35)
    %mul3A_36 = arith.constant 50000 : i32
    %mul3A_37 = arith.muli %arg1, %mul3A_36 : i32
    %add3A_38 = arith.constant 0 : i32
    %add3A_39 = arith.addi %mul3A_37, %add3A_38 : i32
    "tpu.region"() ({
      %run_scoped3A = tpu.sem_alloc : memref<!tpu.dma_semaphore, #tpu.memory_space<semaphore_mem>>
      %dma_start3A = tpu.memref_slice %arg12[%add3A_39] : memref<800000xi32, #tpu.memory_space<vmem_shared>> -> memref<10000xi32, #tpu.memory_space<vmem_shared>>
      %dma_start3A_184 = tpu.memref_slice %arg12[%add3A_39] : memref<800000xi32, #tpu.memory_space<vmem_shared>> -> memref<10000xi32, #tpu.memory_space<vmem_shared>>
      tpu.enqueue_dma source(%dma_start3A_184 : memref<10000xi32, #tpu.memory_space<vmem_shared>>) target(%arg11 : memref<10000xi32, #tpu.memory_space<vmem>>) target_semaphore(%run_scoped3A : memref<!tpu.dma_semaphore, #tpu.memory_space<semaphore_mem>>)
      %dma_wait3A = tpu.memref_slice %arg12[%add3A_39] : memref<800000xi32, #tpu.memory_space<vmem_shared>> -> memref<10000xi32, #tpu.memory_space<vmem_shared>>
      %dma_wait3A_185 = tpu.memref_slice %arg12[%add3A_39] : memref<800000xi32, #tpu.memory_space<vmem_shared>> -> memref<10000xi32, #tpu.memory_space<vmem_shared>>
      tpu.wait_dma2 semaphore(%run_scoped3A : memref<!tpu.dma_semaphore, #tpu.memory_space<semaphore_mem>>) src(%dma_wait3A_185 : memref<10000xi32, #tpu.memory_space<vmem_shared>>) dst(%arg11 : memref<10000xi32, #tpu.memory_space<vmem>>)
      tpu.yield
    }) : () -> ()
    %mul3A_40 = arith.constant 320 : i32
    %mul3A_41 = arith.muli %add3A_3, %mul3A_40 : i32
    %mul3A_42 = arith.constant 50000 : i32
    %mul3A_43 = arith.muli %arg1, %mul3A_42 : i32
    %add3A_44 = arith.addi %mul3A_41, %mul3A_43 : i32
    %add3A_45 = arith.constant 0 : i32
    %add3A_46 = arith.addi %add3A_44, %add3A_45 : i32
    "tpu.region"() ({
      %run_scoped3A = tpu.sem_alloc : memref<!tpu.dma_semaphore, #tpu.memory_space<semaphore_mem>>
      %dma_start3A = tpu.memref_slice %arg5[%add3A_46] : memref<3200000xi32, #tpu.memory_space<hbm>> -> memref<10000xi32, #tpu.memory_space<hbm>>
      %dma_start3A_184 = tpu.memref_slice %arg5[%add3A_46] : memref<3200000xi32, #tpu.memory_space<hbm>> -> memref<10000xi32, #tpu.memory_space<hbm>>
      tpu.enqueue_dma source(%arg11 : memref<10000xi32, #tpu.memory_space<vmem>>) target(%dma_start3A_184 : memref<10000xi32, #tpu.memory_space<hbm>>) target_semaphore(%run_scoped3A : memref<!tpu.dma_semaphore, #tpu.memory_space<semaphore_mem>>)
      %dma_wait3A = tpu.memref_slice %arg5[%add3A_46] : memref<3200000xi32, #tpu.memory_space<hbm>> -> memref<10000xi32, #tpu.memory_space<hbm>>
      %dma_wait3A_185 = tpu.memref_slice %arg5[%add3A_46] : memref<3200000xi32, #tpu.memory_space<hbm>> -> memref<10000xi32, #tpu.memory_space<hbm>>
      tpu.wait_dma2 semaphore(%run_scoped3A : memref<!tpu.dma_semaphore, #tpu.memory_space<semaphore_mem>>) src(%arg11 : memref<10000xi32, #tpu.memory_space<vmem>>) dst(%dma_wait3A_185 : memref<10000xi32, #tpu.memory_space<hbm>>)
      tpu.yield
    }) : () -> ()
    %mul3A_47 = arith.constant 50000 : i32
    %mul3A_48 = arith.muli %arg1, %mul3A_47 : i32
    %add3A_49 = arith.constant 10000 : i32
    %add3A_50 = arith.addi %mul3A_48, %add3A_49 : i32
    "tpu.region"() ({
      %run_scoped3A = tpu.sem_alloc : memref<!tpu.dma_semaphore, #tpu.memory_space<semaphore_mem>>
      %dma_start3A = tpu.memref_slice %arg12[%add3A_50] : memref<800000xi32, #tpu.memory_space<vmem_shared>> -> memref<10000xi32, #tpu.memory_space<vmem_shared>>
      %dma_start3A_184 = tpu.memref_slice %arg12[%add3A_50] : memref<800000xi32, #tpu.memory_space<vmem_shared>> -> memref<10000xi32, #tpu.memory_space<vmem_shared>>
      tpu.enqueue_dma source(%dma_start3A_184 : memref<10000xi32, #tpu.memory_space<vmem_shared>>) target(%arg11 : memref<10000xi32, #tpu.memory_space<vmem>>) target_semaphore(%run_scoped3A : memref<!tpu.dma_semaphore, #tpu.memory_space<semaphore_mem>>)
      %dma_wait3A = tpu.memref_slice %arg12[%add3A_50] : memref<800000xi32, #tpu.memory_space<vmem_shared>> -> memref<10000xi32, #tpu.memory_space<vmem_shared>>
      %dma_wait3A_185 = tpu.memref_slice %arg12[%add3A_50] : memref<800000xi32, #tpu.memory_space<vmem_shared>> -> memref<10000xi32, #tpu.memory_space<vmem_shared>>
      tpu.wait_dma2 semaphore(%run_scoped3A : memref<!tpu.dma_semaphore, #tpu.memory_space<semaphore_mem>>) src(%dma_wait3A_185 : memref<10000xi32, #tpu.memory_space<vmem_shared>>) dst(%arg11 : memref<10000xi32, #tpu.memory_space<vmem>>)
      tpu.yield
    }) : () -> ()
    %mul3A_51 = arith.constant 320 : i32
    %mul3A_52 = arith.muli %add3A_3, %mul3A_51 : i32
    %mul3A_53 = arith.constant 50000 : i32
    %mul3A_54 = arith.muli %arg1, %mul3A_53 : i32
    %add3A_55 = arith.addi %mul3A_52, %mul3A_54 : i32
    %add3A_56 = arith.constant 10000 : i32
    %add3A_57 = arith.addi %add3A_55, %add3A_56 : i32
    "tpu.region"() ({
      %run_scoped3A = tpu.sem_alloc : memref<!tpu.dma_semaphore, #tpu.memory_space<semaphore_mem>>
      %dma_start3A = tpu.memref_slice %arg5[%add3A_57] : memref<3200000xi32, #tpu.memory_space<hbm>> -> memref<10000xi32, #tpu.memory_space<hbm>>
      %dma_start3A_184 = tpu.memref_slice %arg5[%add3A_57] : memref<3200000xi32, #tpu.memory_space<hbm>> -> memref<10000xi32, #tpu.memory_space<hbm>>
      tpu.enqueue_dma source(%arg11 : memref<10000xi32, #tpu.memory_space<vmem>>) target(%dma_start3A_184 : memref<10000xi32, #tpu.memory_space<hbm>>) target_semaphore(%run_scoped3A : memref<!tpu.dma_semaphore, #tpu.memory_space<semaphore_mem>>)
      %dma_wait3A = tpu.memref_slice %arg5[%add3A_57] : memref<3200000xi32, #tpu.memory_space<hbm>> -> memref<10000xi32, #tpu.memory_space<hbm>>
      %dma_wait3A_185 = tpu.memref_slice %arg5[%add3A_57] : memref<3200000xi32, #tpu.memory_space<hbm>> -> memref<10000xi32, #tpu.memory_space<hbm>>
      tpu.wait_dma2 semaphore(%run_scoped3A : memref<!tpu.dma_semaphore, #tpu.memory_space<semaphore_mem>>) src(%arg11 : memref<10000xi32, #tpu.memory_space<vmem>>) dst(%dma_wait3A_185 : memref<10000xi32, #tpu.memory_space<hbm>>)
      tpu.yield
    }) : () -> ()
    %mul3A_58 = arith.constant 50000 : i32
    %mul3A_59 = arith.muli %arg1, %mul3A_58 : i32
    %add3A_60 = arith.constant 20000 : i32
    %add3A_61 = arith.addi %mul3A_59, %add3A_60 : i32
    "tpu.region"() ({
      %run_scoped3A = tpu.sem_alloc : memref<!tpu.dma_semaphore, #tpu.memory_space<semaphore_mem>>
      %dma_start3A = tpu.memref_slice %arg12[%add3A_61] : memref<800000xi32, #tpu.memory_space<vmem_shared>> -> memref<10000xi32, #tpu.memory_space<vmem_shared>>
      %dma_start3A_184 = tpu.memref_slice %arg12[%add3A_61] : memref<800000xi32, #tpu.memory_space<vmem_shared>> -> memref<10000xi32, #tpu.memory_space<vmem_shared>>
      tpu.enqueue_dma source(%dma_start3A_184 : memref<10000xi32, #tpu.memory_space<vmem_shared>>) target(%arg11 : memref<10000xi32, #tpu.memory_space<vmem>>) target_semaphore(%run_scoped3A : memref<!tpu.dma_semaphore, #tpu.memory_space<semaphore_mem>>)
      %dma_wait3A = tpu.memref_slice %arg12[%add3A_61] : memref<800000xi32, #tpu.memory_space<vmem_shared>> -> memref<10000xi32, #tpu.memory_space<vmem_shared>>
      %dma_wait3A_185 = tpu.memref_slice %arg12[%add3A_61] : memref<800000xi32, #tpu.memory_space<vmem_shared>> -> memref<10000xi32, #tpu.memory_space<vmem_shared>>
      tpu.wait_dma2 semaphore(%run_scoped3A : memref<!tpu.dma_semaphore, #tpu.memory_space<semaphore_mem>>) src(%dma_wait3A_185 : memref<10000xi32, #tpu.memory_space<vmem_shared>>) dst(%arg11 : memref<10000xi32, #tpu.memory_space<vmem>>)
      tpu.yield
    }) : () -> ()
    %mul3A_62 = arith.constant 320 : i32
    %mul3A_63 = arith.muli %add3A_3, %mul3A_62 : i32
    %mul3A_64 = arith.constant 50000 : i32
    %mul3A_65 = arith.muli %arg1, %mul3A_64 : i32
    %add3A_66 = arith.addi %mul3A_63, %mul3A_65 : i32
    %add3A_67 = arith.constant 20000 : i32
    %add3A_68 = arith.addi %add3A_66, %add3A_67 : i32
    "tpu.region"() ({
      %run_scoped3A = tpu.sem_alloc : memref<!tpu.dma_semaphore, #tpu.memory_space<semaphore_mem>>
      %dma_start3A = tpu.memref_slice %arg5[%add3A_68] : memref<3200000xi32, #tpu.memory_space<hbm>> -> memref<10000xi32, #tpu.memory_space<hbm>>
      %dma_start3A_184 = tpu.memref_slice %arg5[%add3A_68] : memref<3200000xi32, #tpu.memory_space<hbm>> -> memref<10000xi32, #tpu.memory_space<hbm>>
      tpu.enqueue_dma source(%arg11 : memref<10000xi32, #tpu.memory_space<vmem>>) target(%dma_start3A_184 : memref<10000xi32, #tpu.memory_space<hbm>>) target_semaphore(%run_scoped3A : memref<!tpu.dma_semaphore, #tpu.memory_space<semaphore_mem>>)
      %dma_wait3A = tpu.memref_slice %arg5[%add3A_68] : memref<3200000xi32, #tpu.memory_space<hbm>> -> memref<10000xi32, #tpu.memory_space<hbm>>
      %dma_wait3A_185 = tpu.memref_slice %arg5[%add3A_68] : memref<3200000xi32, #tpu.memory_space<hbm>> -> memref<10000xi32, #tpu.memory_space<hbm>>
      tpu.wait_dma2 semaphore(%run_scoped3A : memref<!tpu.dma_semaphore, #tpu.memory_space<semaphore_mem>>) src(%arg11 : memref<10000xi32, #tpu.memory_space<vmem>>) dst(%dma_wait3A_185 : memref<10000xi32, #tpu.memory_space<hbm>>)
      tpu.yield
    }) : () -> ()
    %mul3A_69 = arith.constant 50000 : i32
    %mul3A_70 = arith.muli %arg1, %mul3A_69 : i32
    %add3A_71 = arith.constant 30000 : i32
    %add3A_72 = arith.addi %mul3A_70, %add3A_71 : i32
    "tpu.region"() ({
      %run_scoped3A = tpu.sem_alloc : memref<!tpu.dma_semaphore, #tpu.memory_space<semaphore_mem>>
      %dma_start3A = tpu.memref_slice %arg12[%add3A_72] : memref<800000xi32, #tpu.memory_space<vmem_shared>> -> memref<10000xi32, #tpu.memory_space<vmem_shared>>
      %dma_start3A_184 = tpu.memref_slice %arg12[%add3A_72] : memref<800000xi32, #tpu.memory_space<vmem_shared>> -> memref<10000xi32, #tpu.memory_space<vmem_shared>>
      tpu.enqueue_dma source(%dma_start3A_184 : memref<10000xi32, #tpu.memory_space<vmem_shared>>) target(%arg11 : memref<10000xi32, #tpu.memory_space<vmem>>) target_semaphore(%run_scoped3A : memref<!tpu.dma_semaphore, #tpu.memory_space<semaphore_mem>>)
      %dma_wait3A = tpu.memref_slice %arg12[%add3A_72] : memref<800000xi32, #tpu.memory_space<vmem_shared>> -> memref<10000xi32, #tpu.memory_space<vmem_shared>>
      %dma_wait3A_185 = tpu.memref_slice %arg12[%add3A_72] : memref<800000xi32, #tpu.memory_space<vmem_shared>> -> memref<10000xi32, #tpu.memory_space<vmem_shared>>
      tpu.wait_dma2 semaphore(%run_scoped3A : memref<!tpu.dma_semaphore, #tpu.memory_space<semaphore_mem>>) src(%dma_wait3A_185 : memref<10000xi32, #tpu.memory_space<vmem_shared>>) dst(%arg11 : memref<10000xi32, #tpu.memory_space<vmem>>)
      tpu.yield
    }) : () -> ()
    %mul3A_73 = arith.constant 320 : i32
    %mul3A_74 = arith.muli %add3A_3, %mul3A_73 : i32
    %mul3A_75 = arith.constant 50000 : i32
    %mul3A_76 = arith.muli %arg1, %mul3A_75 : i32
    %add3A_77 = arith.addi %mul3A_74, %mul3A_76 : i32
    %add3A_78 = arith.constant 30000 : i32
    %add3A_79 = arith.addi %add3A_77, %add3A_78 : i32
    "tpu.region"() ({
      %run_scoped3A = tpu.sem_alloc : memref<!tpu.dma_semaphore, #tpu.memory_space<semaphore_mem>>
      %dma_start3A = tpu.memref_slice %arg5[%add3A_79] : memref<3200000xi32, #tpu.memory_space<hbm>> -> memref<10000xi32, #tpu.memory_space<hbm>>
      %dma_start3A_184 = tpu.memref_slice %arg5[%add3A_79] : memref<3200000xi32, #tpu.memory_space<hbm>> -> memref<10000xi32, #tpu.memory_space<hbm>>
      tpu.enqueue_dma source(%arg11 : memref<10000xi32, #tpu.memory_space<vmem>>) target(%dma_start3A_184 : memref<10000xi32, #tpu.memory_space<hbm>>) target_semaphore(%run_scoped3A : memref<!tpu.dma_semaphore, #tpu.memory_space<semaphore_mem>>)
      %dma_wait3A = tpu.memref_slice %arg5[%add3A_79] : memref<3200000xi32, #tpu.memory_space<hbm>> -> memref<10000xi32, #tpu.memory_space<hbm>>
      %dma_wait3A_185 = tpu.memref_slice %arg5[%add3A_79] : memref<3200000xi32, #tpu.memory_space<hbm>> -> memref<10000xi32, #tpu.memory_space<hbm>>
      tpu.wait_dma2 semaphore(%run_scoped3A : memref<!tpu.dma_semaphore, #tpu.memory_space<semaphore_mem>>) src(%arg11 : memref<10000xi32, #tpu.memory_space<vmem>>) dst(%dma_wait3A_185 : memref<10000xi32, #tpu.memory_space<hbm>>)
      tpu.yield
    }) : () -> ()
    %mul3A_80 = arith.constant 50000 : i32
    %mul3A_81 = arith.muli %arg1, %mul3A_80 : i32
    %add3A_82 = arith.constant 40000 : i32
    %add3A_83 = arith.addi %mul3A_81, %add3A_82 : i32
    "tpu.region"() ({
      %run_scoped3A = tpu.sem_alloc : memref<!tpu.dma_semaphore, #tpu.memory_space<semaphore_mem>>
      %dma_start3A = tpu.memref_slice %arg12[%add3A_83] : memref<800000xi32, #tpu.memory_space<vmem_shared>> -> memref<10000xi32, #tpu.memory_space<vmem_shared>>
      %dma_start3A_184 = tpu.memref_slice %arg12[%add3A_83] : memref<800000xi32, #tpu.memory_space<vmem_shared>> -> memref<10000xi32, #tpu.memory_space<vmem_shared>>
      tpu.enqueue_dma source(%dma_start3A_184 : memref<10000xi32, #tpu.memory_space<vmem_shared>>) target(%arg11 : memref<10000xi32, #tpu.memory_space<vmem>>) target_semaphore(%run_scoped3A : memref<!tpu.dma_semaphore, #tpu.memory_space<semaphore_mem>>)
      %dma_wait3A = tpu.memref_slice %arg12[%add3A_83] : memref<800000xi32, #tpu.memory_space<vmem_shared>> -> memref<10000xi32, #tpu.memory_space<vmem_shared>>
      %dma_wait3A_185 = tpu.memref_slice %arg12[%add3A_83] : memref<800000xi32, #tpu.memory_space<vmem_shared>> -> memref<10000xi32, #tpu.memory_space<vmem_shared>>
      tpu.wait_dma2 semaphore(%run_scoped3A : memref<!tpu.dma_semaphore, #tpu.memory_space<semaphore_mem>>) src(%dma_wait3A_185 : memref<10000xi32, #tpu.memory_space<vmem_shared>>) dst(%arg11 : memref<10000xi32, #tpu.memory_space<vmem>>)
      tpu.yield
    }) : () -> ()
    %mul3A_84 = arith.constant 320 : i32
    %mul3A_85 = arith.muli %add3A_3, %mul3A_84 : i32
    %mul3A_86 = arith.constant 50000 : i32
    %mul3A_87 = arith.muli %arg1, %mul3A_86 : i32
    %add3A_88 = arith.addi %mul3A_85, %mul3A_87 : i32
    %add3A_89 = arith.constant 40000 : i32
    %add3A_90 = arith.addi %add3A_88, %add3A_89 : i32
    "tpu.region"() ({
      %run_scoped3A = tpu.sem_alloc : memref<!tpu.dma_semaphore, #tpu.memory_space<semaphore_mem>>
      %dma_start3A = tpu.memref_slice %arg5[%add3A_90] : memref<3200000xi32, #tpu.memory_space<hbm>> -> memref<10000xi32, #tpu.memory_space<hbm>>
      %dma_start3A_184 = tpu.memref_slice %arg5[%add3A_90] : memref<3200000xi32, #tpu.memory_space<hbm>> -> memref<10000xi32, #tpu.memory_space<hbm>>
      tpu.enqueue_dma source(%arg11 : memref<10000xi32, #tpu.memory_space<vmem>>) target(%dma_start3A_184 : memref<10000xi32, #tpu.memory_space<hbm>>) target_semaphore(%run_scoped3A : memref<!tpu.dma_semaphore, #tpu.memory_space<semaphore_mem>>)
      %dma_wait3A = tpu.memref_slice %arg5[%add3A_90] : memref<3200000xi32, #tpu.memory_space<hbm>> -> memref<10000xi32, #tpu.memory_space<hbm>>
      %dma_wait3A_185 = tpu.memref_slice %arg5[%add3A_90] : memref<3200000xi32, #tpu.memory_space<hbm>> -> memref<10000xi32, #tpu.memory_space<hbm>>
      tpu.wait_dma2 semaphore(%run_scoped3A : memref<!tpu.dma_semaphore, #tpu.memory_space<semaphore_mem>>) src(%arg11 : memref<10000xi32, #tpu.memory_space<vmem>>) dst(%dma_wait3A_185 : memref<10000xi32, #tpu.memory_space<hbm>>)
      tpu.yield
    }) : () -> ()
    %mul3A_91 = arith.constant 2500 : i32
    %mul3A_92 = arith.muli %arg0, %mul3A_91 : i32
    %add3A_93 = arith.constant 5000 : i32
    %add3A_94 = arith.addi %add3A_93, %mul3A_92 : i32
    %scan3A_95 = arith.constant 0 : i32
    %scan3A_96 = arith.constant 0 : i32
    %scan3A_97 = arith.constant 625 : i32
    %scan3A_98 = arith.addi %scan3A_96, %scan3A_97 : i32
    %scan3A_99 = arith.constant 1 : i32
    scf.for %scan3A_184 = %scan3A_96 to %scan3A_98 step %scan3A_99  : i32 {
      %broadcast_in_dim3A = arith.constant 0 : i32
      %broadcast_in_dim3A_185 = vector.broadcast %broadcast_in_dim3A : i32 to vector<16xi32>
      %mul3A_186 = arith.constant 16 : i32
      %mul3A_187 = arith.muli %scan3A_184, %mul3A_186 : i32
      %swap3A = arith.index_cast %mul3A_187 : i32 to index
      %swap3A_188 = tpu.vector_load %arg11[%swap3A] {strides = array<i32>} : memref<10000xi32, #tpu.memory_space<vmem>>, vector<16xi32>,
      %swap3A_189 = vector.shape_cast %swap3A_188 : vector<16xi32> to vector<16xi32>
      %swap3A_190 = vector.shape_cast %broadcast_in_dim3A_185 : vector<16xi32> to vector<16xi32>
      tpu.vector_store %arg11[%swap3A], %swap3A_190 {strides = array<i32>} : memref<10000xi32, #tpu.memory_space<vmem>>, vector<16xi32>,
    }
    %scan3A_100 = arith.constant 625 : i32
    %mul3A_101 = arith.constant 50000 : i32
    %mul3A_102 = arith.muli %arg1, %mul3A_101 : i32
    %add3A_103 = arith.constant 0 : i32
    %add3A_104 = arith.addi %mul3A_102, %add3A_103 : i32
    "tpu.region"() ({
      %run_scoped3A = tpu.sem_alloc : memref<!tpu.dma_semaphore, #tpu.memory_space<semaphore_mem>>
      %dma_start3A = tpu.memref_slice %arg12[%add3A_104] : memref<800000xi32, #tpu.memory_space<vmem_shared>> -> memref<10000xi32, #tpu.memory_space<vmem_shared>>
      %dma_start3A_184 = tpu.memref_slice %arg12[%add3A_104] : memref<800000xi32, #tpu.memory_space<vmem_shared>> -> memref<10000xi32, #tpu.memory_space<vmem_shared>>
      tpu.enqueue_dma source(%arg11 : memref<10000xi32, #tpu.memory_space<vmem>>) target(%dma_start3A_184 : memref<10000xi32, #tpu.memory_space<vmem_shared>>) target_semaphore(%run_scoped3A : memref<!tpu.dma_semaphore, #tpu.memory_space<semaphore_mem>>)
      %dma_wait3A = tpu.memref_slice %arg12[%add3A_104] : memref<800000xi32, #tpu.memory_space<vmem_shared>> -> memref<10000xi32, #tpu.memory_space<vmem_shared>>
      %dma_wait3A_185 = tpu.memref_slice %arg12[%add3A_104] : memref<800000xi32, #tpu.memory_space<vmem_shared>> -> memref<10000xi32, #tpu.memory_space<vmem_shared>>
      tpu.wait_dma2 semaphore(%run_scoped3A : memref<!tpu.dma_semaphore, #tpu.memory_space<semaphore_mem>>) src(%arg11 : memref<10000xi32, #tpu.memory_space<vmem>>) dst(%dma_wait3A_185 : memref<10000xi32, #tpu.memory_space<vmem_shared>>)
      tpu.yield
    }) : () -> ()
    %mul3A_105 = arith.constant 50000 : i32
    %mul3A_106 = arith.muli %arg1, %mul3A_105 : i32
    %add3A_107 = arith.constant 10000 : i32
    %add3A_108 = arith.addi %mul3A_106, %add3A_107 : i32
    "tpu.region"() ({
      %run_scoped3A = tpu.sem_alloc : memref<!tpu.dma_semaphore, #tpu.memory_space<semaphore_mem>>
      %dma_start3A = tpu.memref_slice %arg12[%add3A_108] : memref<800000xi32, #tpu.memory_space<vmem_shared>> -> memref<10000xi32, #tpu.memory_space<vmem_shared>>
      %dma_start3A_184 = tpu.memref_slice %arg12[%add3A_108] : memref<800000xi32, #tpu.memory_space<vmem_shared>> -> memref<10000xi32, #tpu.memory_space<vmem_shared>>
      tpu.enqueue_dma source(%arg11 : memref<10000xi32, #tpu.memory_space<vmem>>) target(%dma_start3A_184 : memref<10000xi32, #tpu.memory_space<vmem_shared>>) target_semaphore(%run_scoped3A : memref<!tpu.dma_semaphore, #tpu.memory_space<semaphore_mem>>)
      %dma_wait3A = tpu.memref_slice %arg12[%add3A_108] : memref<800000xi32, #tpu.memory_space<vmem_shared>> -> memref<10000xi32, #tpu.memory_space<vmem_shared>>
      %dma_wait3A_185 = tpu.memref_slice %arg12[%add3A_108] : memref<800000xi32, #tpu.memory_space<vmem_shared>> -> memref<10000xi32, #tpu.memory_space<vmem_shared>>
      tpu.wait_dma2 semaphore(%run_scoped3A : memref<!tpu.dma_semaphore, #tpu.memory_space<semaphore_mem>>) src(%arg11 : memref<10000xi32, #tpu.memory_space<vmem>>) dst(%dma_wait3A_185 : memref<10000xi32, #tpu.memory_space<vmem_shared>>)
      tpu.yield
    }) : () -> ()
    %mul3A_109 = arith.constant 50000 : i32
    %mul3A_110 = arith.muli %arg1, %mul3A_109 : i32
    %add3A_111 = arith.constant 20000 : i32
    %add3A_112 = arith.addi %mul3A_110, %add3A_111 : i32
    "tpu.region"() ({
      %run_scoped3A = tpu.sem_alloc : memref<!tpu.dma_semaphore, #tpu.memory_space<semaphore_mem>>
      %dma_start3A = tpu.memref_slice %arg12[%add3A_112] : memref<800000xi32, #tpu.memory_space<vmem_shared>> -> memref<10000xi32, #tpu.memory_space<vmem_shared>>
      %dma_start3A_184 = tpu.memref_slice %arg12[%add3A_112] : memref<800000xi32, #tpu.memory_space<vmem_shared>> -> memref<10000xi32, #tpu.memory_space<vmem_shared>>
      tpu.enqueue_dma source(%arg11 : memref<10000xi32, #tpu.memory_space<vmem>>) target(%dma_start3A_184 : memref<10000xi32, #tpu.memory_space<vmem_shared>>) target_semaphore(%run_scoped3A : memref<!tpu.dma_semaphore, #tpu.memory_space<semaphore_mem>>)
      %dma_wait3A = tpu.memref_slice %arg12[%add3A_112] : memref<800000xi32, #tpu.memory_space<vmem_shared>> -> memref<10000xi32, #tpu.memory_space<vmem_shared>>
      %dma_wait3A_185 = tpu.memref_slice %arg12[%add3A_112] : memref<800000xi32, #tpu.memory_space<vmem_shared>> -> memref<10000xi32, #tpu.memory_space<vmem_shared>>
      tpu.wait_dma2 semaphore(%run_scoped3A : memref<!tpu.dma_semaphore, #tpu.memory_space<semaphore_mem>>) src(%arg11 : memref<10000xi32, #tpu.memory_space<vmem>>) dst(%dma_wait3A_185 : memref<10000xi32, #tpu.memory_space<vmem_shared>>)
      tpu.yield
    }) : () -> ()
    %mul3A_113 = arith.constant 50000 : i32
    %mul3A_114 = arith.muli %arg1, %mul3A_113 : i32
    %add3A_115 = arith.constant 30000 : i32
    %add3A_116 = arith.addi %mul3A_114, %add3A_115 : i32
    "tpu.region"() ({
      %run_scoped3A = tpu.sem_alloc : memref<!tpu.dma_semaphore, #tpu.memory_space<semaphore_mem>>
      %dma_start3A = tpu.memref_slice %arg12[%add3A_116] : memref<800000xi32, #tpu.memory_space<vmem_shared>> -> memref<10000xi32, #tpu.memory_space<vmem_shared>>
      %dma_start3A_184 = tpu.memref_slice %arg12[%add3A_116] : memref<800000xi32, #tpu.memory_space<vmem_shared>> -> memref<10000xi32, #tpu.memory_space<vmem_shared>>
      tpu.enqueue_dma source(%arg11 : memref<10000xi32, #tpu.memory_space<vmem>>) target(%dma_start3A_184 : memref<10000xi32, #tpu.memory_space<vmem_shared>>) target_semaphore(%run_scoped3A : memref<!tpu.dma_semaphore, #tpu.memory_space<semaphore_mem>>)
      %dma_wait3A = tpu.memref_slice %arg12[%add3A_116] : memref<800000xi32, #tpu.memory_space<vmem_shared>> -> memref<10000xi32, #tpu.memory_space<vmem_shared>>
      %dma_wait3A_185 = tpu.memref_slice %arg12[%add3A_116] : memref<800000xi32, #tpu.memory_space<vmem_shared>> -> memref<10000xi32, #tpu.memory_space<vmem_shared>>
      tpu.wait_dma2 semaphore(%run_scoped3A : memref<!tpu.dma_semaphore, #tpu.memory_space<semaphore_mem>>) src(%arg11 : memref<10000xi32, #tpu.memory_space<vmem>>) dst(%dma_wait3A_185 : memref<10000xi32, #tpu.memory_space<vmem_shared>>)
      tpu.yield
    }) : () -> ()
    %mul3A_117 = arith.constant 50000 : i32
    %mul3A_118 = arith.muli %arg1, %mul3A_117 : i32
    %add3A_119 = arith.constant 40000 : i32
    %add3A_120 = arith.addi %mul3A_118, %add3A_119 : i32
    "tpu.region"() ({
      %run_scoped3A = tpu.sem_alloc : memref<!tpu.dma_semaphore, #tpu.memory_space<semaphore_mem>>
      %dma_start3A = tpu.memref_slice %arg12[%add3A_120] : memref<800000xi32, #tpu.memory_space<vmem_shared>> -> memref<10000xi32, #tpu.memory_space<vmem_shared>>
      %dma_start3A_184 = tpu.memref_slice %arg12[%add3A_120] : memref<800000xi32, #tpu.memory_space<vmem_shared>> -> memref<10000xi32, #tpu.memory_space<vmem_shared>>
      tpu.enqueue_dma source(%arg11 : memref<10000xi32, #tpu.memory_space<vmem>>) target(%dma_start3A_184 : memref<10000xi32, #tpu.memory_space<vmem_shared>>) target_semaphore(%run_scoped3A : memref<!tpu.dma_semaphore, #tpu.memory_space<semaphore_mem>>)
      %dma_wait3A = tpu.memref_slice %arg12[%add3A_120] : memref<800000xi32, #tpu.memory_space<vmem_shared>> -> memref<10000xi32, #tpu.memory_space<vmem_shared>>
      %dma_wait3A_185 = tpu.memref_slice %arg12[%add3A_120] : memref<800000xi32, #tpu.memory_space<vmem_shared>> -> memref<10000xi32, #tpu.memory_space<vmem_shared>>
      tpu.wait_dma2 semaphore(%run_scoped3A : memref<!tpu.dma_semaphore, #tpu.memory_space<semaphore_mem>>) src(%arg11 : memref<10000xi32, #tpu.memory_space<vmem>>) dst(%dma_wait3A_185 : memref<10000xi32, #tpu.memory_space<vmem_shared>>)
      tpu.yield
    }) : () -> ()
    %barrier3A_121 = arith.constant 0 : index
    tpu.barrier barrier_id(%barrier3A_121)
    %scan3A_122 = arith.constant 0 : i32
    %scan3A_123 = arith.constant 0 : i32
    %scan3A_124 = arith.constant 626 : i32
    %scan3A_125 = arith.addi %scan3A_123, %scan3A_124 : i32
    %scan3A_126 = arith.constant 1 : i32
    scf.for %scan3A_184 = %scan3A_123 to %scan3A_125 step %scan3A_126  : i32 {
      %mul3A_185 = arith.constant 16 : i32
      %mul3A_186 = arith.muli %scan3A_184, %mul3A_185 : i32
      %get3A = arith.index_cast %mul3A_186 : i32 to index
      %get3A_187 = tpu.vector_load %arg6[%get3A] {strides = array<i32>} : memref<10016xi32, #tpu.memory_space<vmem>>, vector<16xi32>,
      %get3A_188 = vector.shape_cast %get3A_187 : vector<16xi32> to vector<16xi32>
      %get3A_189 = arith.index_cast %mul3A_186 : i32 to index
      %get3A_190 = tpu.vector_load %arg7[%get3A_189] {strides = array<i32>} : memref<10016xi32, #tpu.memory_space<vmem>>, vector<16xi32>,
      %get3A_191 = vector.shape_cast %get3A_190 : vector<16xi32> to vector<16xi32>
      %get3A_192 = arith.index_cast %mul3A_186 : i32 to index
      %get3A_193 = tpu.vector_load %arg8[%get3A_192] {strides = array<i32>} : memref<10016xi32, #tpu.memory_space<vmem>>, vector<16xi32>,
      %get3A_194 = vector.shape_cast %get3A_193 : vector<16xi32> to vector<16xi32>
      %shift_right_arithmetic3A = arith.constant 5 : i32
      %shift_right_arithmetic3A_195 = vector.broadcast %shift_right_arithmetic3A : i32 to vector<16xi32>
      %shift_right_arithmetic3A_196 = arith.shrsi %get3A_191, %shift_right_arithmetic3A_195 : vector<16xi32>
      %and3A = arith.constant 31 : i32
      %and3A_197 = vector.broadcast %and3A : i32 to vector<16xi32>
      %and3A_198 = arith.andi %get3A_191, %and3A_197 : vector<16xi32>
      %shift_left3A = arith.shli %get3A_194, %and3A_198 : vector<16xi32>
      %sub3A = vector.broadcast %add3A_94 : i32 to vector<16xi32>
      %sub3A_199 = arith.subi %get3A_188, %sub3A : vector<16xi32>
      %ge3A = arith.constant 0 : i32
      %ge3A_200 = vector.broadcast %ge3A : i32 to vector<16xi32>
      %ge3A_201 = arith.cmpi sge, %sub3A_199, %ge3A_200 : vector<16xi32>
      %lt3A = arith.constant 2500 : i32
      %lt3A_202 = vector.broadcast %lt3A : i32 to vector<16xi32>
      %lt3A_203 = arith.cmpi slt, %sub3A_199, %lt3A_202 : vector<16xi32>
      %and3A_204 = arith.andi %ge3A_201, %lt3A_203 : vector<16xi1>
      %mul3A_205 = arith.constant 320 : i32
      %mul3A_206 = vector.broadcast %mul3A_205 : i32 to vector<16xi32>
      %mul3A_207 = arith.muli %sub3A_199, %mul3A_206 : vector<16xi32>
      %add3A_208 = arith.addi %mul3A_207, %shift_right_arithmetic3A_196 : vector<16xi32>
      %jit3A = arith.constant 0 : i32
      %broadcast_in_dim3A = vector.broadcast %jit3A : i32 to vector<16xi32>
      %select_n3A = arith.select %and3A_204, %add3A_208, %broadcast_in_dim3A : vector<16xi1>, vector<16xi32>
      %swap3A = arith.index_cast %mul3A_186 : i32 to index
      %swap3A_209 = tpu.vector_load %arg9[%swap3A] {strides = array<i32>} : memref<10016xi32, #tpu.memory_space<vmem>>, vector<16xi32>,
      %swap3A_210 = vector.shape_cast %swap3A_209 : vector<16xi32> to vector<16xi32>
      %swap3A_211 = vector.shape_cast %select_n3A : vector<16xi32> to vector<16xi32>
      tpu.vector_store %arg9[%swap3A], %swap3A_211 {strides = array<i32>} : memref<10016xi32, #tpu.memory_space<vmem>>, vector<16xi32>,
      %jit3A_212 = arith.constant 0 : i32
      %broadcast_in_dim3A_213 = vector.broadcast %jit3A_212 : i32 to vector<16xi32>
      %select_n3A_214 = arith.select %and3A_204, %shift_left3A, %broadcast_in_dim3A_213 : vector<16xi1>, vector<16xi32>
      %swap3A_215 = arith.index_cast %mul3A_186 : i32 to index
      %swap3A_216 = tpu.vector_load %arg10[%swap3A_215] {strides = array<i32>} : memref<10016xi32, #tpu.memory_space<vmem>>, vector<16xi32>,
      %swap3A_217 = vector.shape_cast %swap3A_216 : vector<16xi32> to vector<16xi32>
      %swap3A_218 = vector.shape_cast %select_n3A_214 : vector<16xi32> to vector<16xi32>
      tpu.vector_store %arg10[%swap3A_215], %swap3A_218 {strides = array<i32>} : memref<10016xi32, #tpu.memory_space<vmem>>, vector<16xi32>,
    }
    %scan3A_127 = arith.constant 626 : i32
    "tpu.region"() ({
      %run_scoped3A = tpu.sem_alloc : memref<!tpu.dma_semaphore, #tpu.memory_space<semaphore_mem>>
      %dma_start3A = arith.constant 0 : i32
      %dma_start3A_184 = tpu.memref_slice %arg12[%dma_start3A] : memref<800000xi32, #tpu.memory_space<vmem_shared>> -> memref<800000xi32, #tpu.memory_space<vmem_shared>>
      tpu.enqueue_indirect_dma source(%arg10 : memref<10016xi32, #tpu.memory_space<vmem>>) target(%dma_start3A_184 : memref<800000xi32, #tpu.memory_space<vmem_shared>>) offsets(%arg9 : memref<10016xi32, #tpu.memory_space<vmem>>) semaphore(%run_scoped3A : memref<!tpu.dma_semaphore, #tpu.memory_space<semaphore_mem>>) {add = true}
      %dma_wait3A = arith.constant 0 : i32
      %dma_wait3A_185 = tpu.memref_slice %arg12[%dma_wait3A] : memref<800000xi32, #tpu.memory_space<vmem_shared>> -> memref<800000xi32, #tpu.memory_space<vmem_shared>>
      tpu.wait_indirect_dma semaphore(%run_scoped3A : memref<!tpu.dma_semaphore, #tpu.memory_space<semaphore_mem>>) src(%arg10 : memref<10016xi32, #tpu.memory_space<vmem>>) dst(%dma_wait3A_185 : memref<800000xi32, #tpu.memory_space<vmem_shared>>)
      tpu.yield
    }) : () -> ()
    %barrier3A_128 = arith.constant 0 : index
    tpu.barrier barrier_id(%barrier3A_128)
    %mul3A_129 = arith.constant 50000 : i32
    %mul3A_130 = arith.muli %arg1, %mul3A_129 : i32
    %add3A_131 = arith.constant 0 : i32
    %add3A_132 = arith.addi %mul3A_130, %add3A_131 : i32
    "tpu.region"() ({
      %run_scoped3A = tpu.sem_alloc : memref<!tpu.dma_semaphore, #tpu.memory_space<semaphore_mem>>
      %dma_start3A = tpu.memref_slice %arg12[%add3A_132] : memref<800000xi32, #tpu.memory_space<vmem_shared>> -> memref<10000xi32, #tpu.memory_space<vmem_shared>>
      %dma_start3A_184 = tpu.memref_slice %arg12[%add3A_132] : memref<800000xi32, #tpu.memory_space<vmem_shared>> -> memref<10000xi32, #tpu.memory_space<vmem_shared>>
      tpu.enqueue_dma source(%dma_start3A_184 : memref<10000xi32, #tpu.memory_space<vmem_shared>>) target(%arg11 : memref<10000xi32, #tpu.memory_space<vmem>>) target_semaphore(%run_scoped3A : memref<!tpu.dma_semaphore, #tpu.memory_space<semaphore_mem>>)
      %dma_wait3A = tpu.memref_slice %arg12[%add3A_132] : memref<800000xi32, #tpu.memory_space<vmem_shared>> -> memref<10000xi32, #tpu.memory_space<vmem_shared>>
      %dma_wait3A_185 = tpu.memref_slice %arg12[%add3A_132] : memref<800000xi32, #tpu.memory_space<vmem_shared>> -> memref<10000xi32, #tpu.memory_space<vmem_shared>>
      tpu.wait_dma2 semaphore(%run_scoped3A : memref<!tpu.dma_semaphore, #tpu.memory_space<semaphore_mem>>) src(%dma_wait3A_185 : memref<10000xi32, #tpu.memory_space<vmem_shared>>) dst(%arg11 : memref<10000xi32, #tpu.memory_space<vmem>>)
      tpu.yield
    }) : () -> ()
    %mul3A_133 = arith.constant 320 : i32
    %mul3A_134 = arith.muli %add3A_94, %mul3A_133 : i32
    %mul3A_135 = arith.constant 50000 : i32
    %mul3A_136 = arith.muli %arg1, %mul3A_135 : i32
    %add3A_137 = arith.addi %mul3A_134, %mul3A_136 : i32
    %add3A_138 = arith.constant 0 : i32
    %add3A_139 = arith.addi %add3A_137, %add3A_138 : i32
    "tpu.region"() ({
      %run_scoped3A = tpu.sem_alloc : memref<!tpu.dma_semaphore, #tpu.memory_space<semaphore_mem>>
      %dma_start3A = tpu.memref_slice %arg5[%add3A_139] : memref<3200000xi32, #tpu.memory_space<hbm>> -> memref<10000xi32, #tpu.memory_space<hbm>>
      %dma_start3A_184 = tpu.memref_slice %arg5[%add3A_139] : memref<3200000xi32, #tpu.memory_space<hbm>> -> memref<10000xi32, #tpu.memory_space<hbm>>
      tpu.enqueue_dma source(%arg11 : memref<10000xi32, #tpu.memory_space<vmem>>) target(%dma_start3A_184 : memref<10000xi32, #tpu.memory_space<hbm>>) target_semaphore(%run_scoped3A : memref<!tpu.dma_semaphore, #tpu.memory_space<semaphore_mem>>)
      %dma_wait3A = tpu.memref_slice %arg5[%add3A_139] : memref<3200000xi32, #tpu.memory_space<hbm>> -> memref<10000xi32, #tpu.memory_space<hbm>>
      %dma_wait3A_185 = tpu.memref_slice %arg5[%add3A_139] : memref<3200000xi32, #tpu.memory_space<hbm>> -> memref<10000xi32, #tpu.memory_space<hbm>>
      tpu.wait_dma2 semaphore(%run_scoped3A : memref<!tpu.dma_semaphore, #tpu.memory_space<semaphore_mem>>) src(%arg11 : memref<10000xi32, #tpu.memory_space<vmem>>) dst(%dma_wait3A_185 : memref<10000xi32, #tpu.memory_space<hbm>>)
      tpu.yield
    }) : () -> ()
    %mul3A_140 = arith.constant 50000 : i32
    %mul3A_141 = arith.muli %arg1, %mul3A_140 : i32
    %add3A_142 = arith.constant 10000 : i32
    %add3A_143 = arith.addi %mul3A_141, %add3A_142 : i32
    "tpu.region"() ({
      %run_scoped3A = tpu.sem_alloc : memref<!tpu.dma_semaphore, #tpu.memory_space<semaphore_mem>>
      %dma_start3A = tpu.memref_slice %arg12[%add3A_143] : memref<800000xi32, #tpu.memory_space<vmem_shared>> -> memref<10000xi32, #tpu.memory_space<vmem_shared>>
      %dma_start3A_184 = tpu.memref_slice %arg12[%add3A_143] : memref<800000xi32, #tpu.memory_space<vmem_shared>> -> memref<10000xi32, #tpu.memory_space<vmem_shared>>
      tpu.enqueue_dma source(%dma_start3A_184 : memref<10000xi32, #tpu.memory_space<vmem_shared>>) target(%arg11 : memref<10000xi32, #tpu.memory_space<vmem>>) target_semaphore(%run_scoped3A : memref<!tpu.dma_semaphore, #tpu.memory_space<semaphore_mem>>)
      %dma_wait3A = tpu.memref_slice %arg12[%add3A_143] : memref<800000xi32, #tpu.memory_space<vmem_shared>> -> memref<10000xi32, #tpu.memory_space<vmem_shared>>
      %dma_wait3A_185 = tpu.memref_slice %arg12[%add3A_143] : memref<800000xi32, #tpu.memory_space<vmem_shared>> -> memref<10000xi32, #tpu.memory_space<vmem_shared>>
      tpu.wait_dma2 semaphore(%run_scoped3A : memref<!tpu.dma_semaphore, #tpu.memory_space<semaphore_mem>>) src(%dma_wait3A_185 : memref<10000xi32, #tpu.memory_space<vmem_shared>>) dst(%arg11 : memref<10000xi32, #tpu.memory_space<vmem>>)
      tpu.yield
    }) : () -> ()
    %mul3A_144 = arith.constant 320 : i32
    %mul3A_145 = arith.muli %add3A_94, %mul3A_144 : i32
    %mul3A_146 = arith.constant 50000 : i32
    %mul3A_147 = arith.muli %arg1, %mul3A_146 : i32
    %add3A_148 = arith.addi %mul3A_145, %mul3A_147 : i32
    %add3A_149 = arith.constant 10000 : i32
    %add3A_150 = arith.addi %add3A_148, %add3A_149 : i32
    "tpu.region"() ({
      %run_scoped3A = tpu.sem_alloc : memref<!tpu.dma_semaphore, #tpu.memory_space<semaphore_mem>>
      %dma_start3A = tpu.memref_slice %arg5[%add3A_150] : memref<3200000xi32, #tpu.memory_space<hbm>> -> memref<10000xi32, #tpu.memory_space<hbm>>
      %dma_start3A_184 = tpu.memref_slice %arg5[%add3A_150] : memref<3200000xi32, #tpu.memory_space<hbm>> -> memref<10000xi32, #tpu.memory_space<hbm>>
      tpu.enqueue_dma source(%arg11 : memref<10000xi32, #tpu.memory_space<vmem>>) target(%dma_start3A_184 : memref<10000xi32, #tpu.memory_space<hbm>>) target_semaphore(%run_scoped3A : memref<!tpu.dma_semaphore, #tpu.memory_space<semaphore_mem>>)
      %dma_wait3A = tpu.memref_slice %arg5[%add3A_150] : memref<3200000xi32, #tpu.memory_space<hbm>> -> memref<10000xi32, #tpu.memory_space<hbm>>
      %dma_wait3A_185 = tpu.memref_slice %arg5[%add3A_150] : memref<3200000xi32, #tpu.memory_space<hbm>> -> memref<10000xi32, #tpu.memory_space<hbm>>
      tpu.wait_dma2 semaphore(%run_scoped3A : memref<!tpu.dma_semaphore, #tpu.memory_space<semaphore_mem>>) src(%arg11 : memref<10000xi32, #tpu.memory_space<vmem>>) dst(%dma_wait3A_185 : memref<10000xi32, #tpu.memory_space<hbm>>)
      tpu.yield
    }) : () -> ()
    %mul3A_151 = arith.constant 50000 : i32
    %mul3A_152 = arith.muli %arg1, %mul3A_151 : i32
    %add3A_153 = arith.constant 20000 : i32
    %add3A_154 = arith.addi %mul3A_152, %add3A_153 : i32
    "tpu.region"() ({
      %run_scoped3A = tpu.sem_alloc : memref<!tpu.dma_semaphore, #tpu.memory_space<semaphore_mem>>
      %dma_start3A = tpu.memref_slice %arg12[%add3A_154] : memref<800000xi32, #tpu.memory_space<vmem_shared>> -> memref<10000xi32, #tpu.memory_space<vmem_shared>>
      %dma_start3A_184 = tpu.memref_slice %arg12[%add3A_154] : memref<800000xi32, #tpu.memory_space<vmem_shared>> -> memref<10000xi32, #tpu.memory_space<vmem_shared>>
      tpu.enqueue_dma source(%dma_start3A_184 : memref<10000xi32, #tpu.memory_space<vmem_shared>>) target(%arg11 : memref<10000xi32, #tpu.memory_space<vmem>>) target_semaphore(%run_scoped3A : memref<!tpu.dma_semaphore, #tpu.memory_space<semaphore_mem>>)
      %dma_wait3A = tpu.memref_slice %arg12[%add3A_154] : memref<800000xi32, #tpu.memory_space<vmem_shared>> -> memref<10000xi32, #tpu.memory_space<vmem_shared>>
      %dma_wait3A_185 = tpu.memref_slice %arg12[%add3A_154] : memref<800000xi32, #tpu.memory_space<vmem_shared>> -> memref<10000xi32, #tpu.memory_space<vmem_shared>>
      tpu.wait_dma2 semaphore(%run_scoped3A : memref<!tpu.dma_semaphore, #tpu.memory_space<semaphore_mem>>) src(%dma_wait3A_185 : memref<10000xi32, #tpu.memory_space<vmem_shared>>) dst(%arg11 : memref<10000xi32, #tpu.memory_space<vmem>>)
      tpu.yield
    }) : () -> ()
    %mul3A_155 = arith.constant 320 : i32
    %mul3A_156 = arith.muli %add3A_94, %mul3A_155 : i32
    %mul3A_157 = arith.constant 50000 : i32
    %mul3A_158 = arith.muli %arg1, %mul3A_157 : i32
    %add3A_159 = arith.addi %mul3A_156, %mul3A_158 : i32
    %add3A_160 = arith.constant 20000 : i32
    %add3A_161 = arith.addi %add3A_159, %add3A_160 : i32
    "tpu.region"() ({
      %run_scoped3A = tpu.sem_alloc : memref<!tpu.dma_semaphore, #tpu.memory_space<semaphore_mem>>
      %dma_start3A = tpu.memref_slice %arg5[%add3A_161] : memref<3200000xi32, #tpu.memory_space<hbm>> -> memref<10000xi32, #tpu.memory_space<hbm>>
      %dma_start3A_184 = tpu.memref_slice %arg5[%add3A_161] : memref<3200000xi32, #tpu.memory_space<hbm>> -> memref<10000xi32, #tpu.memory_space<hbm>>
      tpu.enqueue_dma source(%arg11 : memref<10000xi32, #tpu.memory_space<vmem>>) target(%dma_start3A_184 : memref<10000xi32, #tpu.memory_space<hbm>>) target_semaphore(%run_scoped3A : memref<!tpu.dma_semaphore, #tpu.memory_space<semaphore_mem>>)
      %dma_wait3A = tpu.memref_slice %arg5[%add3A_161] : memref<3200000xi32, #tpu.memory_space<hbm>> -> memref<10000xi32, #tpu.memory_space<hbm>>
      %dma_wait3A_185 = tpu.memref_slice %arg5[%add3A_161] : memref<3200000xi32, #tpu.memory_space<hbm>> -> memref<10000xi32, #tpu.memory_space<hbm>>
      tpu.wait_dma2 semaphore(%run_scoped3A : memref<!tpu.dma_semaphore, #tpu.memory_space<semaphore_mem>>) src(%arg11 : memref<10000xi32, #tpu.memory_space<vmem>>) dst(%dma_wait3A_185 : memref<10000xi32, #tpu.memory_space<hbm>>)
      tpu.yield
    }) : () -> ()
    %mul3A_162 = arith.constant 50000 : i32
    %mul3A_163 = arith.muli %arg1, %mul3A_162 : i32
    %add3A_164 = arith.constant 30000 : i32
    %add3A_165 = arith.addi %mul3A_163, %add3A_164 : i32
    "tpu.region"() ({
      %run_scoped3A = tpu.sem_alloc : memref<!tpu.dma_semaphore, #tpu.memory_space<semaphore_mem>>
      %dma_start3A = tpu.memref_slice %arg12[%add3A_165] : memref<800000xi32, #tpu.memory_space<vmem_shared>> -> memref<10000xi32, #tpu.memory_space<vmem_shared>>
      %dma_start3A_184 = tpu.memref_slice %arg12[%add3A_165] : memref<800000xi32, #tpu.memory_space<vmem_shared>> -> memref<10000xi32, #tpu.memory_space<vmem_shared>>
      tpu.enqueue_dma source(%dma_start3A_184 : memref<10000xi32, #tpu.memory_space<vmem_shared>>) target(%arg11 : memref<10000xi32, #tpu.memory_space<vmem>>) target_semaphore(%run_scoped3A : memref<!tpu.dma_semaphore, #tpu.memory_space<semaphore_mem>>)
      %dma_wait3A = tpu.memref_slice %arg12[%add3A_165] : memref<800000xi32, #tpu.memory_space<vmem_shared>> -> memref<10000xi32, #tpu.memory_space<vmem_shared>>
      %dma_wait3A_185 = tpu.memref_slice %arg12[%add3A_165] : memref<800000xi32, #tpu.memory_space<vmem_shared>> -> memref<10000xi32, #tpu.memory_space<vmem_shared>>
      tpu.wait_dma2 semaphore(%run_scoped3A : memref<!tpu.dma_semaphore, #tpu.memory_space<semaphore_mem>>) src(%dma_wait3A_185 : memref<10000xi32, #tpu.memory_space<vmem_shared>>) dst(%arg11 : memref<10000xi32, #tpu.memory_space<vmem>>)
      tpu.yield
    }) : () -> ()
    %mul3A_166 = arith.constant 320 : i32
    %mul3A_167 = arith.muli %add3A_94, %mul3A_166 : i32
    %mul3A_168 = arith.constant 50000 : i32
    %mul3A_169 = arith.muli %arg1, %mul3A_168 : i32
    %add3A_170 = arith.addi %mul3A_167, %mul3A_169 : i32
    %add3A_171 = arith.constant 30000 : i32
    %add3A_172 = arith.addi %add3A_170, %add3A_171 : i32
    "tpu.region"() ({
      %run_scoped3A = tpu.sem_alloc : memref<!tpu.dma_semaphore, #tpu.memory_space<semaphore_mem>>
      %dma_start3A = tpu.memref_slice %arg5[%add3A_172] : memref<3200000xi32, #tpu.memory_space<hbm>> -> memref<10000xi32, #tpu.memory_space<hbm>>
      %dma_start3A_184 = tpu.memref_slice %arg5[%add3A_172] : memref<3200000xi32, #tpu.memory_space<hbm>> -> memref<10000xi32, #tpu.memory_space<hbm>>
      tpu.enqueue_dma source(%arg11 : memref<10000xi32, #tpu.memory_space<vmem>>) target(%dma_start3A_184 : memref<10000xi32, #tpu.memory_space<hbm>>) target_semaphore(%run_scoped3A : memref<!tpu.dma_semaphore, #tpu.memory_space<semaphore_mem>>)
      %dma_wait3A = tpu.memref_slice %arg5[%add3A_172] : memref<3200000xi32, #tpu.memory_space<hbm>> -> memref<10000xi32, #tpu.memory_space<hbm>>
      %dma_wait3A_185 = tpu.memref_slice %arg5[%add3A_172] : memref<3200000xi32, #tpu.memory_space<hbm>> -> memref<10000xi32, #tpu.memory_space<hbm>>
      tpu.wait_dma2 semaphore(%run_scoped3A : memref<!tpu.dma_semaphore, #tpu.memory_space<semaphore_mem>>) src(%arg11 : memref<10000xi32, #tpu.memory_space<vmem>>) dst(%dma_wait3A_185 : memref<10000xi32, #tpu.memory_space<hbm>>)
      tpu.yield
    }) : () -> ()
    %mul3A_173 = arith.constant 50000 : i32
    %mul3A_174 = arith.muli %arg1, %mul3A_173 : i32
    %add3A_175 = arith.constant 40000 : i32
    %add3A_176 = arith.addi %mul3A_174, %add3A_175 : i32
    "tpu.region"() ({
      %run_scoped3A = tpu.sem_alloc : memref<!tpu.dma_semaphore, #tpu.memory_space<semaphore_mem>>
      %dma_start3A = tpu.memref_slice %arg12[%add3A_176] : memref<800000xi32, #tpu.memory_space<vmem_shared>> -> memref<10000xi32, #tpu.memory_space<vmem_shared>>
      %dma_start3A_184 = tpu.memref_slice %arg12[%add3A_176] : memref<800000xi32, #tpu.memory_space<vmem_shared>> -> memref<10000xi32, #tpu.memory_space<vmem_shared>>
      tpu.enqueue_dma source(%dma_start3A_184 : memref<10000xi32, #tpu.memory_space<vmem_shared>>) target(%arg11 : memref<10000xi32, #tpu.memory_space<vmem>>) target_semaphore(%run_scoped3A : memref<!tpu.dma_semaphore, #tpu.memory_space<semaphore_mem>>)
      %dma_wait3A = tpu.memref_slice %arg12[%add3A_176] : memref<800000xi32, #tpu.memory_space<vmem_shared>> -> memref<10000xi32, #tpu.memory_space<vmem_shared>>
      %dma_wait3A_185 = tpu.memref_slice %arg12[%add3A_176] : memref<800000xi32, #tpu.memory_space<vmem_shared>> -> memref<10000xi32, #tpu.memory_space<vmem_shared>>
      tpu.wait_dma2 semaphore(%run_scoped3A : memref<!tpu.dma_semaphore, #tpu.memory_space<semaphore_mem>>) src(%dma_wait3A_185 : memref<10000xi32, #tpu.memory_space<vmem_shared>>) dst(%arg11 : memref<10000xi32, #tpu.memory_space<vmem>>)
      tpu.yield
    }) : () -> ()
    %mul3A_177 = arith.constant 320 : i32
    %mul3A_178 = arith.muli %add3A_94, %mul3A_177 : i32
    %mul3A_179 = arith.constant 50000 : i32
    %mul3A_180 = arith.muli %arg1, %mul3A_179 : i32
    %add3A_181 = arith.addi %mul3A_178, %mul3A_180 : i32
    %add3A_182 = arith.constant 40000 : i32
    %add3A_183 = arith.addi %add3A_181, %add3A_182 : i32
    "tpu.region"() ({
      %run_scoped3A = tpu.sem_alloc : memref<!tpu.dma_semaphore, #tpu.memory_space<semaphore_mem>>
      %dma_start3A = tpu.memref_slice %arg5[%add3A_183] : memref<3200000xi32, #tpu.memory_space<hbm>> -> memref<10000xi32, #tpu.memory_space<hbm>>
      %dma_start3A_184 = tpu.memref_slice %arg5[%add3A_183] : memref<3200000xi32, #tpu.memory_space<hbm>> -> memref<10000xi32, #tpu.memory_space<hbm>>
      tpu.enqueue_dma source(%arg11 : memref<10000xi32, #tpu.memory_space<vmem>>) target(%dma_start3A_184 : memref<10000xi32, #tpu.memory_space<hbm>>) target_semaphore(%run_scoped3A : memref<!tpu.dma_semaphore, #tpu.memory_space<semaphore_mem>>)
      %dma_wait3A = tpu.memref_slice %arg5[%add3A_183] : memref<3200000xi32, #tpu.memory_space<hbm>> -> memref<10000xi32, #tpu.memory_space<hbm>>
      %dma_wait3A_185 = tpu.memref_slice %arg5[%add3A_183] : memref<3200000xi32, #tpu.memory_space<hbm>> -> memref<10000xi32, #tpu.memory_space<hbm>>
      tpu.wait_dma2 semaphore(%run_scoped3A : memref<!tpu.dma_semaphore, #tpu.memory_space<semaphore_mem>>) src(%arg11 : memref<10000xi32, #tpu.memory_space<vmem>>) dst(%dma_wait3A_185 : memref<10000xi32, #tpu.memory_space<hbm>>)
      tpu.yield
    }) : () -> ()
    return
  }
}

module attributes {stable_mosaic.version = 14 : i64} {
  func.func @_tc_body(%arg0: i32, %arg1: memref<512x384xi32, #tpu.memory_space<vmem>>, %arg2: memref<32x384x128xf32, #tpu.memory_space<vmem>>, %arg3: memref<512x128xf32, #tpu.memory_space<vmem>>, %arg4: memref<128x256xf32, #tpu.memory_space<vmem>>, %arg5: memref<1x256xf32, #tpu.memory_space<vmem>>, %arg6: memref<256x256xf32, #tpu.memory_space<vmem>>, %arg7: memref<1x256xf32, #tpu.memory_space<vmem>>, %arg8: memref<256x256xf32, #tpu.memory_space<vmem>>, %arg9: memref<1x256xf32, #tpu.memory_space<vmem>>, %arg10: memref<128x256xf32, #tpu.memory_space<vmem>>, %arg11: memref<1x256xf32, #tpu.memory_space<vmem>>, %arg12: memref<256x256xf32, #tpu.memory_space<vmem>>, %arg13: memref<1x256xf32, #tpu.memory_space<vmem>>, %arg14: memref<256x1xf32, #tpu.memory_space<vmem>>, %arg15: memref<1x1xf32, #tpu.memory_space<vmem>>, %arg16: memref<1x1xf32, #tpu.memory_space<vmem>>, %arg17: memref<512x1xf32, #tpu.memory_space<vmem>>) attributes {dimension_semantics = [#tpu.dimension_semantics<arbitrary>], iteration_bounds = array<i64: 8>, scalar_prefetch = 0 : i64, scratch_operands = 0 : i64, tpu.core_type = #tpu.core_type<tc>, window_params = [{transform_indices = @transform_0, window_bounds = array<i64: 512, 384>}, {pipeline_mode = #tpu.pipeline_mode<synchronous>, transform_indices = @transform_1, window_bounds = array<i64: 32, 384, 128>}, {transform_indices = @transform_2, window_bounds = array<i64: 512, 128>}, {pipeline_mode = #tpu.pipeline_mode<synchronous>, transform_indices = @transform_3, window_bounds = array<i64: 128, 256>}, {pipeline_mode = #tpu.pipeline_mode<synchronous>, transform_indices = @transform_4, window_bounds = array<i64: 1, 256>}, {pipeline_mode = #tpu.pipeline_mode<synchronous>, transform_indices = @transform_5, window_bounds = array<i64: 256, 256>}, {pipeline_mode = #tpu.pipeline_mode<synchronous>, transform_indices = @transform_6, window_bounds = array<i64: 1, 256>}, {pipeline_mode = #tpu.pipeline_mode<synchronous>, transform_indices = @transform_7, window_bounds = array<i64: 256, 256>}, {pipeline_mode = #tpu.pipeline_mode<synchronous>, transform_indices = @transform_8, window_bounds = array<i64: 1, 256>}, {pipeline_mode = #tpu.pipeline_mode<synchronous>, transform_indices = @transform_9, window_bounds = array<i64: 128, 256>}, {pipeline_mode = #tpu.pipeline_mode<synchronous>, transform_indices = @transform_10, window_bounds = array<i64: 1, 256>}, {pipeline_mode = #tpu.pipeline_mode<synchronous>, transform_indices = @transform_11, window_bounds = array<i64: 256, 256>}, {pipeline_mode = #tpu.pipeline_mode<synchronous>, transform_indices = @transform_12, window_bounds = array<i64: 1, 256>}, {pipeline_mode = #tpu.pipeline_mode<synchronous>, transform_indices = @transform_13, window_bounds = array<i64: 256, 1>}, {pipeline_mode = #tpu.pipeline_mode<synchronous>, transform_indices = @transform_14, window_bounds = array<i64: 1, 1>}, {pipeline_mode = #tpu.pipeline_mode<synchronous>, transform_indices = @transform_15, window_bounds = array<i64: 1, 1>}, {transform_indices = @transform_16, window_bounds = array<i64: 512, 1>}]} {
    %get3A = arith.constant 0 : index
    %get3A_0 = arith.constant 0 : index
    %get3A_1 = vector.load %arg1[%get3A, %get3A_0] : memref<512x384xi32, #tpu.memory_space<vmem>>, vector<512x384xi32>
    %broadcast_in_dim3A = arith.constant 0.000000e+00 : f32
    %broadcast_in_dim3A_2 = vector.broadcast %broadcast_in_dim3A : f32 to vector<512x128xf32>
    %shift_right_arithmetic3A = arith.constant 0 : i32
    %shift_right_arithmetic3A_3 = vector.broadcast %shift_right_arithmetic3A : i32 to vector<512x384xi32>
    %shift_right_arithmetic3A_4 = arith.shrsi %get3A_1, %shift_right_arithmetic3A_3 : vector<512x384xi32>
    %and3A = arith.constant 1 : i32
    %and3A_5 = vector.broadcast %and3A : i32 to vector<512x384xi32>
    %and3A_6 = arith.andi %shift_right_arithmetic3A_4, %and3A_5 : vector<512x384xi32>
    %convert_element_type3A = arith.sitofp %and3A_6 : vector<512x384xi32> to vector<512x384xf32>
    %get3A_7 = arith.constant 0 : index
    %get3A_8 = arith.constant 0 : index
    %get3A_9 = arith.constant 0 : index
    %get3A_10 = vector.load %arg2[%get3A_7, %get3A_8, %get3A_9] : memref<32x384x128xf32, #tpu.memory_space<vmem>>, vector<1x384x128xf32>
    %get3A_11 = vector.shape_cast %get3A_10 : vector<1x384x128xf32> to vector<384x128xf32>
    %dot_general3A = arith.constant dense<0.000000e+00> : vector<512x128xf32>
    %dot_general3A_12 = tpu.matmul %convert_element_type3A, %get3A_11, %dot_general3A {dimension_numbers = #tpu.dot_dimension_numbers<[1], [0], [0], [1], [0, 0, 1, 1], [], []>, transpose_lhs_hint = false} : vector<512x384xf32>, vector<384x128xf32>, vector<512x128xf32> -> vector<512x128xf32>
    %add3A = arith.addf %broadcast_in_dim3A_2, %dot_general3A_12 : vector<512x128xf32>
    %shift_right_arithmetic3A_13 = arith.constant 1 : i32
    %shift_right_arithmetic3A_14 = vector.broadcast %shift_right_arithmetic3A_13 : i32 to vector<512x384xi32>
    %shift_right_arithmetic3A_15 = arith.shrsi %get3A_1, %shift_right_arithmetic3A_14 : vector<512x384xi32>
    %and3A_16 = arith.constant 1 : i32
    %and3A_17 = vector.broadcast %and3A_16 : i32 to vector<512x384xi32>
    %and3A_18 = arith.andi %shift_right_arithmetic3A_15, %and3A_17 : vector<512x384xi32>
    %convert_element_type3A_19 = arith.sitofp %and3A_18 : vector<512x384xi32> to vector<512x384xf32>
    %get3A_20 = arith.constant 1 : index
    %get3A_21 = arith.constant 0 : index
    %get3A_22 = arith.constant 0 : index
    %get3A_23 = vector.load %arg2[%get3A_20, %get3A_21, %get3A_22] : memref<32x384x128xf32, #tpu.memory_space<vmem>>, vector<1x384x128xf32>
    %get3A_24 = vector.shape_cast %get3A_23 : vector<1x384x128xf32> to vector<384x128xf32>
    %dot_general3A_25 = arith.constant dense<0.000000e+00> : vector<512x128xf32>
    %dot_general3A_26 = tpu.matmul %convert_element_type3A_19, %get3A_24, %dot_general3A_25 {dimension_numbers = #tpu.dot_dimension_numbers<[1], [0], [0], [1], [0, 0, 1, 1], [], []>, transpose_lhs_hint = false} : vector<512x384xf32>, vector<384x128xf32>, vector<512x128xf32> -> vector<512x128xf32>
    %add3A_27 = arith.addf %add3A, %dot_general3A_26 : vector<512x128xf32>
    %shift_right_arithmetic3A_28 = arith.constant 2 : i32
    %shift_right_arithmetic3A_29 = vector.broadcast %shift_right_arithmetic3A_28 : i32 to vector<512x384xi32>
    %shift_right_arithmetic3A_30 = arith.shrsi %get3A_1, %shift_right_arithmetic3A_29 : vector<512x384xi32>
    %and3A_31 = arith.constant 1 : i32
    %and3A_32 = vector.broadcast %and3A_31 : i32 to vector<512x384xi32>
    %and3A_33 = arith.andi %shift_right_arithmetic3A_30, %and3A_32 : vector<512x384xi32>
    %convert_element_type3A_34 = arith.sitofp %and3A_33 : vector<512x384xi32> to vector<512x384xf32>
    %get3A_35 = arith.constant 2 : index
    %get3A_36 = arith.constant 0 : index
    %get3A_37 = arith.constant 0 : index
    %get3A_38 = vector.load %arg2[%get3A_35, %get3A_36, %get3A_37] : memref<32x384x128xf32, #tpu.memory_space<vmem>>, vector<1x384x128xf32>
    %get3A_39 = vector.shape_cast %get3A_38 : vector<1x384x128xf32> to vector<384x128xf32>
    %dot_general3A_40 = arith.constant dense<0.000000e+00> : vector<512x128xf32>
    %dot_general3A_41 = tpu.matmul %convert_element_type3A_34, %get3A_39, %dot_general3A_40 {dimension_numbers = #tpu.dot_dimension_numbers<[1], [0], [0], [1], [0, 0, 1, 1], [], []>, transpose_lhs_hint = false} : vector<512x384xf32>, vector<384x128xf32>, vector<512x128xf32> -> vector<512x128xf32>
    %add3A_42 = arith.addf %add3A_27, %dot_general3A_41 : vector<512x128xf32>
    %shift_right_arithmetic3A_43 = arith.constant 3 : i32
    %shift_right_arithmetic3A_44 = vector.broadcast %shift_right_arithmetic3A_43 : i32 to vector<512x384xi32>
    %shift_right_arithmetic3A_45 = arith.shrsi %get3A_1, %shift_right_arithmetic3A_44 : vector<512x384xi32>
    %and3A_46 = arith.constant 1 : i32
    %and3A_47 = vector.broadcast %and3A_46 : i32 to vector<512x384xi32>
    %and3A_48 = arith.andi %shift_right_arithmetic3A_45, %and3A_47 : vector<512x384xi32>
    %convert_element_type3A_49 = arith.sitofp %and3A_48 : vector<512x384xi32> to vector<512x384xf32>
    %get3A_50 = arith.constant 3 : index
    %get3A_51 = arith.constant 0 : index
    %get3A_52 = arith.constant 0 : index
    %get3A_53 = vector.load %arg2[%get3A_50, %get3A_51, %get3A_52] : memref<32x384x128xf32, #tpu.memory_space<vmem>>, vector<1x384x128xf32>
    %get3A_54 = vector.shape_cast %get3A_53 : vector<1x384x128xf32> to vector<384x128xf32>
    %dot_general3A_55 = arith.constant dense<0.000000e+00> : vector<512x128xf32>
    %dot_general3A_56 = tpu.matmul %convert_element_type3A_49, %get3A_54, %dot_general3A_55 {dimension_numbers = #tpu.dot_dimension_numbers<[1], [0], [0], [1], [0, 0, 1, 1], [], []>, transpose_lhs_hint = false} : vector<512x384xf32>, vector<384x128xf32>, vector<512x128xf32> -> vector<512x128xf32>
    %add3A_57 = arith.addf %add3A_42, %dot_general3A_56 : vector<512x128xf32>
    %shift_right_arithmetic3A_58 = arith.constant 4 : i32
    %shift_right_arithmetic3A_59 = vector.broadcast %shift_right_arithmetic3A_58 : i32 to vector<512x384xi32>
    %shift_right_arithmetic3A_60 = arith.shrsi %get3A_1, %shift_right_arithmetic3A_59 : vector<512x384xi32>
    %and3A_61 = arith.constant 1 : i32
    %and3A_62 = vector.broadcast %and3A_61 : i32 to vector<512x384xi32>
    %and3A_63 = arith.andi %shift_right_arithmetic3A_60, %and3A_62 : vector<512x384xi32>
    %convert_element_type3A_64 = arith.sitofp %and3A_63 : vector<512x384xi32> to vector<512x384xf32>
    %get3A_65 = arith.constant 4 : index
    %get3A_66 = arith.constant 0 : index
    %get3A_67 = arith.constant 0 : index
    %get3A_68 = vector.load %arg2[%get3A_65, %get3A_66, %get3A_67] : memref<32x384x128xf32, #tpu.memory_space<vmem>>, vector<1x384x128xf32>
    %get3A_69 = vector.shape_cast %get3A_68 : vector<1x384x128xf32> to vector<384x128xf32>
    %dot_general3A_70 = arith.constant dense<0.000000e+00> : vector<512x128xf32>
    %dot_general3A_71 = tpu.matmul %convert_element_type3A_64, %get3A_69, %dot_general3A_70 {dimension_numbers = #tpu.dot_dimension_numbers<[1], [0], [0], [1], [0, 0, 1, 1], [], []>, transpose_lhs_hint = false} : vector<512x384xf32>, vector<384x128xf32>, vector<512x128xf32> -> vector<512x128xf32>
    %add3A_72 = arith.addf %add3A_57, %dot_general3A_71 : vector<512x128xf32>
    %shift_right_arithmetic3A_73 = arith.constant 5 : i32
    %shift_right_arithmetic3A_74 = vector.broadcast %shift_right_arithmetic3A_73 : i32 to vector<512x384xi32>
    %shift_right_arithmetic3A_75 = arith.shrsi %get3A_1, %shift_right_arithmetic3A_74 : vector<512x384xi32>
    %and3A_76 = arith.constant 1 : i32
    %and3A_77 = vector.broadcast %and3A_76 : i32 to vector<512x384xi32>
    %and3A_78 = arith.andi %shift_right_arithmetic3A_75, %and3A_77 : vector<512x384xi32>
    %convert_element_type3A_79 = arith.sitofp %and3A_78 : vector<512x384xi32> to vector<512x384xf32>
    %get3A_80 = arith.constant 5 : index
    %get3A_81 = arith.constant 0 : index
    %get3A_82 = arith.constant 0 : index
    %get3A_83 = vector.load %arg2[%get3A_80, %get3A_81, %get3A_82] : memref<32x384x128xf32, #tpu.memory_space<vmem>>, vector<1x384x128xf32>
    %get3A_84 = vector.shape_cast %get3A_83 : vector<1x384x128xf32> to vector<384x128xf32>
    %dot_general3A_85 = arith.constant dense<0.000000e+00> : vector<512x128xf32>
    %dot_general3A_86 = tpu.matmul %convert_element_type3A_79, %get3A_84, %dot_general3A_85 {dimension_numbers = #tpu.dot_dimension_numbers<[1], [0], [0], [1], [0, 0, 1, 1], [], []>, transpose_lhs_hint = false} : vector<512x384xf32>, vector<384x128xf32>, vector<512x128xf32> -> vector<512x128xf32>
    %add3A_87 = arith.addf %add3A_72, %dot_general3A_86 : vector<512x128xf32>
    %shift_right_arithmetic3A_88 = arith.constant 6 : i32
    %shift_right_arithmetic3A_89 = vector.broadcast %shift_right_arithmetic3A_88 : i32 to vector<512x384xi32>
    %shift_right_arithmetic3A_90 = arith.shrsi %get3A_1, %shift_right_arithmetic3A_89 : vector<512x384xi32>
    %and3A_91 = arith.constant 1 : i32
    %and3A_92 = vector.broadcast %and3A_91 : i32 to vector<512x384xi32>
    %and3A_93 = arith.andi %shift_right_arithmetic3A_90, %and3A_92 : vector<512x384xi32>
    %convert_element_type3A_94 = arith.sitofp %and3A_93 : vector<512x384xi32> to vector<512x384xf32>
    %get3A_95 = arith.constant 6 : index
    %get3A_96 = arith.constant 0 : index
    %get3A_97 = arith.constant 0 : index
    %get3A_98 = vector.load %arg2[%get3A_95, %get3A_96, %get3A_97] : memref<32x384x128xf32, #tpu.memory_space<vmem>>, vector<1x384x128xf32>
    %get3A_99 = vector.shape_cast %get3A_98 : vector<1x384x128xf32> to vector<384x128xf32>
    %dot_general3A_100 = arith.constant dense<0.000000e+00> : vector<512x128xf32>
    %dot_general3A_101 = tpu.matmul %convert_element_type3A_94, %get3A_99, %dot_general3A_100 {dimension_numbers = #tpu.dot_dimension_numbers<[1], [0], [0], [1], [0, 0, 1, 1], [], []>, transpose_lhs_hint = false} : vector<512x384xf32>, vector<384x128xf32>, vector<512x128xf32> -> vector<512x128xf32>
    %add3A_102 = arith.addf %add3A_87, %dot_general3A_101 : vector<512x128xf32>
    %shift_right_arithmetic3A_103 = arith.constant 7 : i32
    %shift_right_arithmetic3A_104 = vector.broadcast %shift_right_arithmetic3A_103 : i32 to vector<512x384xi32>
    %shift_right_arithmetic3A_105 = arith.shrsi %get3A_1, %shift_right_arithmetic3A_104 : vector<512x384xi32>
    %and3A_106 = arith.constant 1 : i32
    %and3A_107 = vector.broadcast %and3A_106 : i32 to vector<512x384xi32>
    %and3A_108 = arith.andi %shift_right_arithmetic3A_105, %and3A_107 : vector<512x384xi32>
    %convert_element_type3A_109 = arith.sitofp %and3A_108 : vector<512x384xi32> to vector<512x384xf32>
    %get3A_110 = arith.constant 7 : index
    %get3A_111 = arith.constant 0 : index
    %get3A_112 = arith.constant 0 : index
    %get3A_113 = vector.load %arg2[%get3A_110, %get3A_111, %get3A_112] : memref<32x384x128xf32, #tpu.memory_space<vmem>>, vector<1x384x128xf32>
    %get3A_114 = vector.shape_cast %get3A_113 : vector<1x384x128xf32> to vector<384x128xf32>
    %dot_general3A_115 = arith.constant dense<0.000000e+00> : vector<512x128xf32>
    %dot_general3A_116 = tpu.matmul %convert_element_type3A_109, %get3A_114, %dot_general3A_115 {dimension_numbers = #tpu.dot_dimension_numbers<[1], [0], [0], [1], [0, 0, 1, 1], [], []>, transpose_lhs_hint = false} : vector<512x384xf32>, vector<384x128xf32>, vector<512x128xf32> -> vector<512x128xf32>
    %add3A_117 = arith.addf %add3A_102, %dot_general3A_116 : vector<512x128xf32>
    %shift_right_arithmetic3A_118 = arith.constant 8 : i32
    %shift_right_arithmetic3A_119 = vector.broadcast %shift_right_arithmetic3A_118 : i32 to vector<512x384xi32>
    %shift_right_arithmetic3A_120 = arith.shrsi %get3A_1, %shift_right_arithmetic3A_119 : vector<512x384xi32>
    %and3A_121 = arith.constant 1 : i32
    %and3A_122 = vector.broadcast %and3A_121 : i32 to vector<512x384xi32>
    %and3A_123 = arith.andi %shift_right_arithmetic3A_120, %and3A_122 : vector<512x384xi32>
    %convert_element_type3A_124 = arith.sitofp %and3A_123 : vector<512x384xi32> to vector<512x384xf32>
    %get3A_125 = arith.constant 8 : index
    %get3A_126 = arith.constant 0 : index
    %get3A_127 = arith.constant 0 : index
    %get3A_128 = vector.load %arg2[%get3A_125, %get3A_126, %get3A_127] : memref<32x384x128xf32, #tpu.memory_space<vmem>>, vector<1x384x128xf32>
    %get3A_129 = vector.shape_cast %get3A_128 : vector<1x384x128xf32> to vector<384x128xf32>
    %dot_general3A_130 = arith.constant dense<0.000000e+00> : vector<512x128xf32>
    %dot_general3A_131 = tpu.matmul %convert_element_type3A_124, %get3A_129, %dot_general3A_130 {dimension_numbers = #tpu.dot_dimension_numbers<[1], [0], [0], [1], [0, 0, 1, 1], [], []>, transpose_lhs_hint = false} : vector<512x384xf32>, vector<384x128xf32>, vector<512x128xf32> -> vector<512x128xf32>
    %add3A_132 = arith.addf %add3A_117, %dot_general3A_131 : vector<512x128xf32>
    %shift_right_arithmetic3A_133 = arith.constant 9 : i32
    %shift_right_arithmetic3A_134 = vector.broadcast %shift_right_arithmetic3A_133 : i32 to vector<512x384xi32>
    %shift_right_arithmetic3A_135 = arith.shrsi %get3A_1, %shift_right_arithmetic3A_134 : vector<512x384xi32>
    %and3A_136 = arith.constant 1 : i32
    %and3A_137 = vector.broadcast %and3A_136 : i32 to vector<512x384xi32>
    %and3A_138 = arith.andi %shift_right_arithmetic3A_135, %and3A_137 : vector<512x384xi32>
    %convert_element_type3A_139 = arith.sitofp %and3A_138 : vector<512x384xi32> to vector<512x384xf32>
    %get3A_140 = arith.constant 9 : index
    %get3A_141 = arith.constant 0 : index
    %get3A_142 = arith.constant 0 : index
    %get3A_143 = vector.load %arg2[%get3A_140, %get3A_141, %get3A_142] : memref<32x384x128xf32, #tpu.memory_space<vmem>>, vector<1x384x128xf32>
    %get3A_144 = vector.shape_cast %get3A_143 : vector<1x384x128xf32> to vector<384x128xf32>
    %dot_general3A_145 = arith.constant dense<0.000000e+00> : vector<512x128xf32>
    %dot_general3A_146 = tpu.matmul %convert_element_type3A_139, %get3A_144, %dot_general3A_145 {dimension_numbers = #tpu.dot_dimension_numbers<[1], [0], [0], [1], [0, 0, 1, 1], [], []>, transpose_lhs_hint = false} : vector<512x384xf32>, vector<384x128xf32>, vector<512x128xf32> -> vector<512x128xf32>
    %add3A_147 = arith.addf %add3A_132, %dot_general3A_146 : vector<512x128xf32>
    %shift_right_arithmetic3A_148 = arith.constant 10 : i32
    %shift_right_arithmetic3A_149 = vector.broadcast %shift_right_arithmetic3A_148 : i32 to vector<512x384xi32>
    %shift_right_arithmetic3A_150 = arith.shrsi %get3A_1, %shift_right_arithmetic3A_149 : vector<512x384xi32>
    %and3A_151 = arith.constant 1 : i32
    %and3A_152 = vector.broadcast %and3A_151 : i32 to vector<512x384xi32>
    %and3A_153 = arith.andi %shift_right_arithmetic3A_150, %and3A_152 : vector<512x384xi32>
    %convert_element_type3A_154 = arith.sitofp %and3A_153 : vector<512x384xi32> to vector<512x384xf32>
    %get3A_155 = arith.constant 10 : index
    %get3A_156 = arith.constant 0 : index
    %get3A_157 = arith.constant 0 : index
    %get3A_158 = vector.load %arg2[%get3A_155, %get3A_156, %get3A_157] : memref<32x384x128xf32, #tpu.memory_space<vmem>>, vector<1x384x128xf32>
    %get3A_159 = vector.shape_cast %get3A_158 : vector<1x384x128xf32> to vector<384x128xf32>
    %dot_general3A_160 = arith.constant dense<0.000000e+00> : vector<512x128xf32>
    %dot_general3A_161 = tpu.matmul %convert_element_type3A_154, %get3A_159, %dot_general3A_160 {dimension_numbers = #tpu.dot_dimension_numbers<[1], [0], [0], [1], [0, 0, 1, 1], [], []>, transpose_lhs_hint = false} : vector<512x384xf32>, vector<384x128xf32>, vector<512x128xf32> -> vector<512x128xf32>
    %add3A_162 = arith.addf %add3A_147, %dot_general3A_161 : vector<512x128xf32>
    %shift_right_arithmetic3A_163 = arith.constant 11 : i32
    %shift_right_arithmetic3A_164 = vector.broadcast %shift_right_arithmetic3A_163 : i32 to vector<512x384xi32>
    %shift_right_arithmetic3A_165 = arith.shrsi %get3A_1, %shift_right_arithmetic3A_164 : vector<512x384xi32>
    %and3A_166 = arith.constant 1 : i32
    %and3A_167 = vector.broadcast %and3A_166 : i32 to vector<512x384xi32>
    %and3A_168 = arith.andi %shift_right_arithmetic3A_165, %and3A_167 : vector<512x384xi32>
    %convert_element_type3A_169 = arith.sitofp %and3A_168 : vector<512x384xi32> to vector<512x384xf32>
    %get3A_170 = arith.constant 11 : index
    %get3A_171 = arith.constant 0 : index
    %get3A_172 = arith.constant 0 : index
    %get3A_173 = vector.load %arg2[%get3A_170, %get3A_171, %get3A_172] : memref<32x384x128xf32, #tpu.memory_space<vmem>>, vector<1x384x128xf32>
    %get3A_174 = vector.shape_cast %get3A_173 : vector<1x384x128xf32> to vector<384x128xf32>
    %dot_general3A_175 = arith.constant dense<0.000000e+00> : vector<512x128xf32>
    %dot_general3A_176 = tpu.matmul %convert_element_type3A_169, %get3A_174, %dot_general3A_175 {dimension_numbers = #tpu.dot_dimension_numbers<[1], [0], [0], [1], [0, 0, 1, 1], [], []>, transpose_lhs_hint = false} : vector<512x384xf32>, vector<384x128xf32>, vector<512x128xf32> -> vector<512x128xf32>
    %add3A_177 = arith.addf %add3A_162, %dot_general3A_176 : vector<512x128xf32>
    %shift_right_arithmetic3A_178 = arith.constant 12 : i32
    %shift_right_arithmetic3A_179 = vector.broadcast %shift_right_arithmetic3A_178 : i32 to vector<512x384xi32>
    %shift_right_arithmetic3A_180 = arith.shrsi %get3A_1, %shift_right_arithmetic3A_179 : vector<512x384xi32>
    %and3A_181 = arith.constant 1 : i32
    %and3A_182 = vector.broadcast %and3A_181 : i32 to vector<512x384xi32>
    %and3A_183 = arith.andi %shift_right_arithmetic3A_180, %and3A_182 : vector<512x384xi32>
    %convert_element_type3A_184 = arith.sitofp %and3A_183 : vector<512x384xi32> to vector<512x384xf32>
    %get3A_185 = arith.constant 12 : index
    %get3A_186 = arith.constant 0 : index
    %get3A_187 = arith.constant 0 : index
    %get3A_188 = vector.load %arg2[%get3A_185, %get3A_186, %get3A_187] : memref<32x384x128xf32, #tpu.memory_space<vmem>>, vector<1x384x128xf32>
    %get3A_189 = vector.shape_cast %get3A_188 : vector<1x384x128xf32> to vector<384x128xf32>
    %dot_general3A_190 = arith.constant dense<0.000000e+00> : vector<512x128xf32>
    %dot_general3A_191 = tpu.matmul %convert_element_type3A_184, %get3A_189, %dot_general3A_190 {dimension_numbers = #tpu.dot_dimension_numbers<[1], [0], [0], [1], [0, 0, 1, 1], [], []>, transpose_lhs_hint = false} : vector<512x384xf32>, vector<384x128xf32>, vector<512x128xf32> -> vector<512x128xf32>
    %add3A_192 = arith.addf %add3A_177, %dot_general3A_191 : vector<512x128xf32>
    %shift_right_arithmetic3A_193 = arith.constant 13 : i32
    %shift_right_arithmetic3A_194 = vector.broadcast %shift_right_arithmetic3A_193 : i32 to vector<512x384xi32>
    %shift_right_arithmetic3A_195 = arith.shrsi %get3A_1, %shift_right_arithmetic3A_194 : vector<512x384xi32>
    %and3A_196 = arith.constant 1 : i32
    %and3A_197 = vector.broadcast %and3A_196 : i32 to vector<512x384xi32>
    %and3A_198 = arith.andi %shift_right_arithmetic3A_195, %and3A_197 : vector<512x384xi32>
    %convert_element_type3A_199 = arith.sitofp %and3A_198 : vector<512x384xi32> to vector<512x384xf32>
    %get3A_200 = arith.constant 13 : index
    %get3A_201 = arith.constant 0 : index
    %get3A_202 = arith.constant 0 : index
    %get3A_203 = vector.load %arg2[%get3A_200, %get3A_201, %get3A_202] : memref<32x384x128xf32, #tpu.memory_space<vmem>>, vector<1x384x128xf32>
    %get3A_204 = vector.shape_cast %get3A_203 : vector<1x384x128xf32> to vector<384x128xf32>
    %dot_general3A_205 = arith.constant dense<0.000000e+00> : vector<512x128xf32>
    %dot_general3A_206 = tpu.matmul %convert_element_type3A_199, %get3A_204, %dot_general3A_205 {dimension_numbers = #tpu.dot_dimension_numbers<[1], [0], [0], [1], [0, 0, 1, 1], [], []>, transpose_lhs_hint = false} : vector<512x384xf32>, vector<384x128xf32>, vector<512x128xf32> -> vector<512x128xf32>
    %add3A_207 = arith.addf %add3A_192, %dot_general3A_206 : vector<512x128xf32>
    %shift_right_arithmetic3A_208 = arith.constant 14 : i32
    %shift_right_arithmetic3A_209 = vector.broadcast %shift_right_arithmetic3A_208 : i32 to vector<512x384xi32>
    %shift_right_arithmetic3A_210 = arith.shrsi %get3A_1, %shift_right_arithmetic3A_209 : vector<512x384xi32>
    %and3A_211 = arith.constant 1 : i32
    %and3A_212 = vector.broadcast %and3A_211 : i32 to vector<512x384xi32>
    %and3A_213 = arith.andi %shift_right_arithmetic3A_210, %and3A_212 : vector<512x384xi32>
    %convert_element_type3A_214 = arith.sitofp %and3A_213 : vector<512x384xi32> to vector<512x384xf32>
    %get3A_215 = arith.constant 14 : index
    %get3A_216 = arith.constant 0 : index
    %get3A_217 = arith.constant 0 : index
    %get3A_218 = vector.load %arg2[%get3A_215, %get3A_216, %get3A_217] : memref<32x384x128xf32, #tpu.memory_space<vmem>>, vector<1x384x128xf32>
    %get3A_219 = vector.shape_cast %get3A_218 : vector<1x384x128xf32> to vector<384x128xf32>
    %dot_general3A_220 = arith.constant dense<0.000000e+00> : vector<512x128xf32>
    %dot_general3A_221 = tpu.matmul %convert_element_type3A_214, %get3A_219, %dot_general3A_220 {dimension_numbers = #tpu.dot_dimension_numbers<[1], [0], [0], [1], [0, 0, 1, 1], [], []>, transpose_lhs_hint = false} : vector<512x384xf32>, vector<384x128xf32>, vector<512x128xf32> -> vector<512x128xf32>
    %add3A_222 = arith.addf %add3A_207, %dot_general3A_221 : vector<512x128xf32>
    %shift_right_arithmetic3A_223 = arith.constant 15 : i32
    %shift_right_arithmetic3A_224 = vector.broadcast %shift_right_arithmetic3A_223 : i32 to vector<512x384xi32>
    %shift_right_arithmetic3A_225 = arith.shrsi %get3A_1, %shift_right_arithmetic3A_224 : vector<512x384xi32>
    %and3A_226 = arith.constant 1 : i32
    %and3A_227 = vector.broadcast %and3A_226 : i32 to vector<512x384xi32>
    %and3A_228 = arith.andi %shift_right_arithmetic3A_225, %and3A_227 : vector<512x384xi32>
    %convert_element_type3A_229 = arith.sitofp %and3A_228 : vector<512x384xi32> to vector<512x384xf32>
    %get3A_230 = arith.constant 15 : index
    %get3A_231 = arith.constant 0 : index
    %get3A_232 = arith.constant 0 : index
    %get3A_233 = vector.load %arg2[%get3A_230, %get3A_231, %get3A_232] : memref<32x384x128xf32, #tpu.memory_space<vmem>>, vector<1x384x128xf32>
    %get3A_234 = vector.shape_cast %get3A_233 : vector<1x384x128xf32> to vector<384x128xf32>
    %dot_general3A_235 = arith.constant dense<0.000000e+00> : vector<512x128xf32>
    %dot_general3A_236 = tpu.matmul %convert_element_type3A_229, %get3A_234, %dot_general3A_235 {dimension_numbers = #tpu.dot_dimension_numbers<[1], [0], [0], [1], [0, 0, 1, 1], [], []>, transpose_lhs_hint = false} : vector<512x384xf32>, vector<384x128xf32>, vector<512x128xf32> -> vector<512x128xf32>
    %add3A_237 = arith.addf %add3A_222, %dot_general3A_236 : vector<512x128xf32>
    %shift_right_arithmetic3A_238 = arith.constant 16 : i32
    %shift_right_arithmetic3A_239 = vector.broadcast %shift_right_arithmetic3A_238 : i32 to vector<512x384xi32>
    %shift_right_arithmetic3A_240 = arith.shrsi %get3A_1, %shift_right_arithmetic3A_239 : vector<512x384xi32>
    %and3A_241 = arith.constant 1 : i32
    %and3A_242 = vector.broadcast %and3A_241 : i32 to vector<512x384xi32>
    %and3A_243 = arith.andi %shift_right_arithmetic3A_240, %and3A_242 : vector<512x384xi32>
    %convert_element_type3A_244 = arith.sitofp %and3A_243 : vector<512x384xi32> to vector<512x384xf32>
    %get3A_245 = arith.constant 16 : index
    %get3A_246 = arith.constant 0 : index
    %get3A_247 = arith.constant 0 : index
    %get3A_248 = vector.load %arg2[%get3A_245, %get3A_246, %get3A_247] : memref<32x384x128xf32, #tpu.memory_space<vmem>>, vector<1x384x128xf32>
    %get3A_249 = vector.shape_cast %get3A_248 : vector<1x384x128xf32> to vector<384x128xf32>
    %dot_general3A_250 = arith.constant dense<0.000000e+00> : vector<512x128xf32>
    %dot_general3A_251 = tpu.matmul %convert_element_type3A_244, %get3A_249, %dot_general3A_250 {dimension_numbers = #tpu.dot_dimension_numbers<[1], [0], [0], [1], [0, 0, 1, 1], [], []>, transpose_lhs_hint = false} : vector<512x384xf32>, vector<384x128xf32>, vector<512x128xf32> -> vector<512x128xf32>
    %add3A_252 = arith.addf %add3A_237, %dot_general3A_251 : vector<512x128xf32>
    %shift_right_arithmetic3A_253 = arith.constant 17 : i32
    %shift_right_arithmetic3A_254 = vector.broadcast %shift_right_arithmetic3A_253 : i32 to vector<512x384xi32>
    %shift_right_arithmetic3A_255 = arith.shrsi %get3A_1, %shift_right_arithmetic3A_254 : vector<512x384xi32>
    %and3A_256 = arith.constant 1 : i32
    %and3A_257 = vector.broadcast %and3A_256 : i32 to vector<512x384xi32>
    %and3A_258 = arith.andi %shift_right_arithmetic3A_255, %and3A_257 : vector<512x384xi32>
    %convert_element_type3A_259 = arith.sitofp %and3A_258 : vector<512x384xi32> to vector<512x384xf32>
    %get3A_260 = arith.constant 17 : index
    %get3A_261 = arith.constant 0 : index
    %get3A_262 = arith.constant 0 : index
    %get3A_263 = vector.load %arg2[%get3A_260, %get3A_261, %get3A_262] : memref<32x384x128xf32, #tpu.memory_space<vmem>>, vector<1x384x128xf32>
    %get3A_264 = vector.shape_cast %get3A_263 : vector<1x384x128xf32> to vector<384x128xf32>
    %dot_general3A_265 = arith.constant dense<0.000000e+00> : vector<512x128xf32>
    %dot_general3A_266 = tpu.matmul %convert_element_type3A_259, %get3A_264, %dot_general3A_265 {dimension_numbers = #tpu.dot_dimension_numbers<[1], [0], [0], [1], [0, 0, 1, 1], [], []>, transpose_lhs_hint = false} : vector<512x384xf32>, vector<384x128xf32>, vector<512x128xf32> -> vector<512x128xf32>
    %add3A_267 = arith.addf %add3A_252, %dot_general3A_266 : vector<512x128xf32>
    %shift_right_arithmetic3A_268 = arith.constant 18 : i32
    %shift_right_arithmetic3A_269 = vector.broadcast %shift_right_arithmetic3A_268 : i32 to vector<512x384xi32>
    %shift_right_arithmetic3A_270 = arith.shrsi %get3A_1, %shift_right_arithmetic3A_269 : vector<512x384xi32>
    %and3A_271 = arith.constant 1 : i32
    %and3A_272 = vector.broadcast %and3A_271 : i32 to vector<512x384xi32>
    %and3A_273 = arith.andi %shift_right_arithmetic3A_270, %and3A_272 : vector<512x384xi32>
    %convert_element_type3A_274 = arith.sitofp %and3A_273 : vector<512x384xi32> to vector<512x384xf32>
    %get3A_275 = arith.constant 18 : index
    %get3A_276 = arith.constant 0 : index
    %get3A_277 = arith.constant 0 : index
    %get3A_278 = vector.load %arg2[%get3A_275, %get3A_276, %get3A_277] : memref<32x384x128xf32, #tpu.memory_space<vmem>>, vector<1x384x128xf32>
    %get3A_279 = vector.shape_cast %get3A_278 : vector<1x384x128xf32> to vector<384x128xf32>
    %dot_general3A_280 = arith.constant dense<0.000000e+00> : vector<512x128xf32>
    %dot_general3A_281 = tpu.matmul %convert_element_type3A_274, %get3A_279, %dot_general3A_280 {dimension_numbers = #tpu.dot_dimension_numbers<[1], [0], [0], [1], [0, 0, 1, 1], [], []>, transpose_lhs_hint = false} : vector<512x384xf32>, vector<384x128xf32>, vector<512x128xf32> -> vector<512x128xf32>
    %add3A_282 = arith.addf %add3A_267, %dot_general3A_281 : vector<512x128xf32>
    %shift_right_arithmetic3A_283 = arith.constant 19 : i32
    %shift_right_arithmetic3A_284 = vector.broadcast %shift_right_arithmetic3A_283 : i32 to vector<512x384xi32>
    %shift_right_arithmetic3A_285 = arith.shrsi %get3A_1, %shift_right_arithmetic3A_284 : vector<512x384xi32>
    %and3A_286 = arith.constant 1 : i32
    %and3A_287 = vector.broadcast %and3A_286 : i32 to vector<512x384xi32>
    %and3A_288 = arith.andi %shift_right_arithmetic3A_285, %and3A_287 : vector<512x384xi32>
    %convert_element_type3A_289 = arith.sitofp %and3A_288 : vector<512x384xi32> to vector<512x384xf32>
    %get3A_290 = arith.constant 19 : index
    %get3A_291 = arith.constant 0 : index
    %get3A_292 = arith.constant 0 : index
    %get3A_293 = vector.load %arg2[%get3A_290, %get3A_291, %get3A_292] : memref<32x384x128xf32, #tpu.memory_space<vmem>>, vector<1x384x128xf32>
    %get3A_294 = vector.shape_cast %get3A_293 : vector<1x384x128xf32> to vector<384x128xf32>
    %dot_general3A_295 = arith.constant dense<0.000000e+00> : vector<512x128xf32>
    %dot_general3A_296 = tpu.matmul %convert_element_type3A_289, %get3A_294, %dot_general3A_295 {dimension_numbers = #tpu.dot_dimension_numbers<[1], [0], [0], [1], [0, 0, 1, 1], [], []>, transpose_lhs_hint = false} : vector<512x384xf32>, vector<384x128xf32>, vector<512x128xf32> -> vector<512x128xf32>
    %add3A_297 = arith.addf %add3A_282, %dot_general3A_296 : vector<512x128xf32>
    %shift_right_arithmetic3A_298 = arith.constant 20 : i32
    %shift_right_arithmetic3A_299 = vector.broadcast %shift_right_arithmetic3A_298 : i32 to vector<512x384xi32>
    %shift_right_arithmetic3A_300 = arith.shrsi %get3A_1, %shift_right_arithmetic3A_299 : vector<512x384xi32>
    %and3A_301 = arith.constant 1 : i32
    %and3A_302 = vector.broadcast %and3A_301 : i32 to vector<512x384xi32>
    %and3A_303 = arith.andi %shift_right_arithmetic3A_300, %and3A_302 : vector<512x384xi32>
    %convert_element_type3A_304 = arith.sitofp %and3A_303 : vector<512x384xi32> to vector<512x384xf32>
    %get3A_305 = arith.constant 20 : index
    %get3A_306 = arith.constant 0 : index
    %get3A_307 = arith.constant 0 : index
    %get3A_308 = vector.load %arg2[%get3A_305, %get3A_306, %get3A_307] : memref<32x384x128xf32, #tpu.memory_space<vmem>>, vector<1x384x128xf32>
    %get3A_309 = vector.shape_cast %get3A_308 : vector<1x384x128xf32> to vector<384x128xf32>
    %dot_general3A_310 = arith.constant dense<0.000000e+00> : vector<512x128xf32>
    %dot_general3A_311 = tpu.matmul %convert_element_type3A_304, %get3A_309, %dot_general3A_310 {dimension_numbers = #tpu.dot_dimension_numbers<[1], [0], [0], [1], [0, 0, 1, 1], [], []>, transpose_lhs_hint = false} : vector<512x384xf32>, vector<384x128xf32>, vector<512x128xf32> -> vector<512x128xf32>
    %add3A_312 = arith.addf %add3A_297, %dot_general3A_311 : vector<512x128xf32>
    %shift_right_arithmetic3A_313 = arith.constant 21 : i32
    %shift_right_arithmetic3A_314 = vector.broadcast %shift_right_arithmetic3A_313 : i32 to vector<512x384xi32>
    %shift_right_arithmetic3A_315 = arith.shrsi %get3A_1, %shift_right_arithmetic3A_314 : vector<512x384xi32>
    %and3A_316 = arith.constant 1 : i32
    %and3A_317 = vector.broadcast %and3A_316 : i32 to vector<512x384xi32>
    %and3A_318 = arith.andi %shift_right_arithmetic3A_315, %and3A_317 : vector<512x384xi32>
    %convert_element_type3A_319 = arith.sitofp %and3A_318 : vector<512x384xi32> to vector<512x384xf32>
    %get3A_320 = arith.constant 21 : index
    %get3A_321 = arith.constant 0 : index
    %get3A_322 = arith.constant 0 : index
    %get3A_323 = vector.load %arg2[%get3A_320, %get3A_321, %get3A_322] : memref<32x384x128xf32, #tpu.memory_space<vmem>>, vector<1x384x128xf32>
    %get3A_324 = vector.shape_cast %get3A_323 : vector<1x384x128xf32> to vector<384x128xf32>
    %dot_general3A_325 = arith.constant dense<0.000000e+00> : vector<512x128xf32>
    %dot_general3A_326 = tpu.matmul %convert_element_type3A_319, %get3A_324, %dot_general3A_325 {dimension_numbers = #tpu.dot_dimension_numbers<[1], [0], [0], [1], [0, 0, 1, 1], [], []>, transpose_lhs_hint = false} : vector<512x384xf32>, vector<384x128xf32>, vector<512x128xf32> -> vector<512x128xf32>
    %add3A_327 = arith.addf %add3A_312, %dot_general3A_326 : vector<512x128xf32>
    %shift_right_arithmetic3A_328 = arith.constant 22 : i32
    %shift_right_arithmetic3A_329 = vector.broadcast %shift_right_arithmetic3A_328 : i32 to vector<512x384xi32>
    %shift_right_arithmetic3A_330 = arith.shrsi %get3A_1, %shift_right_arithmetic3A_329 : vector<512x384xi32>
    %and3A_331 = arith.constant 1 : i32
    %and3A_332 = vector.broadcast %and3A_331 : i32 to vector<512x384xi32>
    %and3A_333 = arith.andi %shift_right_arithmetic3A_330, %and3A_332 : vector<512x384xi32>
    %convert_element_type3A_334 = arith.sitofp %and3A_333 : vector<512x384xi32> to vector<512x384xf32>
    %get3A_335 = arith.constant 22 : index
    %get3A_336 = arith.constant 0 : index
    %get3A_337 = arith.constant 0 : index
    %get3A_338 = vector.load %arg2[%get3A_335, %get3A_336, %get3A_337] : memref<32x384x128xf32, #tpu.memory_space<vmem>>, vector<1x384x128xf32>
    %get3A_339 = vector.shape_cast %get3A_338 : vector<1x384x128xf32> to vector<384x128xf32>
    %dot_general3A_340 = arith.constant dense<0.000000e+00> : vector<512x128xf32>
    %dot_general3A_341 = tpu.matmul %convert_element_type3A_334, %get3A_339, %dot_general3A_340 {dimension_numbers = #tpu.dot_dimension_numbers<[1], [0], [0], [1], [0, 0, 1, 1], [], []>, transpose_lhs_hint = false} : vector<512x384xf32>, vector<384x128xf32>, vector<512x128xf32> -> vector<512x128xf32>
    %add3A_342 = arith.addf %add3A_327, %dot_general3A_341 : vector<512x128xf32>
    %shift_right_arithmetic3A_343 = arith.constant 23 : i32
    %shift_right_arithmetic3A_344 = vector.broadcast %shift_right_arithmetic3A_343 : i32 to vector<512x384xi32>
    %shift_right_arithmetic3A_345 = arith.shrsi %get3A_1, %shift_right_arithmetic3A_344 : vector<512x384xi32>
    %and3A_346 = arith.constant 1 : i32
    %and3A_347 = vector.broadcast %and3A_346 : i32 to vector<512x384xi32>
    %and3A_348 = arith.andi %shift_right_arithmetic3A_345, %and3A_347 : vector<512x384xi32>
    %convert_element_type3A_349 = arith.sitofp %and3A_348 : vector<512x384xi32> to vector<512x384xf32>
    %get3A_350 = arith.constant 23 : index
    %get3A_351 = arith.constant 0 : index
    %get3A_352 = arith.constant 0 : index
    %get3A_353 = vector.load %arg2[%get3A_350, %get3A_351, %get3A_352] : memref<32x384x128xf32, #tpu.memory_space<vmem>>, vector<1x384x128xf32>
    %get3A_354 = vector.shape_cast %get3A_353 : vector<1x384x128xf32> to vector<384x128xf32>
    %dot_general3A_355 = arith.constant dense<0.000000e+00> : vector<512x128xf32>
    %dot_general3A_356 = tpu.matmul %convert_element_type3A_349, %get3A_354, %dot_general3A_355 {dimension_numbers = #tpu.dot_dimension_numbers<[1], [0], [0], [1], [0, 0, 1, 1], [], []>, transpose_lhs_hint = false} : vector<512x384xf32>, vector<384x128xf32>, vector<512x128xf32> -> vector<512x128xf32>
    %add3A_357 = arith.addf %add3A_342, %dot_general3A_356 : vector<512x128xf32>
    %shift_right_arithmetic3A_358 = arith.constant 24 : i32
    %shift_right_arithmetic3A_359 = vector.broadcast %shift_right_arithmetic3A_358 : i32 to vector<512x384xi32>
    %shift_right_arithmetic3A_360 = arith.shrsi %get3A_1, %shift_right_arithmetic3A_359 : vector<512x384xi32>
    %and3A_361 = arith.constant 1 : i32
    %and3A_362 = vector.broadcast %and3A_361 : i32 to vector<512x384xi32>
    %and3A_363 = arith.andi %shift_right_arithmetic3A_360, %and3A_362 : vector<512x384xi32>
    %convert_element_type3A_364 = arith.sitofp %and3A_363 : vector<512x384xi32> to vector<512x384xf32>
    %get3A_365 = arith.constant 24 : index
    %get3A_366 = arith.constant 0 : index
    %get3A_367 = arith.constant 0 : index
    %get3A_368 = vector.load %arg2[%get3A_365, %get3A_366, %get3A_367] : memref<32x384x128xf32, #tpu.memory_space<vmem>>, vector<1x384x128xf32>
    %get3A_369 = vector.shape_cast %get3A_368 : vector<1x384x128xf32> to vector<384x128xf32>
    %dot_general3A_370 = arith.constant dense<0.000000e+00> : vector<512x128xf32>
    %dot_general3A_371 = tpu.matmul %convert_element_type3A_364, %get3A_369, %dot_general3A_370 {dimension_numbers = #tpu.dot_dimension_numbers<[1], [0], [0], [1], [0, 0, 1, 1], [], []>, transpose_lhs_hint = false} : vector<512x384xf32>, vector<384x128xf32>, vector<512x128xf32> -> vector<512x128xf32>
    %add3A_372 = arith.addf %add3A_357, %dot_general3A_371 : vector<512x128xf32>
    %shift_right_arithmetic3A_373 = arith.constant 25 : i32
    %shift_right_arithmetic3A_374 = vector.broadcast %shift_right_arithmetic3A_373 : i32 to vector<512x384xi32>
    %shift_right_arithmetic3A_375 = arith.shrsi %get3A_1, %shift_right_arithmetic3A_374 : vector<512x384xi32>
    %and3A_376 = arith.constant 1 : i32
    %and3A_377 = vector.broadcast %and3A_376 : i32 to vector<512x384xi32>
    %and3A_378 = arith.andi %shift_right_arithmetic3A_375, %and3A_377 : vector<512x384xi32>
    %convert_element_type3A_379 = arith.sitofp %and3A_378 : vector<512x384xi32> to vector<512x384xf32>
    %get3A_380 = arith.constant 25 : index
    %get3A_381 = arith.constant 0 : index
    %get3A_382 = arith.constant 0 : index
    %get3A_383 = vector.load %arg2[%get3A_380, %get3A_381, %get3A_382] : memref<32x384x128xf32, #tpu.memory_space<vmem>>, vector<1x384x128xf32>
    %get3A_384 = vector.shape_cast %get3A_383 : vector<1x384x128xf32> to vector<384x128xf32>
    %dot_general3A_385 = arith.constant dense<0.000000e+00> : vector<512x128xf32>
    %dot_general3A_386 = tpu.matmul %convert_element_type3A_379, %get3A_384, %dot_general3A_385 {dimension_numbers = #tpu.dot_dimension_numbers<[1], [0], [0], [1], [0, 0, 1, 1], [], []>, transpose_lhs_hint = false} : vector<512x384xf32>, vector<384x128xf32>, vector<512x128xf32> -> vector<512x128xf32>
    %add3A_387 = arith.addf %add3A_372, %dot_general3A_386 : vector<512x128xf32>
    %shift_right_arithmetic3A_388 = arith.constant 26 : i32
    %shift_right_arithmetic3A_389 = vector.broadcast %shift_right_arithmetic3A_388 : i32 to vector<512x384xi32>
    %shift_right_arithmetic3A_390 = arith.shrsi %get3A_1, %shift_right_arithmetic3A_389 : vector<512x384xi32>
    %and3A_391 = arith.constant 1 : i32
    %and3A_392 = vector.broadcast %and3A_391 : i32 to vector<512x384xi32>
    %and3A_393 = arith.andi %shift_right_arithmetic3A_390, %and3A_392 : vector<512x384xi32>
    %convert_element_type3A_394 = arith.sitofp %and3A_393 : vector<512x384xi32> to vector<512x384xf32>
    %get3A_395 = arith.constant 26 : index
    %get3A_396 = arith.constant 0 : index
    %get3A_397 = arith.constant 0 : index
    %get3A_398 = vector.load %arg2[%get3A_395, %get3A_396, %get3A_397] : memref<32x384x128xf32, #tpu.memory_space<vmem>>, vector<1x384x128xf32>
    %get3A_399 = vector.shape_cast %get3A_398 : vector<1x384x128xf32> to vector<384x128xf32>
    %dot_general3A_400 = arith.constant dense<0.000000e+00> : vector<512x128xf32>
    %dot_general3A_401 = tpu.matmul %convert_element_type3A_394, %get3A_399, %dot_general3A_400 {dimension_numbers = #tpu.dot_dimension_numbers<[1], [0], [0], [1], [0, 0, 1, 1], [], []>, transpose_lhs_hint = false} : vector<512x384xf32>, vector<384x128xf32>, vector<512x128xf32> -> vector<512x128xf32>
    %add3A_402 = arith.addf %add3A_387, %dot_general3A_401 : vector<512x128xf32>
    %shift_right_arithmetic3A_403 = arith.constant 27 : i32
    %shift_right_arithmetic3A_404 = vector.broadcast %shift_right_arithmetic3A_403 : i32 to vector<512x384xi32>
    %shift_right_arithmetic3A_405 = arith.shrsi %get3A_1, %shift_right_arithmetic3A_404 : vector<512x384xi32>
    %and3A_406 = arith.constant 1 : i32
    %and3A_407 = vector.broadcast %and3A_406 : i32 to vector<512x384xi32>
    %and3A_408 = arith.andi %shift_right_arithmetic3A_405, %and3A_407 : vector<512x384xi32>
    %convert_element_type3A_409 = arith.sitofp %and3A_408 : vector<512x384xi32> to vector<512x384xf32>
    %get3A_410 = arith.constant 27 : index
    %get3A_411 = arith.constant 0 : index
    %get3A_412 = arith.constant 0 : index
    %get3A_413 = vector.load %arg2[%get3A_410, %get3A_411, %get3A_412] : memref<32x384x128xf32, #tpu.memory_space<vmem>>, vector<1x384x128xf32>
    %get3A_414 = vector.shape_cast %get3A_413 : vector<1x384x128xf32> to vector<384x128xf32>
    %dot_general3A_415 = arith.constant dense<0.000000e+00> : vector<512x128xf32>
    %dot_general3A_416 = tpu.matmul %convert_element_type3A_409, %get3A_414, %dot_general3A_415 {dimension_numbers = #tpu.dot_dimension_numbers<[1], [0], [0], [1], [0, 0, 1, 1], [], []>, transpose_lhs_hint = false} : vector<512x384xf32>, vector<384x128xf32>, vector<512x128xf32> -> vector<512x128xf32>
    %add3A_417 = arith.addf %add3A_402, %dot_general3A_416 : vector<512x128xf32>
    %shift_right_arithmetic3A_418 = arith.constant 28 : i32
    %shift_right_arithmetic3A_419 = vector.broadcast %shift_right_arithmetic3A_418 : i32 to vector<512x384xi32>
    %shift_right_arithmetic3A_420 = arith.shrsi %get3A_1, %shift_right_arithmetic3A_419 : vector<512x384xi32>
    %and3A_421 = arith.constant 1 : i32
    %and3A_422 = vector.broadcast %and3A_421 : i32 to vector<512x384xi32>
    %and3A_423 = arith.andi %shift_right_arithmetic3A_420, %and3A_422 : vector<512x384xi32>
    %convert_element_type3A_424 = arith.sitofp %and3A_423 : vector<512x384xi32> to vector<512x384xf32>
    %get3A_425 = arith.constant 28 : index
    %get3A_426 = arith.constant 0 : index
    %get3A_427 = arith.constant 0 : index
    %get3A_428 = vector.load %arg2[%get3A_425, %get3A_426, %get3A_427] : memref<32x384x128xf32, #tpu.memory_space<vmem>>, vector<1x384x128xf32>
    %get3A_429 = vector.shape_cast %get3A_428 : vector<1x384x128xf32> to vector<384x128xf32>
    %dot_general3A_430 = arith.constant dense<0.000000e+00> : vector<512x128xf32>
    %dot_general3A_431 = tpu.matmul %convert_element_type3A_424, %get3A_429, %dot_general3A_430 {dimension_numbers = #tpu.dot_dimension_numbers<[1], [0], [0], [1], [0, 0, 1, 1], [], []>, transpose_lhs_hint = false} : vector<512x384xf32>, vector<384x128xf32>, vector<512x128xf32> -> vector<512x128xf32>
    %add3A_432 = arith.addf %add3A_417, %dot_general3A_431 : vector<512x128xf32>
    %shift_right_arithmetic3A_433 = arith.constant 29 : i32
    %shift_right_arithmetic3A_434 = vector.broadcast %shift_right_arithmetic3A_433 : i32 to vector<512x384xi32>
    %shift_right_arithmetic3A_435 = arith.shrsi %get3A_1, %shift_right_arithmetic3A_434 : vector<512x384xi32>
    %and3A_436 = arith.constant 1 : i32
    %and3A_437 = vector.broadcast %and3A_436 : i32 to vector<512x384xi32>
    %and3A_438 = arith.andi %shift_right_arithmetic3A_435, %and3A_437 : vector<512x384xi32>
    %convert_element_type3A_439 = arith.sitofp %and3A_438 : vector<512x384xi32> to vector<512x384xf32>
    %get3A_440 = arith.constant 29 : index
    %get3A_441 = arith.constant 0 : index
    %get3A_442 = arith.constant 0 : index
    %get3A_443 = vector.load %arg2[%get3A_440, %get3A_441, %get3A_442] : memref<32x384x128xf32, #tpu.memory_space<vmem>>, vector<1x384x128xf32>
    %get3A_444 = vector.shape_cast %get3A_443 : vector<1x384x128xf32> to vector<384x128xf32>
    %dot_general3A_445 = arith.constant dense<0.000000e+00> : vector<512x128xf32>
    %dot_general3A_446 = tpu.matmul %convert_element_type3A_439, %get3A_444, %dot_general3A_445 {dimension_numbers = #tpu.dot_dimension_numbers<[1], [0], [0], [1], [0, 0, 1, 1], [], []>, transpose_lhs_hint = false} : vector<512x384xf32>, vector<384x128xf32>, vector<512x128xf32> -> vector<512x128xf32>
    %add3A_447 = arith.addf %add3A_432, %dot_general3A_446 : vector<512x128xf32>
    %shift_right_arithmetic3A_448 = arith.constant 30 : i32
    %shift_right_arithmetic3A_449 = vector.broadcast %shift_right_arithmetic3A_448 : i32 to vector<512x384xi32>
    %shift_right_arithmetic3A_450 = arith.shrsi %get3A_1, %shift_right_arithmetic3A_449 : vector<512x384xi32>
    %and3A_451 = arith.constant 1 : i32
    %and3A_452 = vector.broadcast %and3A_451 : i32 to vector<512x384xi32>
    %and3A_453 = arith.andi %shift_right_arithmetic3A_450, %and3A_452 : vector<512x384xi32>
    %convert_element_type3A_454 = arith.sitofp %and3A_453 : vector<512x384xi32> to vector<512x384xf32>
    %get3A_455 = arith.constant 30 : index
    %get3A_456 = arith.constant 0 : index
    %get3A_457 = arith.constant 0 : index
    %get3A_458 = vector.load %arg2[%get3A_455, %get3A_456, %get3A_457] : memref<32x384x128xf32, #tpu.memory_space<vmem>>, vector<1x384x128xf32>
    %get3A_459 = vector.shape_cast %get3A_458 : vector<1x384x128xf32> to vector<384x128xf32>
    %dot_general3A_460 = arith.constant dense<0.000000e+00> : vector<512x128xf32>
    %dot_general3A_461 = tpu.matmul %convert_element_type3A_454, %get3A_459, %dot_general3A_460 {dimension_numbers = #tpu.dot_dimension_numbers<[1], [0], [0], [1], [0, 0, 1, 1], [], []>, transpose_lhs_hint = false} : vector<512x384xf32>, vector<384x128xf32>, vector<512x128xf32> -> vector<512x128xf32>
    %add3A_462 = arith.addf %add3A_447, %dot_general3A_461 : vector<512x128xf32>
    %shift_right_arithmetic3A_463 = arith.constant 31 : i32
    %shift_right_arithmetic3A_464 = vector.broadcast %shift_right_arithmetic3A_463 : i32 to vector<512x384xi32>
    %shift_right_arithmetic3A_465 = arith.shrsi %get3A_1, %shift_right_arithmetic3A_464 : vector<512x384xi32>
    %and3A_466 = arith.constant 1 : i32
    %and3A_467 = vector.broadcast %and3A_466 : i32 to vector<512x384xi32>
    %and3A_468 = arith.andi %shift_right_arithmetic3A_465, %and3A_467 : vector<512x384xi32>
    %convert_element_type3A_469 = arith.sitofp %and3A_468 : vector<512x384xi32> to vector<512x384xf32>
    %get3A_470 = arith.constant 31 : index
    %get3A_471 = arith.constant 0 : index
    %get3A_472 = arith.constant 0 : index
    %get3A_473 = vector.load %arg2[%get3A_470, %get3A_471, %get3A_472] : memref<32x384x128xf32, #tpu.memory_space<vmem>>, vector<1x384x128xf32>
    %get3A_474 = vector.shape_cast %get3A_473 : vector<1x384x128xf32> to vector<384x128xf32>
    %dot_general3A_475 = arith.constant dense<0.000000e+00> : vector<512x128xf32>
    %dot_general3A_476 = tpu.matmul %convert_element_type3A_469, %get3A_474, %dot_general3A_475 {dimension_numbers = #tpu.dot_dimension_numbers<[1], [0], [0], [1], [0, 0, 1, 1], [], []>, transpose_lhs_hint = false} : vector<512x384xf32>, vector<384x128xf32>, vector<512x128xf32> -> vector<512x128xf32>
    %add3A_477 = arith.addf %add3A_462, %dot_general3A_476 : vector<512x128xf32>
    %get3A_478 = arith.constant 0 : index
    %get3A_479 = arith.constant 0 : index
    %get3A_480 = vector.load %arg4[%get3A_478, %get3A_479] : memref<128x256xf32, #tpu.memory_space<vmem>>, vector<128x256xf32>
    %dot_general3A_481 = arith.constant dense<0.000000e+00> : vector<512x256xf32>
    %dot_general3A_482 = tpu.matmul %add3A_477, %get3A_480, %dot_general3A_481 {dimension_numbers = #tpu.dot_dimension_numbers<[1], [0], [0], [1], [0, 0, 1, 1], [], []>, transpose_lhs_hint = false} : vector<512x128xf32>, vector<128x256xf32>, vector<512x256xf32> -> vector<512x256xf32>
    %get3A_483 = arith.constant 0 : index
    %get3A_484 = arith.constant 0 : index
    %get3A_485 = vector.load %arg5[%get3A_483, %get3A_484] : memref<1x256xf32, #tpu.memory_space<vmem>>, vector<1x256xf32>
    %add3A_486 = vector.broadcast %get3A_485 : vector<1x256xf32> to vector<512x256xf32>
    %add3A_487 = arith.addf %dot_general3A_482, %add3A_486 : vector<512x256xf32>
    %max3A = arith.constant 0.000000e+00 : f32
    %max3A_488 = vector.broadcast %max3A : f32 to vector<512x256xf32>
    %max3A_489 = arith.maximumf %add3A_487, %max3A_488 : vector<512x256xf32>
    %get3A_490 = arith.constant 0 : index
    %get3A_491 = arith.constant 0 : index
    %get3A_492 = vector.load %arg6[%get3A_490, %get3A_491] : memref<256x256xf32, #tpu.memory_space<vmem>>, vector<256x256xf32>
    %dot_general3A_493 = arith.constant dense<0.000000e+00> : vector<512x256xf32>
    %dot_general3A_494 = tpu.matmul %max3A_489, %get3A_492, %dot_general3A_493 {dimension_numbers = #tpu.dot_dimension_numbers<[1], [0], [0], [1], [0, 0, 1, 1], [], []>, transpose_lhs_hint = false} : vector<512x256xf32>, vector<256x256xf32>, vector<512x256xf32> -> vector<512x256xf32>
    %get3A_495 = arith.constant 0 : index
    %get3A_496 = arith.constant 0 : index
    %get3A_497 = vector.load %arg7[%get3A_495, %get3A_496] : memref<1x256xf32, #tpu.memory_space<vmem>>, vector<1x256xf32>
    %add3A_498 = vector.broadcast %get3A_497 : vector<1x256xf32> to vector<512x256xf32>
    %add3A_499 = arith.addf %dot_general3A_494, %add3A_498 : vector<512x256xf32>
    %max3A_500 = arith.constant 0.000000e+00 : f32
    %max3A_501 = vector.broadcast %max3A_500 : f32 to vector<512x256xf32>
    %max3A_502 = arith.maximumf %add3A_499, %max3A_501 : vector<512x256xf32>
    %get3A_503 = arith.constant 0 : index
    %get3A_504 = arith.constant 0 : index
    %get3A_505 = vector.load %arg8[%get3A_503, %get3A_504] : memref<256x256xf32, #tpu.memory_space<vmem>>, vector<256x256xf32>
    %dot_general3A_506 = arith.constant dense<0.000000e+00> : vector<512x256xf32>
    %dot_general3A_507 = tpu.matmul %max3A_502, %get3A_505, %dot_general3A_506 {dimension_numbers = #tpu.dot_dimension_numbers<[1], [0], [0], [1], [0, 0, 1, 1], [], []>, transpose_lhs_hint = false} : vector<512x256xf32>, vector<256x256xf32>, vector<512x256xf32> -> vector<512x256xf32>
    %get3A_508 = arith.constant 0 : index
    %get3A_509 = arith.constant 0 : index
    %get3A_510 = vector.load %arg9[%get3A_508, %get3A_509] : memref<1x256xf32, #tpu.memory_space<vmem>>, vector<1x256xf32>
    %add3A_511 = vector.broadcast %get3A_510 : vector<1x256xf32> to vector<512x256xf32>
    %add3A_512 = arith.addf %dot_general3A_507, %add3A_511 : vector<512x256xf32>
    %get3A_513 = arith.constant 0 : index
    %get3A_514 = arith.constant 0 : index
    %get3A_515 = vector.load %arg3[%get3A_513, %get3A_514] : memref<512x128xf32, #tpu.memory_space<vmem>>, vector<512x128xf32>
    %get3A_516 = arith.constant 0 : index
    %get3A_517 = arith.constant 0 : index
    %get3A_518 = vector.load %arg10[%get3A_516, %get3A_517] : memref<128x256xf32, #tpu.memory_space<vmem>>, vector<128x256xf32>
    %dot_general3A_519 = arith.constant dense<0.000000e+00> : vector<512x256xf32>
    %dot_general3A_520 = tpu.matmul %get3A_515, %get3A_518, %dot_general3A_519 {dimension_numbers = #tpu.dot_dimension_numbers<[1], [0], [0], [1], [0, 0, 1, 1], [], []>, transpose_lhs_hint = false} : vector<512x128xf32>, vector<128x256xf32>, vector<512x256xf32> -> vector<512x256xf32>
    %get3A_521 = arith.constant 0 : index
    %get3A_522 = arith.constant 0 : index
    %get3A_523 = vector.load %arg11[%get3A_521, %get3A_522] : memref<1x256xf32, #tpu.memory_space<vmem>>, vector<1x256xf32>
    %add3A_524 = vector.broadcast %get3A_523 : vector<1x256xf32> to vector<512x256xf32>
    %add3A_525 = arith.addf %dot_general3A_520, %add3A_524 : vector<512x256xf32>
    %max3A_526 = arith.constant 0.000000e+00 : f32
    %max3A_527 = vector.broadcast %max3A_526 : f32 to vector<512x256xf32>
    %max3A_528 = arith.maximumf %add3A_525, %max3A_527 : vector<512x256xf32>
    %get3A_529 = arith.constant 0 : index
    %get3A_530 = arith.constant 0 : index
    %get3A_531 = vector.load %arg12[%get3A_529, %get3A_530] : memref<256x256xf32, #tpu.memory_space<vmem>>, vector<256x256xf32>
    %dot_general3A_532 = arith.constant dense<0.000000e+00> : vector<512x256xf32>
    %dot_general3A_533 = tpu.matmul %max3A_528, %get3A_531, %dot_general3A_532 {dimension_numbers = #tpu.dot_dimension_numbers<[1], [0], [0], [1], [0, 0, 1, 1], [], []>, transpose_lhs_hint = false} : vector<512x256xf32>, vector<256x256xf32>, vector<512x256xf32> -> vector<512x256xf32>
    %get3A_534 = arith.constant 0 : index
    %get3A_535 = arith.constant 0 : index
    %get3A_536 = vector.load %arg13[%get3A_534, %get3A_535] : memref<1x256xf32, #tpu.memory_space<vmem>>, vector<1x256xf32>
    %add3A_537 = vector.broadcast %get3A_536 : vector<1x256xf32> to vector<512x256xf32>
    %add3A_538 = arith.addf %dot_general3A_533, %add3A_537 : vector<512x256xf32>
    %get3A_539 = arith.constant 0 : index
    %get3A_540 = arith.constant 0 : index
    %get3A_541 = vector.load %arg16[%get3A_539, %get3A_540] : memref<1x1xf32, #tpu.memory_space<vmem>>, vector<1x1xf32>
    %mul3A = vector.broadcast %get3A_541 : vector<1x1xf32> to vector<512x256xf32>
    %mul3A_542 = arith.mulf %add3A_512, %mul3A : vector<512x256xf32>
    %add3A_543 = arith.addf %mul3A_542, %add3A_538 : vector<512x256xf32>
    %get3A_544 = arith.constant 0 : index
    %get3A_545 = arith.constant 0 : index
    %get3A_546 = vector.load %arg14[%get3A_544, %get3A_545] : memref<256x1xf32, #tpu.memory_space<vmem>>, vector<256x1xf32>
    %dot_general3A_547 = arith.constant dense<0.000000e+00> : vector<512x1xf32>
    %dot_general3A_548 = tpu.matmul %add3A_543, %get3A_546, %dot_general3A_547 {dimension_numbers = #tpu.dot_dimension_numbers<[1], [0], [0], [1], [0, 0, 1, 1], [], []>, transpose_lhs_hint = false} : vector<512x256xf32>, vector<256x1xf32>, vector<512x1xf32> -> vector<512x1xf32>
    %get3A_549 = arith.constant 0 : index
    %get3A_550 = arith.constant 0 : index
    %get3A_551 = vector.load %arg15[%get3A_549, %get3A_550] : memref<1x1xf32, #tpu.memory_space<vmem>>, vector<1x1xf32>
    %add3A_552 = vector.broadcast %get3A_551 : vector<1x1xf32> to vector<512x1xf32>
    %add3A_553 = arith.addf %dot_general3A_548, %add3A_552 : vector<512x1xf32>
    %swap3A = arith.constant 0 : index
    %swap3A_554 = arith.constant 0 : index
    %swap3A_555 = vector.load %arg17[%swap3A, %swap3A_554] : memref<512x1xf32, #tpu.memory_space<vmem>>, vector<512x1xf32>
    tpu.vector_store %arg17[%swap3A, %swap3A_554], %add3A_553 {strides = array<i32>} : memref<512x1xf32, #tpu.memory_space<vmem>>, vector<512x1xf32>,
    return
  }
  func.func @transform_0(%arg0: i32) -> (i32, i32) {
    %c0_i32 = arith.constant 0 : i32
    %c0_i32_0 = arith.constant 0 : i32
    return %arg0, %c0_i32 : i32, i32
  }
  func.func @transform_1(%arg0: i32) -> (i32, i32, i32) {
    %c0_i32 = arith.constant 0 : i32
    %c0_i32_0 = arith.constant 0 : i32
    %c0_i32_1 = arith.constant 0 : i32
    %c0_i32_2 = arith.constant 0 : i32
    return %c0_i32, %c0_i32_0, %c0_i32_1 : i32, i32, i32
  }
  func.func @transform_2(%arg0: i32) -> (i32, i32) {
    %c0_i32 = arith.constant 0 : i32
    %c0_i32_0 = arith.constant 0 : i32
    return %arg0, %c0_i32 : i32, i32
  }
  func.func @transform_3(%arg0: i32) -> (i32, i32) {
    %c0_i32 = arith.constant 0 : i32
    %c0_i32_0 = arith.constant 0 : i32
    %c0_i32_1 = arith.constant 0 : i32
    return %c0_i32, %c0_i32_0 : i32, i32
  }
  func.func @transform_4(%arg0: i32) -> (i32, i32) {
    %c0_i32 = arith.constant 0 : i32
    %c0_i32_0 = arith.constant 0 : i32
    %c0_i32_1 = arith.constant 0 : i32
    return %c0_i32, %c0_i32_0 : i32, i32
  }
  func.func @transform_5(%arg0: i32) -> (i32, i32) {
    %c0_i32 = arith.constant 0 : i32
    %c0_i32_0 = arith.constant 0 : i32
    %c0_i32_1 = arith.constant 0 : i32
    return %c0_i32, %c0_i32_0 : i32, i32
  }
  func.func @transform_6(%arg0: i32) -> (i32, i32) {
    %c0_i32 = arith.constant 0 : i32
    %c0_i32_0 = arith.constant 0 : i32
    %c0_i32_1 = arith.constant 0 : i32
    return %c0_i32, %c0_i32_0 : i32, i32
  }
  func.func @transform_7(%arg0: i32) -> (i32, i32) {
    %c0_i32 = arith.constant 0 : i32
    %c0_i32_0 = arith.constant 0 : i32
    %c0_i32_1 = arith.constant 0 : i32
    return %c0_i32, %c0_i32_0 : i32, i32
  }
  func.func @transform_8(%arg0: i32) -> (i32, i32) {
    %c0_i32 = arith.constant 0 : i32
    %c0_i32_0 = arith.constant 0 : i32
    %c0_i32_1 = arith.constant 0 : i32
    return %c0_i32, %c0_i32_0 : i32, i32
  }
  func.func @transform_9(%arg0: i32) -> (i32, i32) {
    %c0_i32 = arith.constant 0 : i32
    %c0_i32_0 = arith.constant 0 : i32
    %c0_i32_1 = arith.constant 0 : i32
    return %c0_i32, %c0_i32_0 : i32, i32
  }
  func.func @transform_10(%arg0: i32) -> (i32, i32) {
    %c0_i32 = arith.constant 0 : i32
    %c0_i32_0 = arith.constant 0 : i32
    %c0_i32_1 = arith.constant 0 : i32
    return %c0_i32, %c0_i32_0 : i32, i32
  }
  func.func @transform_11(%arg0: i32) -> (i32, i32) {
    %c0_i32 = arith.constant 0 : i32
    %c0_i32_0 = arith.constant 0 : i32
    %c0_i32_1 = arith.constant 0 : i32
    return %c0_i32, %c0_i32_0 : i32, i32
  }
  func.func @transform_12(%arg0: i32) -> (i32, i32) {
    %c0_i32 = arith.constant 0 : i32
    %c0_i32_0 = arith.constant 0 : i32
    %c0_i32_1 = arith.constant 0 : i32
    return %c0_i32, %c0_i32_0 : i32, i32
  }
  func.func @transform_13(%arg0: i32) -> (i32, i32) {
    %c0_i32 = arith.constant 0 : i32
    %c0_i32_0 = arith.constant 0 : i32
    %c0_i32_1 = arith.constant 0 : i32
    return %c0_i32, %c0_i32_0 : i32, i32
  }
  func.func @transform_14(%arg0: i32) -> (i32, i32) {
    %c0_i32 = arith.constant 0 : i32
    %c0_i32_0 = arith.constant 0 : i32
    %c0_i32_1 = arith.constant 0 : i32
    return %c0_i32, %c0_i32_0 : i32, i32
  }
  func.func @transform_15(%arg0: i32) -> (i32, i32) {
    %c0_i32 = arith.constant 0 : i32
    %c0_i32_0 = arith.constant 0 : i32
    %c0_i32_1 = arith.constant 0 : i32
    return %c0_i32, %c0_i32_0 : i32, i32
  }
  func.func @transform_16(%arg0: i32) -> (i32, i32) {
    %c0_i32 = arith.constant 0 : i32
    %c0_i32_0 = arith.constant 0 : i32
    return %arg0, %c0_i32 : i32, i32
  }
}

</mosaic_0001>

<sc_bundles>
// kernel: kernel.5.cloned.1.call-start
scs
__scs_entry_jumppad:
0x0: {  	(pc) =	sbr.rel $0x88, $3  }
0x1: {  	(tag) =	ssettag $0x0;
	lr =	simm.s32 $0x1  }
0x2: {  	[smem:$0x3F91] =	sst lr;
	_ =	strace $0xD0000000  }
0x3: {  	_ = 	snop  }
0x4: {  	_ = 	snop  }
0x5: {  	_ = 	snop  }
0x6: {  	_ = 	snop  }
0x7: {  	_ = 	snop  }
__scs_overlays_trampoline_lowered:
0x8: {  	[smem:$0x3FA0] =	sst s0  }
0x9: {  	[smem:$0x3FA1] =	sst s1  }
0xa: {  	[smem:$0x3FA2] =	sst s2  }
0xb: {  	[smem:$0x3FA3] =	sst s3  }
0xc: {  	[smem:$0x3FA4] =	sst s4  }
0xd: {  	[smem:$0x3FA5] =	sst s5  }
0xe: {  	[smem:$0x3FA6] =	sst s6  }
0xf: {  	[smem:$0x3FA7] =	sst s7  }
0x10: {  	[smem:$0x3FA8] =	sst s8  }
0x11: {  	[smem:$0x3FA9] =	sst s9;
	s0 =	simm.s32 @!p0 $0x0  }
0x12: {  	s1 =	sld [smem:$0x3F8F];
	s0 =	simm.s32 @p0 $0x1  }
0x13: {  	[smem:$0x3FAA] =	sst s0;
	s0 =	simm.s32 @!p1 $0x0  }
0x14: {  	s2 =	sld [smem:$0x3F8E];
	s0 =	simm.s32 @p1 $0x1  }
0x15: {  	[smem:$0x3FAB] =	sst s0;
	s0 =	simm.s32 @!p2 $0x0  }
0x16: {  	s3 =	sld [smem:$0x3FDB];
	s0 =	simm.s32 @p2 $0x1  }
0x17: {  	s4 =	simm.s32 $0x1BF5;
	[smem:$0x3FAD] =	sst s0  }
0x18: {  	s0 =	sld [smem:$0x3F90];
	_ =	swait.ge [sflag:s4], $0x0  }
0x19: {  	s7 =	sld [smem:$0x3F91]  }
0x1a: {  	s8 =	sadd.s32 $0xFFFFE003, lr  }
0x1b: {  	s9 =	sadd.s32 $0xFFFFFEF7, lr;
	s5 =	simm.s32 $0xFFFFFFFF;
	p2 =	slt.u32 s8, $0xFFFFF086  }
0x1c: {  	p1 =	slt.u32 s9, $0xF7A;
	s5 =	simm.s32 @!p2 $0x0  }
0x1d: {  	s5 =	simm.s32 @p1 $0x1;
	p0 =	seq.s32 s7, s2  }
0x1e: {  	s7 =	smul.u32 @!p0 $0xF7A, s2;
	p2 =	seq.s32 @!p0 s5, $0x0  }
0x1f: {  	s9 =	smul.u32 $0xF7A, s1;
	s8 =	simm.s32 @!p0 $0x1BF5;
	p2 =	por !p2, p0  }
0x20: {  	[sflag:s8] =	ssyncset.s32 @!p0 $0xFFFFF086;
	s6 =	sadd.s32 @!p0 s3, s7;
	s7 =	simm.s32 @!p0 $0x108  }
0x21: {  	s3 =	sadd.s32 s3, s9;
	s6 =	sadd.s32 @!p0 $0x88, s6;
	s7 =	simm.s32 @p2 $0x1082  }
0x22: {  	[simem:s7], [sflag:s8] =	dma.local @!p0 [hbm:s6], $0xF7A  }
0x23: {  	s9 =	sor.u32 $0xD0000000, s2;
	s6 =	simm.s32 $0x108;
	_ =	swait.ge @!p0 [sflag:s8], $0x0  }
0x24: {  	s3 =	sadd.s32 $0x88, s3;
	s6 =	simm.s32 @!p1 $0x1082;
	[sflag:s4] =	ssyncset.s32 $0xFFFFF086  }
0x25: {  	[simem:s6], [sflag:s4] =	dma.local [hbm:s3], $0xF7A  }
0x26: {  	[smem:$0x3F91] =	sst s1;
	(tag) =	ssettag s2;
	_ =	strace s9  }
0x27: {  	s1 =	sld [smem:$0x3FA1]  }
0x28: {  	s2 =	sld [smem:$0x3FA2]  }
0x29: {  	s4 =	sld [smem:$0x3FA4]  }
0x2a: {  	p0 =	seq.s32 s5, $0x0;
	s5 =	sld [smem:$0x3FA5]  }
0x2b: {  	s6 =	sld [smem:$0x3FA6]  }
0x2c: {  	s7 =	sld [smem:$0x3FA7]  }
0x2d: {  	s3 =	simm.s32 $0x108;
	s8 =	sld [smem:$0x3FA8]  }
0x2e: {  	s3 =	simm.s32 @!p0 $0x1082;
	s9 =	sld [smem:$0x3FA9]  }
0x2f: {  	lr =	sadd.s32 s0, s3;
	s0 =	sld [smem:$0x3FA0]  }
0x30: {  	s3 =	sld [smem:$0x3FA3]  }
0x31: {  	[smem:$0x3FAC] =	sst s10  }
0x32: {  	s10 =	sld [smem:$0x3FAA];
	_ =	sdelay $0x3  }
0x33: {  	p0 =	seq.s32 s10, $0x1;
	s10 =	sld [smem:$0x3FAC];
	_ =	sdelay $0x3  }
0x34: {  	[smem:$0x3FAC] =	sst s10  }
0x35: {  	s10 =	sld [smem:$0x3FAB];
	_ =	sdelay $0x3  }
0x36: {  	p1 =	seq.s32 s10, $0x1;
	s10 =	sld [smem:$0x3FAC];
	_ =	sdelay $0x3  }
0x37: {  	[smem:$0x3FAC] =	sst s10  }
0x38: {  	s10 =	sld [smem:$0x3FAD]  }
0x39: {  	_ = 	snop;
	(pc) =	sbr.ind lr, $3  }
0x3a: {  	_ = 	snop  }
0x3b: {  	_ = 	snop  }
0x3c: {  	p2 =	seq.s32 s10, $0x1;
	s10 =	sld [smem:$0x3FAC]  }
0x3d: {  	_ =	shalt  }
0x3e: {  	_ =	shalt  }
0x3f: {  	_ =	shalt  }
0x40: {  	_ =	shalt  }
0x41: {  	_ =	shalt  }
0x42: {  	_ =	shalt  }
0x43: {  	_ =	shalt  }
0x44: {  	_ =	shalt  }
0x45: {  	_ =	shalt  }
0x46: {  	_ =	shalt  }
0x47: {  	_ =	shalt  }
0x48: {  	_ =	shalt  }
0x49: {  	_ =	shalt  }
0x4a: {  	_ =	shalt  }
0x4b: {  	_ =	shalt  }
0x4c: {  	_ =	shalt  }
0x4d: {  	_ =	shalt  }
0x4e: {  	_ =	shalt  }
0x4f: {  	_ =	shalt  }
0x50: {  	_ =	shalt  }
0x51: {  	_ =	shalt  }
0x52: {  	_ =	shalt  }
0x53: {  	_ =	shalt  }
0x54: {  	_ =	shalt  }
0x55: {  	_ =	shalt  }
0x56: {  	_ =	shalt  }
0x57: {  	_ =	shalt  }
0x58: {  	_ =	shalt  }
0x59: {  	_ =	shalt  }
0x5a: {  	_ =	shalt  }
0x5b: {  	_ =	shalt  }
0x5c: {  	_ =	shalt  }
0x5d: {  	_ =	shalt  }
0x5e: {  	_ =	shalt  }
0x5f: {  	_ =	shalt  }
0x60: {  	_ =	shalt  }
0x61: {  	_ =	shalt  }
0x62: {  	_ =	shalt  }
0x63: {  	_ =	shalt  }
0x64: {  	_ =	shalt  }
0x65: {  	_ =	shalt  }
0x66: {  	_ =	shalt  }
0x67: {  	_ =	shalt  }
0x68: {  	_ =	shalt  }
0x69: {  	_ =	shalt  }
0x6a: {  	_ =	shalt  }
0x6b: {  	_ =	shalt  }
0x6c: {  	_ =	shalt  }
0x6d: {  	_ =	shalt  }
0x6e: {  	_ =	shalt  }
0x6f: {  	_ =	shalt  }
0x70: {  	_ =	shalt  }
0x71: {  	_ =	shalt  }
0x72: {  	_ =	shalt  }
0x73: {  	_ =	shalt  }
0x74: {  	_ =	shalt  }
0x75: {  	_ =	shalt  }
0x76: {  	_ =	shalt  }
0x77: {  	_ =	shalt  }
0x78: {  	_ =	shalt  }
0x79: {  	_ =	shalt  }
0x7a: {  	_ =	shalt  }
0x7b: {  	_ =	shalt  }
0x7c: {  	_ =	shalt  }
0x7d: {  	_ =	shalt  }
0x7e: {  	_ =	shalt  }
0x7f: {  	_ =	shalt  }
0x80: {  	_ =	shalt  }
0x81: {  	_ =	shalt  }
0x82: {  	_ =	shalt  }
0x83: {  	_ =	shalt  }
0x84: {  	_ =	shalt  }
0x85: {  	_ =	shalt  }
0x86: {  	_ =	shalt  }
0x87: {  	_ =	shalt  }
.Lfunc_end0:
.L_simem_size_0:
called_computation_lowered:
.L_overlay_start_0:
0x88: {  	s2 =	sld [smem:$0x3FD9]  }
0x89: {  	s3 =	sld [smem:$0x3FFE];
	_ =	sdelay $0x1  }
0x8a: {  	s1 =	srdreg.scid  }
0x8b: {  	s0 =	sand.u32 $0x1, s1  }
0x8c: {  	s16 =	sshll.u32 s0, $0xA;
	s2 =	sadd.s32 s3, s2  }
0x8d: {  	s2 =	sadd.s32 s2, s16  }
0x8e: {  	[smem:$0x3FB8] =	sst s2  }
0x8f: {  	_ = 	snop  }
0x90: {  	(tm) =	ssettm $0x1  }
0x91: {  	s17 =	sld [smem:$0x3FFB];
	_ =	sdelay $0x3  }
0x92: {  	_ =	strace s17  }
0x93: {  	s2 =	sld [smem:$0x3FFC];
	_ =	sdelay $0x3  }
0x94: {  	_ =	strace s2  }
0x95: {  	s2 =	sld [smem:$0x3FFD];
	_ =	sdelay $0x3  }
0x96: {  	_ =	strace s2  }
0x97: {  	_ =	strace $0x8FFFFFFF  }
0x98: {  	s18 =	sld [smem:$0x3FDB];
	_ =	sdelay $0x1  }
0x99: {  	s19 =	simm.s32 $_scs_section_size  }
0x9a: {  	s4 =	simm.s32 $_size__tile_overlayer_lowered;
	s5 =	simm.s32 $_tile_overlayer_lowered  }
0x9b: {  	s22 =	simm.s32 $0x1BFF;
	s21 =	sshll.u32 s5, $0x1;
	s2 =	sadd.s32 s19, s18  }
0x9c: {  	s6 =	simm.s32 $0x0;
	s20 =	sshll.u32 s4, $0x1;
	s4 =	sadd.s32 s21, s2  }
0x9d: {  	[timem:s6], [sflag:s22] =	dma.local [hbm:s4], s20  }
0x9e: {  	_ =	swait.ge [sflag:s22], s20  }
0x9f: {  	s3 =	ssub.s32 $0x0, s20;
	[sflag:s22] =	ssyncset.done $0x0  }
0xa0: {  	[sflag:s22] =	ssyncadd.s32 s3;
	_ =	sdelay $0x1  }
0xa1: {  	s23 =	simm.s32 $0x1B8B  }
0xa2: {  	_ =	swait.ge [sflag:s23], $0x1  }
0xa3: {  	[sflag:s23] =	ssyncset.done $0x0  }
0xa4: {  	s25 =	simm.s32 $0x1B8E;
	s24 =	sld [smem:$0x3FFE];
	[sflag:s23] =	ssyncadd.s32 $0xFFFFFFFF  }
0xa5: {  	s26 =	simm.s32 $execute0_lowered;
	[smem:$0x3FD2] =	sst s25  }
0xa6: {  	s4 =	sshll.u32 s26, $0x1;
	_ =	strace $0x80000046;
	[dreg:$0x1] =	wrdreg $0xFFFFFFFF  }
0xa7: {  	s28 =	simm.s32 $_size_execute0_lowered;
	s2 =	sadd.s32 s2, s4;
	[dreg:$0x0] =	wrdreg $0x0  }
0xa8: {  	s4 =	sshll.u32 s28, $0x1;
	[dreg:$0x2] =	wrdreg s2  }
0xa9: {  	[dreg:$0x3] =	wrdreg s4  }
0xaa: {  	[dreg:$0x4] =	wrdreg $0xC0  }
0xab: {  	_ =	task [dreg:s6], $0x5FFFF  }
0xac: {  	[dreg:$0x1] =	wrdreg $0xFFFFFFFF  }
0xad: {  	[dreg:$0x0] =	wrdreg $0x60  }
0xae: {  	[dreg:$0x2] =	wrdreg s24  }
0xaf: {  	[dreg:$0x3] =	wrdreg $0xED000  }
0xb0: {  	[dreg:$0x4] =	wrdreg $0x9  }
0xb1: {  	_ =	task.clear_ibuf [dreg:s6], $0x5FFFF;
	_ =	strace $0x90000046  }
0xb2: {  	s29 =	simm.s32 $0x9;
	_ =	strace $0x80000048  }
0xb3: {  	_ =	swait.ge [sflag:s29], $0x1  }
0xb4: {  	[sflag:s29] =	ssyncadd.s32 $0xFFFFFFFF  }
0xb5: {  	_ =	strace $0x90000048  }
0xb6: {  	_ =	sfence  }
0xb7: {  	s30 =	sld [smem:$0x0];
	_ =	sdelay $0x2  }
0xb8: {  	s31 =	sshll.u32 s1, $0xD;
	s1 =	sshrl.u32 s1, $0x2  }
0xb9: {  	s3 =	sand.u32 $0x4000, s31;
	s1 =	sadd.s32 s1, s30  }
0xba: {  	s0 =	sor.u32 s3, s0;
	s1 =	sshll.u32 s1, $0x11  }
0xbb: {  	s0 =	sor.u32 s1, s0  }
0xbc: {  	s0 =	sadd.s32 $0x8F2B, s0  }
0xbd: {  	[sflag:s0] =	ssyncadd.remote.s32 $0x1  }
0xbe: {  	_ =	sfence.sel $0xFFFF  }
0xbf: {  	[dreg:$0x0] =	wrdreg $0xFFFFFFFF;
	(pc) =	sbr.abs _section_cstart, $3  }
0xc0: {  	[dreg:$0x1] =	wrdreg $0xFFFFFFFF  }
0xc1: {  	_ =	task.clear_ibuf [dreg:s6], $0x2FFFF;
	_ =	strace $0x9FFFFFFF  }
0xc2: {  	(tm) =	ssettm $0x7FFFFFFF  }
0xc3: {  	_ =	shalt  }
tec
execute0_lowered:
.L_overlay_start_1:
0x0: {  	(tag) =	ssettag $0x1  }
0x1: {  	s0 =	rddreg [dreg:$0x0]  }
0x2: {  	s2 =	rddreg [dreg:$0x1];
	s7 =	stileid.u32  }
0x3: {  	s3 =	simm.s32 $0x0;
	s4 =	srdreg.scid;
	s23 =	simm.s32 $0x1  }
0x4: {  	s28 =	simm.s32 $0x2720;
	s30 =	simm.s32 $0x9E00;
	s1 =	smul.u32 $0x4E4, s7  }
0x5: {  	[smem:$0x7FF] =	sst s3;
	s6 =	sand.u32 $0x1, s4;
	s11 =	smul.u32 $0xC350, s7  }
0x6: {  	s31 =	simm.s32 $0x0;
	_ =	strace $0x80000047;
	s24 =	smul.u32 $0x9C4, s6  }
0x7: {  	s4 =	ssub.s32 $0x2, s6;
	s10 =	smul.u32 $0xC3500, s6;
	s1 =	sadd.s32 s1, s0  }
0x8: {  	s0 =	sadd.s32 $0x10E00, s0;
	s5 =	sshrl.u32 s4, $0x1;
	s7 =	sadd.s32 s11, s2  }
0x9: {  	s22 =	ssub.s32 s4, s5;
	s4 =	sadd.s32 $0x1E00, s1;
	s5 =	sadd.s32 $0x6E00, s1  }
0xa: {  	s29 =	sadd.s32 $0x1388, s24;
	s6 =	sadd.s32 $0xBE00, s1;
	s8 =	sadd.s32 $0x2710, s7  }
0xb: {  	s9 =	sadd.s32 $0x4E20, s7;
	s12 =	sadd.s32 s11, s10;
	s26 =	smul.u32 $0x140, s29  }
0xc: {  	s10 =	sadd.s32 $0x7530, s7;
	s12 =	sshrl.u32 s12, $0x3;
	s22 =	smax.u32 s22, $0x1  }
0xd: {  	v1 =	vmov s29;
	s29 =	simm.s32 $0x7680;
	s12 =	sadd.s32 s0, s12;
	s1 =	sadd.s32 s11, s26  }
0xe: {  	s11 =	sadd.s32 $0x9C40, s7;
	s13 =	sadd.s32 $0x4E2, s12;
	s1 =	sshrl.u32 s1, $0x3  }
0xf: {  	s14 =	sadd.s32 $0x9C4, s12;
	s16 =	sadd.s32 $0xEA6, s12;
	s15 =	sadd.s32 s0, s1  }
0x10: {  	s17 =	sadd.s32 $0x1388, s12;
	s26 =	simm.s32 $0xC580;
	s18 =	sadd.s32 $0x4E2, s15  }
0x11: {  	v2 =	vimm.s32 $0x0;
	v0 =	vmov s24;
	s19 =	sadd.s32 $0x9C4, s15;
	s20 =	sadd.s32 $0xEA6, s15;
	s21 =	sadd.s32 $0x1388, s15  }
.LBB2_1:
0x12: {  	[tilespmem:s3], [sflag:$0x1] =	stream.linear.gather [hbm4b:s4+s3], $0x2720, $0x38;
	[tilespmem:$0x1B050] =	vst v63  }
0x13: {  	_ =	swait.ge [sflag:s23], $0x2720  }
0x14: {  	[sflag:s23] =	ssyncset.done $0x0  }
0x15: {  	s0 =	simm.s32 $0x2780;
	[sflag:s23] =	ssyncadd.s32 $0xFFFFD8E0  }
0x16: {  	[tilespmem:s0], [sflag:$0x1] =	stream.linear.gather [hbm4b:s5+s3], $0x2720, $0x38;
	[tilespmem:$0x1B050] =	vst v63  }
0x17: {  	_ =	swait.ge [sflag:s23], $0x2720  }
0x18: {  	[sflag:s23] =	ssyncset.done $0x0  }
0x19: {  	s25 =	simm.s32 $0x4F00;
	[sflag:s23] =	ssyncadd.s32 $0xFFFFD8E0  }
0x1a: {  	[tilespmem:s25], [sflag:$0x1] =	stream.linear.gather [hbm4b:s6+s3], $0x2720, $0x38;
	[tilespmem:$0x1B050] =	vst v63  }
0x1b: {  	_ =	swait.ge [sflag:s23], $0x2720  }
0x1c: {  	[sflag:s23] =	ssyncset.done $0x0  }
0x1d: {  	s1 =	simm.s32 $0x0;
	s0 =	simm.s32 $0x40;
	[sflag:s23] =	ssyncadd.s32 $0xFFFFD8E0  }
.LBB2_2:
0x1e: {  	p0 =	sne.s32 s0, $0x9C00;
	[tilespmem:s1+$0xC580] =	vst v2;
	s1 =	smov.u32 s0;
	s0 =	sadd.s32 $0x40, s0  }
.Ltmp0:
0x1f: {  	(pc) =	sbr.rel @p0 .LBB2_2-.Ltmp0, $2  }
0x20: {  	_ =	sdelay $0x2  }
0x21: {  	s1 =	sshra.s32 s1, $0x2  }
0x22: {  	[tilespmem:s1+$0xC580] =	vst v2  }
0x23: {  	[spmem:s7] =	stream.linear.scatter [tilespmem:s26], [sflag:$0x1], $0x2710, $0x38;
	[tilespmem:$0x1B050] =	vst v63  }
0x24: {  	_ =	swait.ge [sflag:s23], $0x2710  }
0x25: {  	[sflag:s23] =	ssyncset.done $0x0  }
0x26: {  	[sflag:s23] =	ssyncadd.s32 $0xFFFFD8F0  }
0x27: {  	[spmem:s8] =	stream.linear.scatter [tilespmem:s26], [sflag:$0x1], $0x2710, $0x38;
	[tilespmem:$0x1B050] =	vst v63  }
0x28: {  	_ =	swait.ge [sflag:s23], $0x2710  }
0x29: {  	[sflag:s23] =	ssyncset.done $0x0  }
0x2a: {  	[sflag:s23] =	ssyncadd.s32 $0xFFFFD8F0  }
0x2b: {  	[spmem:s9] =	stream.linear.scatter [tilespmem:s26], [sflag:$0x1], $0x2710, $0x38;
	[tilespmem:$0x1B050] =	vst v63  }
0x2c: {  	_ =	swait.ge [sflag:s23], $0x2710  }
0x2d: {  	[sflag:s23] =	ssyncset.done $0x0  }
0x2e: {  	[sflag:s23] =	ssyncadd.s32 $0xFFFFD8F0  }
0x2f: {  	[spmem:s10] =	stream.linear.scatter [tilespmem:s26], [sflag:$0x1], $0x2710, $0x38;
	[tilespmem:$0x1B050] =	vst v63  }
0x30: {  	_ =	swait.ge [sflag:s23], $0x2710  }
0x31: {  	[sflag:s23] =	ssyncset.done $0x0  }
0x32: {  	[sflag:s23] =	ssyncadd.s32 $0xFFFFD8F0  }
0x33: {  	[spmem:s11] =	stream.linear.scatter [tilespmem:s26], [sflag:$0x1], $0x2710, $0x38;
	[tilespmem:$0x1B050] =	vst v63  }
0x34: {  	_ =	swait.ge [sflag:s23], $0x2710  }
0x35: {  	[sflag:s23] =	ssyncset.done $0x0  }
0x36: {  	[sflag:s23] =	ssyncadd.s32 $0xFFFFD8F0  }
0x37: {  	s1 =	simm.s32 $0x0;
	[bflag:$0x0] =	sbarrier.arrive $0xFFFF  }
0x38: {  	v3 =	vld [tilespmem:s1+$0x0];
	_ =	sdelay $0x1  }
0x39: {  	v5 =	vld [tilespmem:s1+$0x2780];
	_ =	sdelay $0x1  }
0x3a: {  	v6 =	vld [tilespmem:s1+$0x4F00]  }
0x3b: {  	s0 =	simm.s32 $0x10;
	v7 =	vsub.s32 v3, v0  }
0x3c: {  	v4 =	vld [tilespmem:s0+$0x0];
	v8 =	vmul.u32 $0x140, v7  }
0x3d: {  	v9 =	vshra.s32 v5, $0x5;
	v3 =	vld [tilespmem:s0+$0x4F00]  }
0x3e: {  	v10 =	vand.u32 $0x1F, v5;
	v5 =	vld [tilespmem:s0+$0x2780];
	vm0 =	vlt.u32 v7, $0x9C4;
	v7 =	vadd.s32 v9, v8  }
0x3f: {  	v6 =	vshll.u32 v6, v10;
	v7 =	vnsel vm0, $0x0, v7  }
0x40: {  	s24 =	simm.s32 $0x80;
	v6 =	vnsel vm0, $0x0, v6;
	[tilespmem:s1+$0x7680] =	vst v7  }
.LBB2_4:
0x41: {  	s25 =	sshra.s32 s24, $0x2;
	p0 =	sne.s32 s24, $0x9C40;
	s24 =	sadd.s32 $0x40, s24;
	v7 =	vsub.s32 v4, v0;
	[tilespmem:s1+$0x9E00] =	vst v6  }
.Ltmp1:
0x42: {  	s1 =	smov.u32 s0;
	v4 =	vld [tilespmem:s25+$0x0];
	v6 =	vmul.u32 $0x140, v7;
	v8 =	vmov v3;
	s0 =	smov.u32 s25;
	(pc) =	sbr.rel @p0 .LBB2_4-.Ltmp1, $4  }
0x43: {  	v3 =	vld [tilespmem:s0+$0x4F00];
	v9 =	vshra.s32 v5, $0x5;
	v10 =	vand.u32 $0x1F, v5  }
0x44: {  	vm0 =	vlt.u32 v7, $0x9C4;
	v5 =	vld [tilespmem:s0+$0x2780];
	v8 =	vshll.u32 v8, v10;
	v6 =	vadd.s32 v9, v6  }
0x45: {  	v7 =	vnsel vm0, $0x0, v6;
	v6 =	vnsel vm0, $0x0, v8  }
0x46: {  	[tilespmem:s1+$0x7680] =	vst v7  }
0x47: {  	v4 =	vsub.s32 v4, v0  }
0x48: {  	v7 =	vmul.u32 $0x140, v4  }
0x49: {  	v8 =	vshra.s32 v5, $0x5  }
0x4a: {  	vm0 =	vlt.u32 v4, $0x9C4;
	v63 =	vand.u32 $0x1F, v5;
	v7 =	vadd.s32 v8, v7  }
0x4b: {  	[tilespmem:s1+$0x9E00] =	vst v6;
	v3 =	vshll.u32 v3, v63;
	v4 =	vnsel vm0, $0x0, v7  }
0x4c: {  	v3 =	vnsel vm0, $0x0, v3;
	[tilespmem:s0+$0x7680] =	vst v4  }
0x4d: {  	[tilespmem:s0+$0x9E00] =	vst v3  }
0x4e: {  	[spmem:s2] =	stream.indirect.scatter.add.s32 [tilespmem:s30], [sflag:$0x1], $0x1, s29, s28, $0xb8;
	[tilespmem:$0x1B050] =	vst v63  }
0x4f: {  	_ =	swait.ge [sflag:s23], $0x2720  }
0x50: {  	[sflag:s23] =	ssyncset.done $0x0  }
0x51: {  	[sflag:s23] =	ssyncadd.s32 $0xFFFFD8E0  }
0x52: {  	[bflag:$0x0] =	sbarrier.arrive $0xFFFF  }
0x53: {  	[tilespmem:s26], [sflag:$0x1] =	stream.linear.gather [spmem:s7], $0x2710, $0x38;
	[tilespmem:$0x1B050] =	vst v63  }
0x54: {  	_ =	swait.ge [sflag:s23], $0x2710  }
0x55: {  	[sflag:s23] =	ssyncset.done $0x0  }
0x56: {  	s25 =	simm.s32 $0x0;
	[sflag:s23] =	ssyncadd.s32 $0xFFFFD8F0  }
0x57: {  	[hbm4b:s12+s25] =	stream.linear.scatter [tilespmem:s26], [sflag:$0x1], $0x2710, $0x38;
	[tilespmem:$0x1B050] =	vst v63  }
0x58: {  	_ =	swait.ge [sflag:s23], $0x2710  }
0x59: {  	[sflag:s23] =	ssyncset.done $0x0  }
0x5a: {  	[sflag:s23] =	ssyncadd.s32 $0xFFFFD8F0  }
0x5b: {  	[tilespmem:s26], [sflag:$0x1] =	stream.linear.gather [spmem:s8], $0x2710, $0x38;
	[tilespmem:$0x1B050] =	vst v63  }
0x5c: {  	_ =	swait.ge [sflag:s23], $0x2710  }
0x5d: {  	[sflag:s23] =	ssyncset.done $0x0  }
0x5e: {  	[sflag:s23] =	ssyncadd.s32 $0xFFFFD8F0  }
0x5f: {  	[hbm4b:s13+s25] =	stream.linear.scatter [tilespmem:s26], [sflag:$0x1], $0x2710, $0x38;
	[tilespmem:$0x1B050] =	vst v63  }
0x60: {  	_ =	swait.ge [sflag:s23], $0x2710  }
0x61: {  	[sflag:s23] =	ssyncset.done $0x0  }
0x62: {  	[sflag:s23] =	ssyncadd.s32 $0xFFFFD8F0  }
0x63: {  	[tilespmem:s26], [sflag:$0x1] =	stream.linear.gather [spmem:s9], $0x2710, $0x38;
	[tilespmem:$0x1B050] =	vst v63  }
0x64: {  	_ =	swait.ge [sflag:s23], $0x2710  }
0x65: {  	[sflag:s23] =	ssyncset.done $0x0  }
0x66: {  	[sflag:s23] =	ssyncadd.s32 $0xFFFFD8F0  }
0x67: {  	[hbm4b:s14+s25] =	stream.linear.scatter [tilespmem:s26], [sflag:$0x1], $0x2710, $0x38;
	[tilespmem:$0x1B050] =	vst v63  }
0x68: {  	_ =	swait.ge [sflag:s23], $0x2710  }
0x69: {  	[sflag:s23] =	ssyncset.done $0x0  }
0x6a: {  	[sflag:s23] =	ssyncadd.s32 $0xFFFFD8F0  }
0x6b: {  	[tilespmem:s26], [sflag:$0x1] =	stream.linear.gather [spmem:s10], $0x2710, $0x38;
	[tilespmem:$0x1B050] =	vst v63  }
0x6c: {  	_ =	swait.ge [sflag:s23], $0x2710  }
0x6d: {  	[sflag:s23] =	ssyncset.done $0x0  }
0x6e: {  	[sflag:s23] =	ssyncadd.s32 $0xFFFFD8F0  }
0x6f: {  	[hbm4b:s16+s25] =	stream.linear.scatter [tilespmem:s26], [sflag:$0x1], $0x2710, $0x38;
	[tilespmem:$0x1B050] =	vst v63  }
0x70: {  	_ =	swait.ge [sflag:s23], $0x2710  }
0x71: {  	[sflag:s23] =	ssyncset.done $0x0  }
0x72: {  	[sflag:s23] =	ssyncadd.s32 $0xFFFFD8F0  }
0x73: {  	[tilespmem:s26], [sflag:$0x1] =	stream.linear.gather [spmem:s11], $0x2710, $0x38;
	[tilespmem:$0x1B050] =	vst v63  }
0x74: {  	_ =	swait.ge [sflag:s23], $0x2710  }
0x75: {  	[sflag:s23] =	ssyncset.done $0x0  }
0x76: {  	[sflag:s23] =	ssyncadd.s32 $0xFFFFD8F0  }
0x77: {  	[hbm4b:s17+s25] =	stream.linear.scatter [tilespmem:s26], [sflag:$0x1], $0x2710, $0x38;
	[tilespmem:$0x1B050] =	vst v63  }
0x78: {  	_ =	swait.ge [sflag:s23], $0x2710  }
0x79: {  	[sflag:s23] =	ssyncset.done $0x0  }
0x7a: {  	s1 =	simm.s32 $0x0;
	s0 =	simm.s32 $0x40;
	[sflag:s23] =	ssyncadd.s32 $0xFFFFD8F0  }
.LBB2_6:
0x7b: {  	p0 =	sne.s32 s0, $0x9C00;
	[tilespmem:s1+$0xC580] =	vst v2;
	s1 =	smov.u32 s0;
	s0 =	sadd.s32 $0x40, s0  }
.Ltmp2:
0x7c: {  	(pc) =	sbr.rel @p0 .LBB2_6-.Ltmp2, $2  }
0x7d: {  	_ =	sdelay $0x2  }
0x7e: {  	s1 =	sshra.s32 s1, $0x2  }
0x7f: {  	[tilespmem:s1+$0xC580] =	vst v2  }
0x80: {  	[spmem:s7] =	stream.linear.scatter [tilespmem:s26], [sflag:$0x1], $0x2710, $0x38;
	[tilespmem:$0x1B050] =	vst v63  }
0x81: {  	_ =	swait.ge [sflag:s23], $0x2710  }
0x82: {  	[sflag:s23] =	ssyncset.done $0x0  }
0x83: {  	[sflag:s23] =	ssyncadd.s32 $0xFFFFD8F0  }
0x84: {  	[spmem:s8] =	stream.linear.scatter [tilespmem:s26], [sflag:$0x1], $0x2710, $0x38;
	[tilespmem:$0x1B050] =	vst v63  }
0x85: {  	_ =	swait.ge [sflag:s23], $0x2710  }
0x86: {  	[sflag:s23] =	ssyncset.done $0x0  }
0x87: {  	[sflag:s23] =	ssyncadd.s32 $0xFFFFD8F0  }
0x88: {  	[spmem:s9] =	stream.linear.scatter [tilespmem:s26], [sflag:$0x1], $0x2710, $0x38;
	[tilespmem:$0x1B050] =	vst v63  }
0x89: {  	_ =	swait.ge [sflag:s23], $0x2710  }
0x8a: {  	[sflag:s23] =	ssyncset.done $0x0  }
0x8b: {  	[sflag:s23] =	ssyncadd.s32 $0xFFFFD8F0  }
0x8c: {  	[spmem:s10] =	stream.linear.scatter [tilespmem:s26], [sflag:$0x1], $0x2710, $0x38;
	[tilespmem:$0x1B050] =	vst v63  }
0x8d: {  	_ =	swait.ge [sflag:s23], $0x2710  }
0x8e: {  	[sflag:s23] =	ssyncset.done $0x0  }
0x8f: {  	[sflag:s23] =	ssyncadd.s32 $0xFFFFD8F0  }
0x90: {  	[spmem:s11] =	stream.linear.scatter [tilespmem:s26], [sflag:$0x1], $0x2710, $0x38;
	[tilespmem:$0x1B050] =	vst v63  }
0x91: {  	_ =	swait.ge [sflag:s23], $0x2710  }
0x92: {  	[sflag:s23] =	ssyncset.done $0x0  }
0x93: {  	[sflag:s23] =	ssyncadd.s32 $0xFFFFD8F0  }
0x94: {  	s1 =	simm.s32 $0x0;
	[bflag:$0x0] =	sbarrier.arrive $0xFFFF  }
0x95: {  	v3 =	vld [tilespmem:s1+$0x0];
	_ =	sdelay $0x1  }
0x96: {  	v5 =	vld [tilespmem:s1+$0x2780];
	_ =	sdelay $0x1  }
0x97: {  	v6 =	vld [tilespmem:s1+$0x4F00]  }
0x98: {  	s0 =	simm.s32 $0x10;
	v7 =	vsub.s32 v3, v1  }
0x99: {  	v4 =	vld [tilespmem:s0+$0x0];
	v8 =	vmul.u32 $0x140, v7  }
0x9a: {  	v9 =	vshra.s32 v5, $0x5;
	v3 =	vld [tilespmem:s0+$0x4F00]  }
0x9b: {  	v10 =	vand.u32 $0x1F, v5;
	v5 =	vld [tilespmem:s0+$0x2780];
	vm0 =	vlt.u32 v7, $0x9C4;
	v7 =	vadd.s32 v9, v8  }
0x9c: {  	v6 =	vshll.u32 v6, v10;
	v7 =	vnsel vm0, $0x0, v7  }
0x9d: {  	s24 =	simm.s32 $0x80;
	v6 =	vnsel vm0, $0x0, v6;
	[tilespmem:s1+$0x7680] =	vst v7  }
.LBB2_8:
0x9e: {  	s25 =	sshra.s32 s24, $0x2;
	p0 =	sne.s32 s24, $0x9C40;
	s24 =	sadd.s32 $0x40, s24;
	v7 =	vsub.s32 v4, v1;
	[tilespmem:s1+$0x9E00] =	vst v6  }
.Ltmp3:
0x9f: {  	s1 =	smov.u32 s0;
	v4 =	vld [tilespmem:s25+$0x0];
	v6 =	vmul.u32 $0x140, v7;
	v8 =	vmov v3;
	s0 =	smov.u32 s25;
	(pc) =	sbr.rel @p0 .LBB2_8-.Ltmp3, $4  }
0xa0: {  	v3 =	vld [tilespmem:s0+$0x4F00];
	v9 =	vshra.s32 v5, $0x5;
	v10 =	vand.u32 $0x1F, v5  }
0xa1: {  	vm0 =	vlt.u32 v7, $0x9C4;
	v5 =	vld [tilespmem:s0+$0x2780];
	v8 =	vshll.u32 v8, v10;
	v6 =	vadd.s32 v9, v6  }
0xa2: {  	v7 =	vnsel vm0, $0x0, v6;
	v6 =	vnsel vm0, $0x0, v8  }
0xa3: {  	[tilespmem:s1+$0x7680] =	vst v7  }
0xa4: {  	v4 =	vsub.s32 v4, v1  }
0xa5: {  	v7 =	vmul.u32 $0x140, v4  }
0xa6: {  	v8 =	vshra.s32 v5, $0x5  }
0xa7: {  	vm0 =	vlt.u32 v4, $0x9C4;
	v63 =	vand.u32 $0x1F, v5;
	v7 =	vadd.s32 v8, v7  }
0xa8: {  	[tilespmem:s1+$0x9E00] =	vst v6;
	v3 =	vshll.u32 v3, v63;
	v4 =	vnsel vm0, $0x0, v7  }
0xa9: {  	v3 =	vnsel vm0, $0x0, v3;
	[tilespmem:s0+$0x7680] =	vst v4  }
0xaa: {  	[tilespmem:s0+$0x9E00] =	vst v3  }
0xab: {  	[spmem:s2] =	stream.indirect.scatter.add.s32 [tilespmem:s30], [sflag:$0x1], $0x1, s29, s28, $0xb8;
	[tilespmem:$0x1B050] =	vst v63  }
0xac: {  	_ =	swait.ge [sflag:s23], $0x2720  }
0xad: {  	[sflag:s23] =	ssyncset.done $0x0  }
0xae: {  	[sflag:s23] =	ssyncadd.s32 $0xFFFFD8E0  }
0xaf: {  	[bflag:$0x0] =	sbarrier.arrive $0xFFFF  }
0xb0: {  	[tilespmem:s26], [sflag:$0x1] =	stream.linear.gather [spmem:s7], $0x2710, $0x38;
	[tilespmem:$0x1B050] =	vst v63  }
0xb1: {  	_ =	swait.ge [sflag:s23], $0x2710  }
0xb2: {  	[sflag:s23] =	ssyncset.done $0x0  }
0xb3: {  	[sflag:s23] =	ssyncadd.s32 $0xFFFFD8F0  }
0xb4: {  	[hbm4b:s15+s3] =	stream.linear.scatter [tilespmem:s26], [sflag:$0x1], $0x2710, $0x38;
	[tilespmem:$0x1B050] =	vst v63  }
0xb5: {  	_ =	swait.ge [sflag:s23], $0x2710  }
0xb6: {  	[sflag:s23] =	ssyncset.done $0x0  }
0xb7: {  	[sflag:s23] =	ssyncadd.s32 $0xFFFFD8F0  }
0xb8: {  	[tilespmem:s26], [sflag:$0x1] =	stream.linear.gather [spmem:s8], $0x2710, $0x38;
	[tilespmem:$0x1B050] =	vst v63  }
0xb9: {  	_ =	swait.ge [sflag:s23], $0x2710  }
0xba: {  	[sflag:s23] =	ssyncset.done $0x0  }
0xbb: {  	[sflag:s23] =	ssyncadd.s32 $0xFFFFD8F0  }
0xbc: {  	[hbm4b:s18+s3] =	stream.linear.scatter [tilespmem:s26], [sflag:$0x1], $0x2710, $0x38;
	[tilespmem:$0x1B050] =	vst v63  }
0xbd: {  	_ =	swait.ge [sflag:s23], $0x2710  }
0xbe: {  	[sflag:s23] =	ssyncset.done $0x0  }
0xbf: {  	[sflag:s23] =	ssyncadd.s32 $0xFFFFD8F0  }
0xc0: {  	[tilespmem:s26], [sflag:$0x1] =	stream.linear.gather [spmem:s9], $0x2710, $0x38;
	[tilespmem:$0x1B050] =	vst v63  }
0xc1: {  	_ =	swait.ge [sflag:s23], $0x2710  }
0xc2: {  	[sflag:s23] =	ssyncset.done $0x0  }
0xc3: {  	[sflag:s23] =	ssyncadd.s32 $0xFFFFD8F0  }
0xc4: {  	[hbm4b:s19+s3] =	stream.linear.scatter [tilespmem:s26], [sflag:$0x1], $0x2710, $0x38;
	[tilespmem:$0x1B050] =	vst v63  }
0xc5: {  	_ =	swait.ge [sflag:s23], $0x2710  }
0xc6: {  	[sflag:s23] =	ssyncset.done $0x0  }
0xc7: {  	[sflag:s23] =	ssyncadd.s32 $0xFFFFD8F0  }
0xc8: {  	[tilespmem:s26], [sflag:$0x1] =	stream.linear.gather [spmem:s10], $0x2710, $0x38;
	[tilespmem:$0x1B050] =	vst v63  }
0xc9: {  	_ =	swait.ge [sflag:s23], $0x2710  }
0xca: {  	[sflag:s23] =	ssyncset.done $0x0  }
0xcb: {  	[sflag:s23] =	ssyncadd.s32 $0xFFFFD8F0  }
0xcc: {  	[hbm4b:s20+s3] =	stream.linear.scatter [tilespmem:s26], [sflag:$0x1], $0x2710, $0x38;
	[tilespmem:$0x1B050] =	vst v63  }
0xcd: {  	_ =	swait.ge [sflag:s23], $0x2710  }
0xce: {  	[sflag:s23] =	ssyncset.done $0x0  }
0xcf: {  	[sflag:s23] =	ssyncadd.s32 $0xFFFFD8F0  }
0xd0: {  	[tilespmem:s26], [sflag:$0x1] =	stream.linear.gather [spmem:s11], $0x2710, $0x38;
	[tilespmem:$0x1B050] =	vst v63  }
0xd1: {  	s31 =	sadd.s32 $0x1, s31;
	_ =	swait.ge [sflag:s23], $0x2710  }
0xd2: {  	p0 =	sne.s32 s31, s22;
	[sflag:s23] =	ssyncset.done $0x0  }
.Ltmp4:
0xd3: {  	[sflag:s23] =	ssyncadd.s32 $0xFFFFD8F0;
	(pc) =	sbr.rel @p0 .LBB2_1-.Ltmp4, $4  }
0xd4: {  	[hbm4b:s21+s3] =	stream.linear.scatter [tilespmem:s26], [sflag:$0x1], $0x2710, $0x38;
	[tilespmem:$0x1B050] =	vst v63  }
0xd5: {  	_ =	swait.ge [sflag:s23], $0x2710  }
0xd6: {  	[sflag:s23] =	ssyncset.done $0x0  }
0xd7: {  	[sflag:s23] =	ssyncadd.s32 $0xFFFFD8F0  }
0xd8: {  	_ =	sfence.sel $0x180000  }
0xd9: {  	[bflag:$0x0] =	sbarrier.arrive $0xFFFF  }
0xda: {  	_ =	strace $0x90000047  }
0xdb: {  	s0 =	stileid.u32;
	[bflag:$0x2] =	sbarrier.arrive $0xFFFF  }
0xdc: {  	p0 =	sne.s32 s0, $0x0;
	s0 =	rddreg [dreg:$0x2]  }
0xdd: {  	s0 =	sadd.s32 @!p0 $0x100000, s0  }
0xde: {  	[sflag:s0] =	ssyncadd.tile.s32 @!p0 $0x1;
	_ =	shalt  }
.Lfunc_end2:
_tile_overlayer_lowered:
.L_overlay_start_2:
0xdf: {  	(tag) =	ssettag $0x2  }
0xe0: {  	s0 =	rddreg [dreg:$0x0];
	s2 =	stileid.u32  }
0xe1: {  	s1 =	rddreg [dreg:$0x1];
	p0 =	sne.s32 s2, $0x0  }
0xe2: {  	s3 =	rddreg [dreg:$0x2];
	[bflag:$0x3] =	sbarrier.arrive $0xFFFF;
	s2 =	simm.s32 @!p0 $0x1C01  }
0xe3: {  	[timem:s3], [sflag:s2] =	dma.local @!p0 [hbm:s0], s1  }
0xe4: {  	s0 =	simm.s32 @!p0 $0x1  }
0xe5: {  	_ =	swait.ge @!p0 [sflag:s0], s1  }
0xe6: {  	s1 =	ssub.s32 @!p0 $0x0, s1;
	[sflag:s0] =	ssyncset.done @!p0 $0x0  }
0xe7: {  	[sflag:s0] =	ssyncadd.s32 @!p0 s1  }
0xe8: {  	[bflag:$0x3] =	sbarrier.arrive $0xFFFF  }
0xe9: {  	_ =	shalt  }

// kernel: kernel.8.cloned.1.call-start
scs
__scs_entry_jumppad:
0x0: {  	(pc) =	sbr.rel $0x88, $3  }
0x1: {  	(tag) =	ssettag $0x0;
	lr =	simm.s32 $0x1  }
0x2: {  	[smem:$0x3F91] =	sst lr;
	_ =	strace $0xD0000000  }
0x3: {  	_ = 	snop  }
0x4: {  	_ = 	snop  }
0x5: {  	_ = 	snop  }
0x6: {  	_ = 	snop  }
0x7: {  	_ = 	snop  }
__scs_overlays_trampoline_lowered:
0x8: {  	[smem:$0x3FA0] =	sst s0  }
0x9: {  	[smem:$0x3FA1] =	sst s1  }
0xa: {  	[smem:$0x3FA2] =	sst s2  }
0xb: {  	[smem:$0x3FA3] =	sst s3  }
0xc: {  	[smem:$0x3FA4] =	sst s4  }
0xd: {  	[smem:$0x3FA5] =	sst s5  }
0xe: {  	[smem:$0x3FA6] =	sst s6  }
0xf: {  	[smem:$0x3FA7] =	sst s7  }
0x10: {  	[smem:$0x3FA8] =	sst s8  }
0x11: {  	[smem:$0x3FA9] =	sst s9;
	s0 =	simm.s32 @!p0 $0x0  }
0x12: {  	s1 =	sld [smem:$0x3F8F];
	s0 =	simm.s32 @p0 $0x1  }
0x13: {  	[smem:$0x3FAA] =	sst s0;
	s0 =	simm.s32 @!p1 $0x0  }
0x14: {  	s2 =	sld [smem:$0x3F8E];
	s0 =	simm.s32 @p1 $0x1  }
0x15: {  	[smem:$0x3FAB] =	sst s0;
	s0 =	simm.s32 @!p2 $0x0  }
0x16: {  	s3 =	sld [smem:$0x3FDB];
	s0 =	simm.s32 @p2 $0x1  }
0x17: {  	s4 =	simm.s32 $0x1BF5;
	[smem:$0x3FAD] =	sst s0  }
0x18: {  	s0 =	sld [smem:$0x3F90];
	_ =	swait.ge [sflag:s4], $0x0  }
0x19: {  	s7 =	sld [smem:$0x3F91]  }
0x1a: {  	s8 =	sadd.s32 $0xFFFFE003, lr  }
0x1b: {  	s9 =	sadd.s32 $0xFFFFFEF7, lr;
	s5 =	simm.s32 $0xFFFFFFFF;
	p2 =	slt.u32 s8, $0xFFFFF086  }
0x1c: {  	p1 =	slt.u32 s9, $0xF7A;
	s5 =	simm.s32 @!p2 $0x0  }
0x1d: {  	s5 =	simm.s32 @p1 $0x1;
	p0 =	seq.s32 s7, s2  }
0x1e: {  	s7 =	smul.u32 @!p0 $0xF7A, s2;
	p2 =	seq.s32 @!p0 s5, $0x0  }
0x1f: {  	s9 =	smul.u32 $0xF7A, s1;
	s8 =	simm.s32 @!p0 $0x1BF5;
	p2 =	por !p2, p0  }
0x20: {  	[sflag:s8] =	ssyncset.s32 @!p0 $0xFFFFF086;
	s6 =	sadd.s32 @!p0 s3, s7;
	s7 =	simm.s32 @!p0 $0x108  }
0x21: {  	s3 =	sadd.s32 s3, s9;
	s6 =	sadd.s32 @!p0 $0x88, s6;
	s7 =	simm.s32 @p2 $0x1082  }
0x22: {  	[simem:s7], [sflag:s8] =	dma.local @!p0 [hbm:s6], $0xF7A  }
0x23: {  	s9 =	sor.u32 $0xD0000000, s2;
	s6 =	simm.s32 $0x108;
	_ =	swait.ge @!p0 [sflag:s8], $0x0  }
0x24: {  	s3 =	sadd.s32 $0x88, s3;
	s6 =	simm.s32 @!p1 $0x1082;
	[sflag:s4] =	ssyncset.s32 $0xFFFFF086  }
0x25: {  	[simem:s6], [sflag:s4] =	dma.local [hbm:s3], $0xF7A  }
0x26: {  	[smem:$0x3F91] =	sst s1;
	(tag) =	ssettag s2;
	_ =	strace s9  }
0x27: {  	s1 =	sld [smem:$0x3FA1]  }
0x28: {  	s2 =	sld [smem:$0x3FA2]  }
0x29: {  	s4 =	sld [smem:$0x3FA4]  }
0x2a: {  	p0 =	seq.s32 s5, $0x0;
	s5 =	sld [smem:$0x3FA5]  }
0x2b: {  	s6 =	sld [smem:$0x3FA6]  }
0x2c: {  	s7 =	sld [smem:$0x3FA7]  }
0x2d: {  	s3 =	simm.s32 $0x108;
	s8 =	sld [smem:$0x3FA8]  }
0x2e: {  	s3 =	simm.s32 @!p0 $0x1082;
	s9 =	sld [smem:$0x3FA9]  }
0x2f: {  	lr =	sadd.s32 s0, s3;
	s0 =	sld [smem:$0x3FA0]  }
0x30: {  	s3 =	sld [smem:$0x3FA3]  }
0x31: {  	[smem:$0x3FAC] =	sst s10  }
0x32: {  	s10 =	sld [smem:$0x3FAA];
	_ =	sdelay $0x3  }
0x33: {  	p0 =	seq.s32 s10, $0x1;
	s10 =	sld [smem:$0x3FAC];
	_ =	sdelay $0x3  }
0x34: {  	[smem:$0x3FAC] =	sst s10  }
0x35: {  	s10 =	sld [smem:$0x3FAB];
	_ =	sdelay $0x3  }
0x36: {  	p1 =	seq.s32 s10, $0x1;
	s10 =	sld [smem:$0x3FAC];
	_ =	sdelay $0x3  }
0x37: {  	[smem:$0x3FAC] =	sst s10  }
0x38: {  	s10 =	sld [smem:$0x3FAD]  }
0x39: {  	_ = 	snop;
	(pc) =	sbr.ind lr, $3  }
0x3a: {  	_ = 	snop  }
0x3b: {  	_ = 	snop  }
0x3c: {  	p2 =	seq.s32 s10, $0x1;
	s10 =	sld [smem:$0x3FAC]  }
0x3d: {  	_ =	shalt  }
0x3e: {  	_ =	shalt  }
0x3f: {  	_ =	shalt  }
0x40: {  	_ =	shalt  }
0x41: {  	_ =	shalt  }
0x42: {  	_ =	shalt  }
0x43: {  	_ =	shalt  }
0x44: {  	_ =	shalt  }
0x45: {  	_ =	shalt  }
0x46: {  	_ =	shalt  }
0x47: {  	_ =	shalt  }
0x48: {  	_ =	shalt  }
0x49: {  	_ =	shalt  }
0x4a: {  	_ =	shalt  }
0x4b: {  	_ =	shalt  }
0x4c: {  	_ =	shalt  }
0x4d: {  	_ =	shalt  }
0x4e: {  	_ =	shalt  }
0x4f: {  	_ =	shalt  }
0x50: {  	_ =	shalt  }
0x51: {  	_ =	shalt  }
0x52: {  	_ =	shalt  }
0x53: {  	_ =	shalt  }
0x54: {  	_ =	shalt  }
0x55: {  	_ =	shalt  }
0x56: {  	_ =	shalt  }
0x57: {  	_ =	shalt  }
0x58: {  	_ =	shalt  }
0x59: {  	_ =	shalt  }
0x5a: {  	_ =	shalt  }
0x5b: {  	_ =	shalt  }
0x5c: {  	_ =	shalt  }
0x5d: {  	_ =	shalt  }
0x5e: {  	_ =	shalt  }
0x5f: {  	_ =	shalt  }
0x60: {  	_ =	shalt  }
0x61: {  	_ =	shalt  }
0x62: {  	_ =	shalt  }
0x63: {  	_ =	shalt  }
0x64: {  	_ =	shalt  }
0x65: {  	_ =	shalt  }
0x66: {  	_ =	shalt  }
0x67: {  	_ =	shalt  }
0x68: {  	_ =	shalt  }
0x69: {  	_ =	shalt  }
0x6a: {  	_ =	shalt  }
0x6b: {  	_ =	shalt  }
0x6c: {  	_ =	shalt  }
0x6d: {  	_ =	shalt  }
0x6e: {  	_ =	shalt  }
0x6f: {  	_ =	shalt  }
0x70: {  	_ =	shalt  }
0x71: {  	_ =	shalt  }
0x72: {  	_ =	shalt  }
0x73: {  	_ =	shalt  }
0x74: {  	_ =	shalt  }
0x75: {  	_ =	shalt  }
0x76: {  	_ =	shalt  }
0x77: {  	_ =	shalt  }
0x78: {  	_ =	shalt  }
0x79: {  	_ =	shalt  }
0x7a: {  	_ =	shalt  }
0x7b: {  	_ =	shalt  }
0x7c: {  	_ =	shalt  }
0x7d: {  	_ =	shalt  }
0x7e: {  	_ =	shalt  }
0x7f: {  	_ =	shalt  }
0x80: {  	_ =	shalt  }
0x81: {  	_ =	shalt  }
0x82: {  	_ =	shalt  }
0x83: {  	_ =	shalt  }
0x84: {  	_ =	shalt  }
0x85: {  	_ =	shalt  }
0x86: {  	_ =	shalt  }
0x87: {  	_ =	shalt  }
.Lfunc_end0:
.L_simem_size_0:
called_computation.1_lowered:
.L_overlay_start_0:
0x88: {  	s2 =	sld [smem:$0x3FD9]  }
0x89: {  	s3 =	sld [smem:$0x3FFE];
	_ =	sdelay $0x1  }
0x8a: {  	s1 =	srdreg.scid  }
0x8b: {  	s0 =	sand.u32 $0x1, s1  }
0x8c: {  	s17 =	sshll.u32 s0, $0xA;
	s2 =	sadd.s32 s3, s2  }
0x8d: {  	s2 =	sadd.s32 s2, s17  }
0x8e: {  	[smem:$0x3FB8] =	sst s2  }
0x8f: {  	_ = 	snop  }
0x90: {  	s2 =	sld [smem:$0x3FC9]  }
0x91: {  	s18 =	sld [smem:$0x3FD0];
	(tm) =	ssettm $0x1  }
0x92: {  	s4 =	sld [smem:$0x3FFB];
	_ =	sdelay $0x3  }
0x93: {  	_ =	strace s4  }
0x94: {  	s4 =	sld [smem:$0x3FFC];
	_ =	sdelay $0x3  }
0x95: {  	_ =	strace s4  }
0x96: {  	s4 =	sld [smem:$0x3FFD];
	_ =	sdelay $0x3  }
0x97: {  	_ =	strace s4  }
0x98: {  	_ =	strace $0x8FFFFFFF  }
0x99: {  	s19 =	sld [smem:$0x3FDB];
	_ =	sdelay $0x1  }
0x9a: {  	s5 =	simm.s32 $_scs_section_size  }
0x9b: {  	s6 =	simm.s32 $_size__tile_overlayer_lowered;
	s7 =	simm.s32 $_tile_overlayer_lowered  }
0x9c: {  	s22 =	simm.s32 $0x1BFF;
	s21 =	sshll.u32 s7, $0x1;
	s4 =	sadd.s32 s5, s19  }
0x9d: {  	s8 =	simm.s32 $0x0;
	s20 =	sshll.u32 s6, $0x1;
	s6 =	sadd.s32 s21, s4  }
0x9e: {  	[timem:s8], [sflag:s22] =	dma.local [hbm:s6], s20  }
0x9f: {  	_ =	swait.ge [sflag:s22], s20  }
0xa0: {  	s5 =	ssub.s32 $0x0, s20;
	[sflag:s22] =	ssyncset.done $0x0  }
0xa1: {  	[sflag:s22] =	ssyncadd.s32 s5;
	_ =	sdelay $0x1  }
0xa2: {  	s23 =	simm.s32 $0x1B8B  }
0xa3: {  	_ =	swait.ge [sflag:s23], $0x1  }
0xa4: {  	[sflag:s23] =	ssyncset.done $0x0  }
0xa5: {  	s25 =	simm.s32 $0x1B8E;
	s24 =	sld [smem:$0x3FFE];
	[sflag:s23] =	ssyncadd.s32 $0xFFFFFFFF  }
0xa6: {  	s26 =	simm.s32 $execute0_lowered;
	[smem:$0x3FD2] =	sst s25  }
0xa7: {  	s6 =	sshll.u32 s26, $0x1;
	_ =	strace $0x80000049;
	[dreg:$0x1] =	wrdreg $0xFFFFFFFF  }
0xa8: {  	s28 =	simm.s32 $_size_execute0_lowered;
	s4 =	sadd.s32 s4, s6;
	[dreg:$0x0] =	wrdreg $0x0  }
0xa9: {  	s6 =	sshll.u32 s28, $0x1;
	[dreg:$0x2] =	wrdreg s4  }
0xaa: {  	[dreg:$0x3] =	wrdreg s6  }
0xab: {  	[dreg:$0x4] =	wrdreg $0xC0  }
0xac: {  	_ =	task [dreg:s8], $0x5FFFF  }
0xad: {  	[dreg:$0x1] =	wrdreg $0xFFFFFFFF  }
0xae: {  	[dreg:$0x0] =	wrdreg $0x60  }
0xaf: {  	[dreg:$0x2] =	wrdreg s24  }
0xb0: {  	[dreg:$0x3] =	wrdreg s2  }
0xb1: {  	[dreg:$0x4] =	wrdreg s18  }
0xb2: {  	[dreg:$0x5] =	wrdreg $0x9  }
0xb3: {  	_ =	task.clear_ibuf [dreg:s8], $0x6FFFF;
	_ =	strace $0x90000049  }
0xb4: {  	s29 =	simm.s32 $0x9;
	_ =	strace $0x8000004B  }
0xb5: {  	_ =	swait.ge [sflag:s29], $0x1  }
0xb6: {  	[sflag:s29] =	ssyncadd.s32 $0xFFFFFFFF  }
0xb7: {  	_ =	strace $0x9000004B  }
0xb8: {  	_ =	sfence  }
0xb9: {  	s30 =	sld [smem:$0x0];
	_ =	sdelay $0x2  }
0xba: {  	s31 =	sshll.u32 s1, $0xD;
	s1 =	sshrl.u32 s1, $0x2  }
0xbb: {  	s3 =	sand.u32 $0x4000, s31;
	s1 =	sadd.s32 s1, s30  }
0xbc: {  	s0 =	sor.u32 s3, s0;
	s1 =	sshll.u32 s1, $0x11  }
0xbd: {  	s0 =	sor.u32 s1, s0  }
0xbe: {  	s0 =	sadd.s32 $0x8F2B, s0  }
0xbf: {  	[sflag:s0] =	ssyncadd.remote.s32 $0x1  }
0xc0: {  	_ =	sfence.sel $0xFFFF  }
0xc1: {  	[dreg:$0x0] =	wrdreg $0xFFFFFFFF;
	(pc) =	sbr.abs _section_cstart, $3  }
0xc2: {  	[dreg:$0x1] =	wrdreg $0xFFFFFFFF  }
0xc3: {  	_ =	task.clear_ibuf [dreg:s8], $0x2FFFF;
	_ =	strace $0x9FFFFFFF  }
0xc4: {  	(tm) =	ssettm $0x7FFFFFFF  }
0xc5: {  	_ =	shalt  }
tec
execute0_lowered:
.L_overlay_start_1:
0x0: {  	(tag) =	ssettag $0x1  }
0x1: {  	s5 =	rddreg [dreg:$0x0]  }
0x2: {  	s1 =	rddreg [dreg:$0x1]  }
0x3: {  	s10 =	rddreg [dreg:$0x2]  }
0x4: {  	s0 =	rddreg [dreg:$0x3];
	s2 =	simm.s32 $0x0  }
0x5: {  	s6 =	srdreg.scid;
	s3 =	stileid.u32;
	s17 =	simm.s32 $0x1  }
0x6: {  	s18 =	simm.s32 $0x5080;
	s19 =	simm.s32 $0xA080;
	s20 =	simm.s32 $0xC080  }
0x7: {  	s21 =	simm.s32 $0x0;
	[smem:$0x7FF] =	sst s2;
	s4 =	sadd.s32 $0x10E00, s5  }
0x8: {  	s6 =	sand.u32 $0x1, s6;
	s9 =	sadd.s32 $0x72A00, s5;
	s8 =	sshll.u32 s3, $0x7  }
0x9: {  	s11 =	sadd.s32 $0x72C00, s5;
	s14 =	sadd.s32 $0x9AC00, s5;
	s7 =	sshll.u32 s6, $0xB  }
0xa: {  	_ =	strace $0x8000004A;
	s6 =	ssub.s32 $0x2, s6;
	s8 =	sor.u32 s8, s7  }
0xb: {  	s29 =	sshrl.u32 s6, $0x1;
	s12 =	sshrl.u32 s8, $0x3;
	s13 =	smul.u32 $0x28, s8  }
0xc: {  	s15 =	ssub.s32 s6, s29;
	s30 =	sor.u32 $0x40, s8;
	s8 =	sshll.u32 s8, $0x4  }
0xd: {  	s5 =	sadd.s32 s9, s12;
	s6 =	sadd.s32 s10, s12;
	s31 =	sshrl.u32 s30, $0x3  }
0xe: {  	s16 =	smul.u32 $0x28, s30;
	s8 =	sadd.s32 s14, s8;
	s12 =	sshll.u32 s30, $0x4  }
0xf: {  	s7 =	sadd.s32 s11, s13;
	s9 =	sadd.s32 s9, s31;
	s10 =	sadd.s32 s10, s31  }
0x10: {  	s12 =	sadd.s32 s14, s12;
	s13 =	smax.u32 s15, $0x1;
	s14 =	simm.s32 $0x2  }
0x11: {  	s15 =	simm.s32 $0x40;
	s11 =	sadd.s32 s11, s16;
	s16 =	simm.s32 $0x80  }
.LBB2_1:
0x12: {  	[tilespmem:s2], [sflag:$0x2] =	stream.linear.gather [hbm4b:s5+s2], $0x40, $0x38;
	[tilespmem:$0xE080] =	vst v63  }
0x13: {  	_ =	swait.ge [sflag:s14], $0x40  }
0x14: {  	[sflag:s14] =	ssyncset.done $0x0  }
0x15: {  	[sflag:s14] =	ssyncadd.s32 $0xFFFFFFC0  }
0x16: {  	[tilespmem:s15], [sflag:$0x2] =	stream.linear.gather [hbm4b:s6+s2], $0x40, $0x38;
	[tilespmem:$0xE080] =	vst v63  }
0x17: {  	_ =	swait.ge [sflag:s14], $0x40  }
0x18: {  	[sflag:s14] =	ssyncset.done $0x0  }
0x19: {  	[sflag:s14] =	ssyncadd.s32 $0xFFFFFFC0  }
0x1a: {  	[tilespmem:s16], [sflag:$0x1] =	stream.indirect.gather [hbm4b:s4+s15], $0x140, s2, s15, $0xb8;
	[tilespmem:$0xE080] =	vst v63  }
0x1b: {  	_ =	swait.ge [sflag:s17], $0x5000  }
0x1c: {  	[sflag:s17] =	ssyncset.done $0x0  }
0x1d: {  	[sflag:s17] =	ssyncadd.s32 $0xFFFFB000  }
0x1e: {  	[tilespmem:s18], [sflag:$0x1] =	stream.indirect.gather [hbm4b:s4+s15], $0x140, s15, s15, $0xb8;
	[tilespmem:$0xE080] =	vst v63  }
0x1f: {  	_ =	swait.ge [sflag:s17], $0x5000  }
0x20: {  	[sflag:s17] =	ssyncset.done $0x0  }
0x21: {  	[sflag:s17] =	ssyncadd.s32 $0xFFFFB000  }
0x22: {  	[tilespmem:s19], [sflag:$0x1] =	stream.indirect.gather [hbm4b:s1+s15], $0x80, s2, s15, $0xb8;
	[tilespmem:$0xE080] =	vst v63  }
0x23: {  	_ =	swait.ge [sflag:s17], $0x2000  }
0x24: {  	[sflag:s17] =	ssyncset.done $0x0  }
0x25: {  	[sflag:s17] =	ssyncadd.s32 $0xFFFFE000  }
0x26: {  	[tilespmem:s20], [sflag:$0x1] =	stream.indirect.gather [hbm4b:s1+s15], $0x80, s15, s15, $0xb8;
	[tilespmem:$0xE080] =	vst v63  }
0x27: {  	_ =	swait.ge [sflag:s17], $0x2000  }
0x28: {  	[sflag:s17] =	ssyncset.done $0x0  }
0x29: {  	s22 =	simm.s32 $0x5120;
	[sflag:s17] =	ssyncadd.s32 $0xFFFFE000  }
0x2a: {  	s23 =	simm.s32 $0x120;
	v0 =	vld [tilespmem:s22+$0xFFFFFF60]  }
0x2b: {  	v1 =	vld [tilespmem:s23+$0xFFFFFF60];
	_ =	sdelay $0x4  }
0x2c: {  	v0 =	vand.u32 v1, v0  }
0x2d: {  	v1 =	vld [tilespmem:s23+$0xFFFFFF70];
	[tilespmem:s23+$0xFFFFFF60] =	vst v0  }
0x2e: {  	v0 =	vld [tilespmem:s22+$0xFFFFFF70];
	_ =	sdelay $0x4  }
0x2f: {  	v0 =	vand.u32 v1, v0  }
0x30: {  	[tilespmem:s23+$0xFFFFFF70] =	vst v0;
	v0 =	vld [tilespmem:s23+$0xFFFFFF80]  }
0x31: {  	v1 =	vld [tilespmem:s22+$0xFFFFFF80];
	_ =	sdelay $0x4  }
0x32: {  	v0 =	vand.u32 v0, v1  }
0x33: {  	[tilespmem:s23+$0xFFFFFF80] =	vst v0;
	v0 =	vld [tilespmem:s23+$0xFFFFFF90]  }
0x34: {  	v1 =	vld [tilespmem:s22+$0xFFFFFF90];
	_ =	sdelay $0x4  }
0x35: {  	v0 =	vand.u32 v0, v1  }
0x36: {  	[tilespmem:s23+$0xFFFFFF90] =	vst v0;
	v0 =	vld [tilespmem:s23+$0xFFFFFFA0]  }
0x37: {  	v1 =	vld [tilespmem:s22+$0xFFFFFFA0];
	_ =	sdelay $0x4  }
0x38: {  	v0 =	vand.u32 v0, v1  }
0x39: {  	[tilespmem:s23+$0xFFFFFFA0] =	vst v0;
	v0 =	vld [tilespmem:s23+$0xFFFFFFB0]  }
0x3a: {  	v1 =	vld [tilespmem:s22+$0xFFFFFFB0];
	_ =	sdelay $0x4  }
0x3b: {  	v0 =	vand.u32 v0, v1  }
0x3c: {  	[tilespmem:s23+$0xFFFFFFB0] =	vst v0;
	v0 =	vld [tilespmem:s23+$0xFFFFFFC0]  }
0x3d: {  	v1 =	vld [tilespmem:s22+$0xFFFFFFC0];
	_ =	sdelay $0x4  }
0x3e: {  	v0 =	vand.u32 v0, v1  }
0x3f: {  	[tilespmem:s23+$0xFFFFFFC0] =	vst v0;
	v0 =	vld [tilespmem:s23+$0xFFFFFFD0]  }
0x40: {  	v1 =	vld [tilespmem:s22+$0xFFFFFFD0];
	_ =	sdelay $0x4  }
0x41: {  	v0 =	vand.u32 v0, v1  }
0x42: {  	[tilespmem:s23+$0xFFFFFFD0] =	vst v0;
	v0 =	vld [tilespmem:s23+$0xFFFFFFE0]  }
0x43: {  	v1 =	vld [tilespmem:s22+$0xFFFFFFE0];
	_ =	sdelay $0x4  }
0x44: {  	v0 =	vand.u32 v0, v1  }
0x45: {  	[tilespmem:s23+$0xFFFFFFE0] =	vst v0;
	v0 =	vld [tilespmem:s23+$0xFFFFFFF0]  }
0x46: {  	v1 =	vld [tilespmem:s22+$0xFFFFFFF0];
	_ =	sdelay $0x4  }
0x47: {  	v0 =	vand.u32 v0, v1  }
0x48: {  	[tilespmem:s23+$0xFFFFFFF0] =	vst v0;
	v0 =	vld [tilespmem:s23+$0x0]  }
0x49: {  	v1 =	vld [tilespmem:s22+$0x0];
	_ =	sdelay $0x4  }
0x4a: {  	v0 =	vand.u32 v0, v1  }
0x4b: {  	[tilespmem:s23+$0x0] =	vst v0;
	v0 =	vld [tilespmem:s23+$0x10]  }
0x4c: {  	v1 =	vld [tilespmem:s22+$0x10];
	_ =	sdelay $0x4  }
0x4d: {  	v0 =	vand.u32 v0, v1  }
0x4e: {  	[tilespmem:s23+$0x10] =	vst v0;
	v0 =	vld [tilespmem:s23+$0x20]  }
0x4f: {  	v1 =	vld [tilespmem:s22+$0x20];
	_ =	sdelay $0x4  }
0x50: {  	v0 =	vand.u32 v0, v1  }
0x51: {  	[tilespmem:s23+$0x20] =	vst v0;
	v0 =	vld [tilespmem:s23+$0x30]  }
0x52: {  	v1 =	vld [tilespmem:s22+$0x30];
	_ =	sdelay $0x4  }
0x53: {  	v0 =	vand.u32 v0, v1  }
0x54: {  	[tilespmem:s23+$0x30] =	vst v0;
	v0 =	vld [tilespmem:s23+$0x40]  }
0x55: {  	v1 =	vld [tilespmem:s22+$0x40];
	_ =	sdelay $0x4  }
0x56: {  	v0 =	vand.u32 v0, v1  }
0x57: {  	[tilespmem:s23+$0x40] =	vst v0;
	v0 =	vld [tilespmem:s23+$0x50]  }
0x58: {  	v1 =	vld [tilespmem:s22+$0x50];
	_ =	sdelay $0x4  }
0x59: {  	v0 =	vand.u32 v0, v1  }
0x5a: {  	[tilespmem:s23+$0x50] =	vst v0;
	v0 =	vld [tilespmem:s23+$0x60]  }
0x5b: {  	v1 =	vld [tilespmem:s22+$0x60];
	_ =	sdelay $0x4  }
0x5c: {  	v0 =	vand.u32 v0, v1  }
0x5d: {  	[tilespmem:s23+$0x60] =	vst v0;
	v0 =	vld [tilespmem:s23+$0x70]  }
0x5e: {  	v1 =	vld [tilespmem:s22+$0x70];
	_ =	sdelay $0x4  }
0x5f: {  	v0 =	vand.u32 v0, v1  }
0x60: {  	[tilespmem:s23+$0x70] =	vst v0;
	v0 =	vld [tilespmem:s23+$0x80]  }
0x61: {  	v1 =	vld [tilespmem:s22+$0x80];
	_ =	sdelay $0x4  }
0x62: {  	v0 =	vand.u32 v0, v1  }
0x63: {  	[tilespmem:s23+$0x80] =	vst v0;
	v0 =	vld [tilespmem:s23+$0x90]  }
0x64: {  	v1 =	vld [tilespmem:s22+$0x90];
	_ =	sdelay $0x4  }
0x65: {  	v0 =	vand.u32 v0, v1  }
0x66: {  	s26 =	simm.s32 $0x0;
	[tilespmem:s23+$0x90] =	vst v0  }
0x67: {  	v0 =	vld [tilespmem:s26+$0xC0F0]  }
0x68: {  	v1 =	vld [tilespmem:s26+$0xC0E0]  }
0x69: {  	v4 =	vld [tilespmem:s26+$0xA090]  }
0x6a: {  	v5 =	vld [tilespmem:s26+$0xC090]  }
0x6b: {  	v2 =	vld [tilespmem:s26+$0xA0A0]  }
0x6c: {  	s24 =	simm.s32 $0x200;
	v3 =	vld [tilespmem:s26+$0xA0B0]  }
.LBB2_2:
0x6d: {  	p0 =	sne.s32 s24, $0x7E00;
	v6 =	vld [tilespmem:s26+$0xC0B0];
	s23 =	sadd.s32 $0x140, s23;
	s22 =	sadd.s32 $0x140, s22  }
0x6e: {  	s25 =	smov.u32 s24;
	s24 =	sadd.s32 $0x200, s24;
	v7 =	vld [tilespmem:s26+$0xC0A0]  }
0x6f: {  	v4 =	vmul.f32 v5, v4;
	v5 =	vld [tilespmem:s26+$0xA0C0]  }
0x70: {  	v8 =	vld [tilespmem:s26+$0xC0C0]  }
0x71: {  	[tilespmem:s26+$0xA090] =	vst v4;
	v4 =	vld [tilespmem:s26+$0xA0D0]  }
0x72: {  	v3 =	vmul.f32 v6, v3;
	v6 =	vld [tilespmem:s26+$0xC0D0]  }
0x73: {  	v2 =	vmul.f32 v7, v2;
	v7 =	vld [tilespmem:s26+$0xA0E0]  }
0x74: {  	v9 =	vld [tilespmem:s26+$0xC080];
	[tilespmem:s26+$0xA0B0] =	vst v3  }
0x75: {  	[tilespmem:s26+$0xA0A0] =	vst v2;
	v2 =	vmul.f32 v8, v5;
	v3 =	vld [tilespmem:s26+$0xA0F0]  }
0x76: {  	v5 =	vld [tilespmem:s26+$0xA080]  }
0x77: {  	[tilespmem:s26+$0xA0C0] =	vst v2;
	v2 =	vmul.f32 v6, v4  }
0x78: {  	v1 =	vmul.f32 v1, v7  }
0x79: {  	[tilespmem:s26+$0xA0D0] =	vst v2  }
0x7a: {  	[tilespmem:s26+$0xA0E0] =	vst v1;
	v0 =	vmul.f32 v0, v3  }
0x7b: {  	v1 =	vmul.f32 v9, v5  }
0x7c: {  	[tilespmem:s26+$0xA0F0] =	vst v0  }
0x7d: {  	[tilespmem:s26+$0xA080] =	vst v1  }
0x7e: {  	v0 =	vld [tilespmem:s22+$0xFFFFFF60]  }
0x7f: {  	v1 =	vld [tilespmem:s23+$0xFFFFFF60];
	_ =	sdelay $0x4  }
0x80: {  	v0 =	vand.u32 v1, v0;
	v1 =	vld [tilespmem:s23+$0xFFFFFF70]  }
0x81: {  	[tilespmem:s23+$0xFFFFFF60] =	vst v0  }
0x82: {  	v0 =	vld [tilespmem:s22+$0xFFFFFF70];
	_ =	sdelay $0x4  }
0x83: {  	v0 =	vand.u32 v1, v0  }
0x84: {  	[tilespmem:s23+$0xFFFFFF70] =	vst v0;
	v0 =	vld [tilespmem:s23+$0xFFFFFF80]  }
0x85: {  	v1 =	vld [tilespmem:s22+$0xFFFFFF80];
	_ =	sdelay $0x4  }
0x86: {  	v0 =	vand.u32 v0, v1  }
0x87: {  	[tilespmem:s23+$0xFFFFFF80] =	vst v0;
	v0 =	vld [tilespmem:s23+$0xFFFFFF90]  }
0x88: {  	v1 =	vld [tilespmem:s22+$0xFFFFFF90];
	_ =	sdelay $0x4  }
0x89: {  	v0 =	vand.u32 v0, v1  }
0x8a: {  	[tilespmem:s23+$0xFFFFFF90] =	vst v0;
	v0 =	vld [tilespmem:s23+$0xFFFFFFA0]  }
0x8b: {  	v1 =	vld [tilespmem:s22+$0xFFFFFFA0];
	_ =	sdelay $0x4  }
0x8c: {  	v0 =	vand.u32 v0, v1  }
0x8d: {  	[tilespmem:s23+$0xFFFFFFA0] =	vst v0;
	v0 =	vld [tilespmem:s23+$0xFFFFFFB0]  }
0x8e: {  	v1 =	vld [tilespmem:s22+$0xFFFFFFB0];
	_ =	sdelay $0x4  }
0x8f: {  	v0 =	vand.u32 v0, v1  }
0x90: {  	[tilespmem:s23+$0xFFFFFFB0] =	vst v0;
	v0 =	vld [tilespmem:s23+$0xFFFFFFC0]  }
0x91: {  	v1 =	vld [tilespmem:s22+$0xFFFFFFC0];
	_ =	sdelay $0x4  }
0x92: {  	v0 =	vand.u32 v0, v1  }
0x93: {  	[tilespmem:s23+$0xFFFFFFC0] =	vst v0;
	v0 =	vld [tilespmem:s23+$0xFFFFFFD0]  }
0x94: {  	v1 =	vld [tilespmem:s22+$0xFFFFFFD0];
	_ =	sdelay $0x4  }
0x95: {  	v0 =	vand.u32 v0, v1  }
0x96: {  	[tilespmem:s23+$0xFFFFFFD0] =	vst v0;
	v0 =	vld [tilespmem:s23+$0xFFFFFFE0]  }
0x97: {  	v1 =	vld [tilespmem:s22+$0xFFFFFFE0];
	_ =	sdelay $0x4  }
0x98: {  	v0 =	vand.u32 v0, v1  }
0x99: {  	[tilespmem:s23+$0xFFFFFFE0] =	vst v0;
	v0 =	vld [tilespmem:s23+$0xFFFFFFF0]  }
0x9a: {  	v1 =	vld [tilespmem:s22+$0xFFFFFFF0];
	_ =	sdelay $0x4  }
0x9b: {  	v0 =	vand.u32 v0, v1  }
0x9c: {  	[tilespmem:s23+$0xFFFFFFF0] =	vst v0;
	v0 =	vld [tilespmem:s23+$0x0]  }
0x9d: {  	v1 =	vld [tilespmem:s22+$0x0];
	_ =	sdelay $0x4  }
0x9e: {  	v0 =	vand.u32 v0, v1  }
0x9f: {  	[tilespmem:s23+$0x0] =	vst v0;
	v0 =	vld [tilespmem:s23+$0x10]  }
0xa0: {  	v1 =	vld [tilespmem:s22+$0x10];
	_ =	sdelay $0x4  }
0xa1: {  	v0 =	vand.u32 v0, v1  }
0xa2: {  	[tilespmem:s23+$0x10] =	vst v0;
	v0 =	vld [tilespmem:s23+$0x20]  }
0xa3: {  	v1 =	vld [tilespmem:s22+$0x20];
	_ =	sdelay $0x4  }
0xa4: {  	v0 =	vand.u32 v0, v1  }
0xa5: {  	[tilespmem:s23+$0x20] =	vst v0;
	v0 =	vld [tilespmem:s23+$0x30]  }
0xa6: {  	v1 =	vld [tilespmem:s22+$0x30];
	_ =	sdelay $0x4  }
0xa7: {  	v0 =	vand.u32 v0, v1  }
0xa8: {  	[tilespmem:s23+$0x30] =	vst v0;
	v0 =	vld [tilespmem:s23+$0x40]  }
0xa9: {  	v1 =	vld [tilespmem:s22+$0x40];
	_ =	sdelay $0x4  }
0xaa: {  	v0 =	vand.u32 v0, v1  }
0xab: {  	[tilespmem:s23+$0x40] =	vst v0;
	v0 =	vld [tilespmem:s23+$0x50]  }
0xac: {  	v1 =	vld [tilespmem:s22+$0x50];
	_ =	sdelay $0x4  }
0xad: {  	v0 =	vand.u32 v0, v1  }
0xae: {  	[tilespmem:s23+$0x50] =	vst v0;
	v0 =	vld [tilespmem:s23+$0x60]  }
0xaf: {  	v1 =	vld [tilespmem:s22+$0x60];
	_ =	sdelay $0x4  }
0xb0: {  	v0 =	vand.u32 v0, v1  }
0xb1: {  	[tilespmem:s23+$0x60] =	vst v0;
	v0 =	vld [tilespmem:s23+$0x70]  }
0xb2: {  	v1 =	vld [tilespmem:s22+$0x70];
	_ =	sdelay $0x4  }
0xb3: {  	v0 =	vand.u32 v0, v1  }
0xb4: {  	[tilespmem:s23+$0x70] =	vst v0;
	v0 =	vld [tilespmem:s23+$0x80]  }
0xb5: {  	v1 =	vld [tilespmem:s22+$0x80];
	_ =	sdelay $0x4  }
0xb6: {  	v0 =	vand.u32 v0, v1  }
0xb7: {  	[tilespmem:s23+$0x80] =	vst v0;
	v0 =	vld [tilespmem:s23+$0x90]  }
0xb8: {  	v1 =	vld [tilespmem:s22+$0x90];
	_ =	sdelay $0x4  }
0xb9: {  	v0 =	vand.u32 v0, v1  }
0xba: {  	s26 =	sshra.s32 s25, $0x2;
	[tilespmem:s23+$0x90] =	vst v0  }
0xbb: {  	v0 =	vld [tilespmem:s26+$0xC0F0]  }
.Ltmp0:
0xbc: {  	v1 =	vld [tilespmem:s26+$0xC0E0];
	(pc) =	sbr.rel @p0 .LBB2_2-.Ltmp0, $4  }
0xbd: {  	v4 =	vld [tilespmem:s26+$0xA090]  }
0xbe: {  	v5 =	vld [tilespmem:s26+$0xC090]  }
0xbf: {  	v2 =	vld [tilespmem:s26+$0xA0A0]  }
0xc0: {  	v3 =	vld [tilespmem:s26+$0xA0B0]  }
0xc1: {  	v6 =	vld [tilespmem:s26+$0xC0B0]  }
0xc2: {  	v7 =	vld [tilespmem:s26+$0xC0A0]  }
0xc3: {  	v8 =	vld [tilespmem:s26+$0xC0C0]  }
0xc4: {  	v9 =	vld [tilespmem:s26+$0xC0D0];
	v4 =	vmul.f32 v5, v4  }
0xc5: {  	v5 =	vld [tilespmem:s26+$0xA0C0]  }
0xc6: {  	[tilespmem:s26+$0xA090] =	vst v4;
	v4 =	vld [tilespmem:s26+$0xA0D0]  }
0xc7: {  	v3 =	vmul.f32 v6, v3;
	v6 =	vld [tilespmem:s26+$0xA0E0];
	v2 =	vmul.f32 v7, v2  }
0xc8: {  	v7 =	vld [tilespmem:s26+$0xC080]  }
0xc9: {  	[tilespmem:s26+$0xA0A0] =	vst v2;
	v2 =	vld [tilespmem:s26+$0xA0F0]  }
0xca: {  	[tilespmem:s26+$0xA0B0] =	vst v3;
	v3 =	vld [tilespmem:s26+$0xA080]  }
0xcb: {  	v5 =	vmul.f32 v8, v5  }
0xcc: {  	v4 =	vmul.f32 v9, v4  }
0xcd: {  	[tilespmem:s26+$0xA0C0] =	vst v5;
	v1 =	vmul.f32 v1, v6  }
0xce: {  	[tilespmem:s26+$0xA0D0] =	vst v4;
	v0 =	vmul.f32 v0, v2  }
0xcf: {  	[tilespmem:s26+$0xA0E0] =	vst v1;
	v1 =	vmul.f32 v7, v3  }
0xd0: {  	[tilespmem:s26+$0xA0F0] =	vst v0  }
0xd1: {  	s22 =	simm.s32 $0x0;
	[tilespmem:s26+$0xA080] =	vst v1  }
0xd2: {  	[hbm4b:s7+s22] =	stream.linear.scatter [tilespmem:s16], [sflag:$0x2], $0x5000, $0x38;
	[tilespmem:$0xE080] =	vst v63  }
0xd3: {  	_ =	swait.ge [sflag:s14], $0x5000  }
0xd4: {  	[sflag:s14] =	ssyncset.done $0x0  }
0xd5: {  	[sflag:s14] =	ssyncadd.s32 $0xFFFFB000  }
0xd6: {  	[hbm4b:s8+s22] =	stream.linear.scatter [tilespmem:s19], [sflag:$0x2], $0x2000, $0x38;
	[tilespmem:$0xE080] =	vst v63  }
0xd7: {  	_ =	swait.ge [sflag:s14], $0x2000  }
0xd8: {  	[sflag:s14] =	ssyncset.done $0x0  }
0xd9: {  	[sflag:s14] =	ssyncadd.s32 $0xFFFFE000  }
0xda: {  	[tilespmem:s22], [sflag:$0x2] =	stream.linear.gather [hbm4b:s9+s22], $0x40, $0x38;
	[tilespmem:$0xE080] =	vst v63  }
0xdb: {  	_ =	swait.ge [sflag:s14], $0x40  }
0xdc: {  	[sflag:s14] =	ssyncset.done $0x0  }
0xdd: {  	[sflag:s14] =	ssyncadd.s32 $0xFFFFFFC0  }
0xde: {  	[tilespmem:s15], [sflag:$0x2] =	stream.linear.gather [hbm4b:s10+s22], $0x40, $0x38;
	[tilespmem:$0xE080] =	vst v63  }
0xdf: {  	_ =	swait.ge [sflag:s14], $0x40  }
0xe0: {  	[sflag:s14] =	ssyncset.done $0x0  }
0xe1: {  	[sflag:s14] =	ssyncadd.s32 $0xFFFFFFC0  }
0xe2: {  	[tilespmem:s16], [sflag:$0x1] =	stream.indirect.gather [hbm4b:s4+s15], $0x140, s22, s15, $0xb8;
	[tilespmem:$0xE080] =	vst v63  }
0xe3: {  	_ =	swait.ge [sflag:s17], $0x5000  }
0xe4: {  	[sflag:s17] =	ssyncset.done $0x0  }
0xe5: {  	[sflag:s17] =	ssyncadd.s32 $0xFFFFB000  }
0xe6: {  	[tilespmem:s18], [sflag:$0x1] =	stream.indirect.gather [hbm4b:s4+s15], $0x140, s15, s15, $0xb8;
	[tilespmem:$0xE080] =	vst v63  }
0xe7: {  	_ =	swait.ge [sflag:s17], $0x5000  }
0xe8: {  	[sflag:s17] =	ssyncset.done $0x0  }
0xe9: {  	[sflag:s17] =	ssyncadd.s32 $0xFFFFB000  }
0xea: {  	[tilespmem:s19], [sflag:$0x1] =	stream.indirect.gather [hbm4b:s1+s15], $0x80, s22, s15, $0xb8;
	[tilespmem:$0xE080] =	vst v63  }
0xeb: {  	_ =	swait.ge [sflag:s17], $0x2000  }
0xec: {  	[sflag:s17] =	ssyncset.done $0x0  }
0xed: {  	[sflag:s17] =	ssyncadd.s32 $0xFFFFE000  }
0xee: {  	[tilespmem:s20], [sflag:$0x1] =	stream.indirect.gather [hbm4b:s1+s15], $0x80, s15, s15, $0xb8;
	[tilespmem:$0xE080] =	vst v63  }
0xef: {  	_ =	swait.ge [sflag:s17], $0x2000  }
0xf0: {  	[sflag:s17] =	ssyncset.done $0x0  }
0xf1: {  	s22 =	simm.s32 $0x5120;
	[sflag:s17] =	ssyncadd.s32 $0xFFFFE000  }
0xf2: {  	s23 =	simm.s32 $0x120;
	v0 =	vld [tilespmem:s22+$0xFFFFFF60]  }
0xf3: {  	v1 =	vld [tilespmem:s23+$0xFFFFFF60];
	_ =	sdelay $0x4  }
0xf4: {  	v0 =	vand.u32 v1, v0  }
0xf5: {  	v1 =	vld [tilespmem:s23+$0xFFFFFF70];
	[tilespmem:s23+$0xFFFFFF60] =	vst v0  }
0xf6: {  	v0 =	vld [tilespmem:s22+$0xFFFFFF70];
	_ =	sdelay $0x4  }
0xf7: {  	v0 =	vand.u32 v1, v0  }
0xf8: {  	[tilespmem:s23+$0xFFFFFF70] =	vst v0;
	v0 =	vld [tilespmem:s23+$0xFFFFFF80]  }
0xf9: {  	v1 =	vld [tilespmem:s22+$0xFFFFFF80];
	_ =	sdelay $0x4  }
0xfa: {  	v0 =	vand.u32 v0, v1  }
0xfb: {  	[tilespmem:s23+$0xFFFFFF80] =	vst v0;
	v0 =	vld [tilespmem:s23+$0xFFFFFF90]  }
0xfc: {  	v1 =	vld [tilespmem:s22+$0xFFFFFF90];
	_ =	sdelay $0x4  }
0xfd: {  	v0 =	vand.u32 v0, v1  }
0xfe: {  	[tilespmem:s23+$0xFFFFFF90] =	vst v0;
	v0 =	vld [tilespmem:s23+$0xFFFFFFA0]  }
0xff: {  	v1 =	vld [tilespmem:s22+$0xFFFFFFA0];
	_ =	sdelay $0x4  }
0x100: {  	v0 =	vand.u32 v0, v1  }
0x101: {  	[tilespmem:s23+$0xFFFFFFA0] =	vst v0;
	v0 =	vld [tilespmem:s23+$0xFFFFFFB0]  }
0x102: {  	v1 =	vld [tilespmem:s22+$0xFFFFFFB0];
	_ =	sdelay $0x4  }
0x103: {  	v0 =	vand.u32 v0, v1  }
0x104: {  	[tilespmem:s23+$0xFFFFFFB0] =	vst v0;
	v0 =	vld [tilespmem:s23+$0xFFFFFFC0]  }
0x105: {  	v1 =	vld [tilespmem:s22+$0xFFFFFFC0];
	_ =	sdelay $0x4  }
0x106: {  	v0 =	vand.u32 v0, v1  }
0x107: {  	[tilespmem:s23+$0xFFFFFFC0] =	vst v0;
	v0 =	vld [tilespmem:s23+$0xFFFFFFD0]  }
0x108: {  	v1 =	vld [tilespmem:s22+$0xFFFFFFD0];
	_ =	sdelay $0x4  }
0x109: {  	v0 =	vand.u32 v0, v1  }
0x10a: {  	[tilespmem:s23+$0xFFFFFFD0] =	vst v0;
	v0 =	vld [tilespmem:s23+$0xFFFFFFE0]  }
0x10b: {  	v1 =	vld [tilespmem:s22+$0xFFFFFFE0];
	_ =	sdelay $0x4  }
0x10c: {  	v0 =	vand.u32 v0, v1  }
0x10d: {  	[tilespmem:s23+$0xFFFFFFE0] =	vst v0;
	v0 =	vld [tilespmem:s23+$0xFFFFFFF0]  }
0x10e: {  	v1 =	vld [tilespmem:s22+$0xFFFFFFF0];
	_ =	sdelay $0x4  }
0x10f: {  	v0 =	vand.u32 v0, v1  }
0x110: {  	[tilespmem:s23+$0xFFFFFFF0] =	vst v0;
	v0 =	vld [tilespmem:s23+$0x0]  }
0x111: {  	v1 =	vld [tilespmem:s22+$0x0];
	_ =	sdelay $0x4  }
0x112: {  	v0 =	vand.u32 v0, v1  }
0x113: {  	[tilespmem:s23+$0x0] =	vst v0;
	v0 =	vld [tilespmem:s23+$0x10]  }
0x114: {  	v1 =	vld [tilespmem:s22+$0x10];
	_ =	sdelay $0x4  }
0x115: {  	v0 =	vand.u32 v0, v1  }
0x116: {  	[tilespmem:s23+$0x10] =	vst v0;
	v0 =	vld [tilespmem:s23+$0x20]  }
0x117: {  	v1 =	vld [tilespmem:s22+$0x20];
	_ =	sdelay $0x4  }
0x118: {  	v0 =	vand.u32 v0, v1  }
0x119: {  	[tilespmem:s23+$0x20] =	vst v0;
	v0 =	vld [tilespmem:s23+$0x30]  }
0x11a: {  	v1 =	vld [tilespmem:s22+$0x30];
	_ =	sdelay $0x4  }
0x11b: {  	v0 =	vand.u32 v0, v1  }
0x11c: {  	[tilespmem:s23+$0x30] =	vst v0;
	v0 =	vld [tilespmem:s23+$0x40]  }
0x11d: {  	v1 =	vld [tilespmem:s22+$0x40];
	_ =	sdelay $0x4  }
0x11e: {  	v0 =	vand.u32 v0, v1  }
0x11f: {  	[tilespmem:s23+$0x40] =	vst v0;
	v0 =	vld [tilespmem:s23+$0x50]  }
0x120: {  	v1 =	vld [tilespmem:s22+$0x50];
	_ =	sdelay $0x4  }
0x121: {  	v0 =	vand.u32 v0, v1  }
0x122: {  	[tilespmem:s23+$0x50] =	vst v0;
	v0 =	vld [tilespmem:s23+$0x60]  }
0x123: {  	v1 =	vld [tilespmem:s22+$0x60];
	_ =	sdelay $0x4  }
0x124: {  	v0 =	vand.u32 v0, v1  }
0x125: {  	[tilespmem:s23+$0x60] =	vst v0;
	v0 =	vld [tilespmem:s23+$0x70]  }
0x126: {  	v1 =	vld [tilespmem:s22+$0x70];
	_ =	sdelay $0x4  }
0x127: {  	v0 =	vand.u32 v0, v1  }
0x128: {  	[tilespmem:s23+$0x70] =	vst v0;
	v0 =	vld [tilespmem:s23+$0x80]  }
0x129: {  	v1 =	vld [tilespmem:s22+$0x80];
	_ =	sdelay $0x4  }
0x12a: {  	v0 =	vand.u32 v0, v1  }
0x12b: {  	[tilespmem:s23+$0x80] =	vst v0;
	v0 =	vld [tilespmem:s23+$0x90]  }
0x12c: {  	v1 =	vld [tilespmem:s22+$0x90];
	_ =	sdelay $0x4  }
0x12d: {  	v0 =	vand.u32 v0, v1  }
0x12e: {  	s26 =	simm.s32 $0x0;
	[tilespmem:s23+$0x90] =	vst v0  }
0x12f: {  	v0 =	vld [tilespmem:s26+$0xC0F0]  }
0x130: {  	v1 =	vld [tilespmem:s26+$0xC0E0]  }
0x131: {  	v4 =	vld [tilespmem:s26+$0xA090]  }
0x132: {  	v5 =	vld [tilespmem:s26+$0xC090]  }
0x133: {  	v2 =	vld [tilespmem:s26+$0xA0A0]  }
0x134: {  	s24 =	simm.s32 $0x200;
	v3 =	vld [tilespmem:s26+$0xA0B0]  }
.LBB2_4:
0x135: {  	p0 =	sne.s32 s24, $0x7E00;
	v6 =	vld [tilespmem:s26+$0xC0B0];
	s23 =	sadd.s32 $0x140, s23;
	s22 =	sadd.s32 $0x140, s22  }
0x136: {  	s25 =	smov.u32 s24;
	s24 =	sadd.s32 $0x200, s24;
	v7 =	vld [tilespmem:s26+$0xC0A0]  }
0x137: {  	v4 =	vmul.f32 v5, v4;
	v5 =	vld [tilespmem:s26+$0xA0C0]  }
0x138: {  	v8 =	vld [tilespmem:s26+$0xC0C0]  }
0x139: {  	[tilespmem:s26+$0xA090] =	vst v4;
	v4 =	vld [tilespmem:s26+$0xA0D0]  }
0x13a: {  	v3 =	vmul.f32 v6, v3;
	v6 =	vld [tilespmem:s26+$0xC0D0]  }
0x13b: {  	v2 =	vmul.f32 v7, v2;
	v7 =	vld [tilespmem:s26+$0xA0E0]  }
0x13c: {  	v9 =	vld [tilespmem:s26+$0xC080];
	[tilespmem:s26+$0xA0B0] =	vst v3  }
0x13d: {  	[tilespmem:s26+$0xA0A0] =	vst v2;
	v2 =	vmul.f32 v8, v5;
	v3 =	vld [tilespmem:s26+$0xA0F0]  }
0x13e: {  	v5 =	vld [tilespmem:s26+$0xA080]  }
0x13f: {  	[tilespmem:s26+$0xA0C0] =	vst v2;
	v2 =	vmul.f32 v6, v4  }
0x140: {  	v1 =	vmul.f32 v1, v7  }
0x141: {  	[tilespmem:s26+$0xA0D0] =	vst v2  }
0x142: {  	[tilespmem:s26+$0xA0E0] =	vst v1;
	v0 =	vmul.f32 v0, v3  }
0x143: {  	v1 =	vmul.f32 v9, v5  }
0x144: {  	[tilespmem:s26+$0xA0F0] =	vst v0  }
0x145: {  	[tilespmem:s26+$0xA080] =	vst v1  }
0x146: {  	v0 =	vld [tilespmem:s22+$0xFFFFFF60]  }
0x147: {  	v1 =	vld [tilespmem:s23+$0xFFFFFF60];
	_ =	sdelay $0x4  }
0x148: {  	v0 =	vand.u32 v1, v0;
	v1 =	vld [tilespmem:s23+$0xFFFFFF70]  }
0x149: {  	[tilespmem:s23+$0xFFFFFF60] =	vst v0  }
0x14a: {  	v0 =	vld [tilespmem:s22+$0xFFFFFF70];
	_ =	sdelay $0x4  }
0x14b: {  	v0 =	vand.u32 v1, v0  }
0x14c: {  	[tilespmem:s23+$0xFFFFFF70] =	vst v0;
	v0 =	vld [tilespmem:s23+$0xFFFFFF80]  }
0x14d: {  	v1 =	vld [tilespmem:s22+$0xFFFFFF80];
	_ =	sdelay $0x4  }
0x14e: {  	v0 =	vand.u32 v0, v1  }
0x14f: {  	[tilespmem:s23+$0xFFFFFF80] =	vst v0;
	v0 =	vld [tilespmem:s23+$0xFFFFFF90]  }
0x150: {  	v1 =	vld [tilespmem:s22+$0xFFFFFF90];
	_ =	sdelay $0x4  }
0x151: {  	v0 =	vand.u32 v0, v1  }
0x152: {  	[tilespmem:s23+$0xFFFFFF90] =	vst v0;
	v0 =	vld [tilespmem:s23+$0xFFFFFFA0]  }
0x153: {  	v1 =	vld [tilespmem:s22+$0xFFFFFFA0];
	_ =	sdelay $0x4  }
0x154: {  	v0 =	vand.u32 v0, v1  }
0x155: {  	[tilespmem:s23+$0xFFFFFFA0] =	vst v0;
	v0 =	vld [tilespmem:s23+$0xFFFFFFB0]  }
0x156: {  	v1 =	vld [tilespmem:s22+$0xFFFFFFB0];
	_ =	sdelay $0x4  }
0x157: {  	v0 =	vand.u32 v0, v1  }
0x158: {  	[tilespmem:s23+$0xFFFFFFB0] =	vst v0;
	v0 =	vld [tilespmem:s23+$0xFFFFFFC0]  }
0x159: {  	v1 =	vld [tilespmem:s22+$0xFFFFFFC0];
	_ =	sdelay $0x4  }
0x15a: {  	v0 =	vand.u32 v0, v1  }
0x15b: {  	[tilespmem:s23+$0xFFFFFFC0] =	vst v0;
	v0 =	vld [tilespmem:s23+$0xFFFFFFD0]  }
0x15c: {  	v1 =	vld [tilespmem:s22+$0xFFFFFFD0];
	_ =	sdelay $0x4  }
0x15d: {  	v0 =	vand.u32 v0, v1  }
0x15e: {  	[tilespmem:s23+$0xFFFFFFD0] =	vst v0;
	v0 =	vld [tilespmem:s23+$0xFFFFFFE0]  }
0x15f: {  	v1 =	vld [tilespmem:s22+$0xFFFFFFE0];
	_ =	sdelay $0x4  }
0x160: {  	v0 =	vand.u32 v0, v1  }
0x161: {  	[tilespmem:s23+$0xFFFFFFE0] =	vst v0;
	v0 =	vld [tilespmem:s23+$0xFFFFFFF0]  }
0x162: {  	v1 =	vld [tilespmem:s22+$0xFFFFFFF0];
	_ =	sdelay $0x4  }
0x163: {  	v0 =	vand.u32 v0, v1  }
0x164: {  	[tilespmem:s23+$0xFFFFFFF0] =	vst v0;
	v0 =	vld [tilespmem:s23+$0x0]  }
0x165: {  	v1 =	vld [tilespmem:s22+$0x0];
	_ =	sdelay $0x4  }
0x166: {  	v0 =	vand.u32 v0, v1  }
0x167: {  	[tilespmem:s23+$0x0] =	vst v0;
	v0 =	vld [tilespmem:s23+$0x10]  }
0x168: {  	v1 =	vld [tilespmem:s22+$0x10];
	_ =	sdelay $0x4  }
0x169: {  	v0 =	vand.u32 v0, v1  }
0x16a: {  	[tilespmem:s23+$0x10] =	vst v0;
	v0 =	vld [tilespmem:s23+$0x20]  }
0x16b: {  	v1 =	vld [tilespmem:s22+$0x20];
	_ =	sdelay $0x4  }
0x16c: {  	v0 =	vand.u32 v0, v1  }
0x16d: {  	[tilespmem:s23+$0x20] =	vst v0;
	v0 =	vld [tilespmem:s23+$0x30]  }
0x16e: {  	v1 =	vld [tilespmem:s22+$0x30];
	_ =	sdelay $0x4  }
0x16f: {  	v0 =	vand.u32 v0, v1  }
0x170: {  	[tilespmem:s23+$0x30] =	vst v0;
	v0 =	vld [tilespmem:s23+$0x40]  }
0x171: {  	v1 =	vld [tilespmem:s22+$0x40];
	_ =	sdelay $0x4  }
0x172: {  	v0 =	vand.u32 v0, v1  }
0x173: {  	[tilespmem:s23+$0x40] =	vst v0;
	v0 =	vld [tilespmem:s23+$0x50]  }
0x174: {  	v1 =	vld [tilespmem:s22+$0x50];
	_ =	sdelay $0x4  }
0x175: {  	v0 =	vand.u32 v0, v1  }
0x176: {  	[tilespmem:s23+$0x50] =	vst v0;
	v0 =	vld [tilespmem:s23+$0x60]  }
0x177: {  	v1 =	vld [tilespmem:s22+$0x60];
	_ =	sdelay $0x4  }
0x178: {  	v0 =	vand.u32 v0, v1  }
0x179: {  	[tilespmem:s23+$0x60] =	vst v0;
	v0 =	vld [tilespmem:s23+$0x70]  }
0x17a: {  	v1 =	vld [tilespmem:s22+$0x70];
	_ =	sdelay $0x4  }
0x17b: {  	v0 =	vand.u32 v0, v1  }
0x17c: {  	[tilespmem:s23+$0x70] =	vst v0;
	v0 =	vld [tilespmem:s23+$0x80]  }
0x17d: {  	v1 =	vld [tilespmem:s22+$0x80];
	_ =	sdelay $0x4  }
0x17e: {  	v0 =	vand.u32 v0, v1  }
0x17f: {  	[tilespmem:s23+$0x80] =	vst v0;
	v0 =	vld [tilespmem:s23+$0x90]  }
0x180: {  	v1 =	vld [tilespmem:s22+$0x90];
	_ =	sdelay $0x4  }
0x181: {  	v0 =	vand.u32 v0, v1  }
0x182: {  	s26 =	sshra.s32 s25, $0x2;
	[tilespmem:s23+$0x90] =	vst v0  }
0x183: {  	v0 =	vld [tilespmem:s26+$0xC0F0]  }
.Ltmp1:
0x184: {  	v1 =	vld [tilespmem:s26+$0xC0E0];
	(pc) =	sbr.rel @p0 .LBB2_4-.Ltmp1, $4  }
0x185: {  	v4 =	vld [tilespmem:s26+$0xA090]  }
0x186: {  	v5 =	vld [tilespmem:s26+$0xC090]  }
0x187: {  	v2 =	vld [tilespmem:s26+$0xA0A0]  }
0x188: {  	v3 =	vld [tilespmem:s26+$0xA0B0]  }
0x189: {  	v6 =	vld [tilespmem:s26+$0xC0B0]  }
0x18a: {  	v7 =	vld [tilespmem:s26+$0xC0A0]  }
0x18b: {  	v57 =	vld [tilespmem:s26+$0xA0C0]  }
0x18c: {  	v8 =	vld [tilespmem:s26+$0xC0C0]  }
0x18d: {  	v58 =	vld [tilespmem:s26+$0xA0D0]  }
0x18e: {  	v9 =	vld [tilespmem:s26+$0xC0D0]  }
0x18f: {  	v59 =	vld [tilespmem:s26+$0xA0E0]  }
0x190: {  	v60 =	vld [tilespmem:s26+$0xC080];
	v4 =	vmul.f32 v5, v4  }
0x191: {  	v61 =	vld [tilespmem:s26+$0xA0F0];
	v3 =	vmul.f32 v6, v3  }
0x192: {  	v62 =	vld [tilespmem:s26+$0xA080];
	[tilespmem:s26+$0xA090] =	vst v4;
	v2 =	vmul.f32 v7, v2  }
0x193: {  	v5 =	vmul.f32 v8, v57;
	[tilespmem:s26+$0xA0B0] =	vst v3  }
0x194: {  	v4 =	vmul.f32 v9, v58;
	[tilespmem:s26+$0xA0A0] =	vst v2  }
0x195: {  	v1 =	vmul.f32 v1, v59;
	[tilespmem:s26+$0xA0C0] =	vst v5  }
0x196: {  	v0 =	vmul.f32 v0, v61;
	[tilespmem:s26+$0xA0D0] =	vst v4  }
0x197: {  	v63 =	vmul.f32 v60, v62;
	[tilespmem:s26+$0xA0E0] =	vst v1  }
0x198: {  	[tilespmem:s26+$0xA0F0] =	vst v0  }
0x199: {  	[tilespmem:s26+$0xA080] =	vst v63  }
0x19a: {  	[hbm4b:s11+s2] =	stream.linear.scatter [tilespmem:s16], [sflag:$0x2], $0x5000, $0x38;
	[tilespmem:$0xE080] =	vst v63  }
0x19b: {  	s21 =	sadd.s32 $0x1, s21;
	_ =	swait.ge [sflag:s14], $0x5000  }
0x19c: {  	p0 =	sne.s32 s21, s13;
	[sflag:s14] =	ssyncset.done $0x0  }
.Ltmp2:
0x19d: {  	[sflag:s14] =	ssyncadd.s32 $0xFFFFB000;
	(pc) =	sbr.rel @p0 .LBB2_1-.Ltmp2, $4  }
0x19e: {  	[hbm4b:s12+s2] =	stream.linear.scatter [tilespmem:s19], [sflag:$0x2], $0x2000, $0x38;
	[tilespmem:$0xE080] =	vst v63  }
0x19f: {  	_ =	swait.ge [sflag:s14], $0x2000  }
0x1a0: {  	[sflag:s14] =	ssyncset.done $0x0  }
0x1a1: {  	[sflag:s14] =	ssyncadd.s32 $0xFFFFE000  }
0x1a2: {  	_ =	sfence.sel $0x180000  }
0x1a3: {  	[bflag:$0x0] =	sbarrier.arrive $0xFFFF  }
0x1a4: {  	p0 =	sne.s32 s3, $0x0;
	_ =	strace $0x9000004A  }
0x1a5: {  	s0 =	sadd.s32 @!p0 $0x100000, s0;
	[bflag:$0x2] =	sbarrier.arrive $0xFFFF  }
0x1a6: {  	[sflag:s0] =	ssyncadd.tile.s32 @!p0 $0x1;
	_ =	shalt  }
.Lfunc_end2:
_tile_overlayer_lowered:
.L_overlay_start_2:
0x1a7: {  	(tag) =	ssettag $0x2  }
0x1a8: {  	s0 =	rddreg [dreg:$0x0];
	s2 =	stileid.u32  }
0x1a9: {  	s1 =	rddreg [dreg:$0x1];
	p0 =	sne.s32 s2, $0x0  }
0x1aa: {  	s3 =	rddreg [dreg:$0x2];
	[bflag:$0x3] =	sbarrier.arrive $0xFFFF;
	s2 =	simm.s32 @!p0 $0x1C02  }
0x1ab: {  	[timem:s3], [sflag:s2] =	dma.local @!p0 [hbm:s0], s1  }
0x1ac: {  	s0 =	simm.s32 @!p0 $0x2  }
0x1ad: {  	_ =	swait.ge @!p0 [sflag:s0], s1  }
0x1ae: {  	s1 =	ssub.s32 @!p0 $0x0, s1;
	[sflag:s0] =	ssyncset.done @!p0 $0x0  }
0x1af: {  	[sflag:s0] =	ssyncadd.s32 @!p0 s1  }
0x1b0: {  	[bflag:$0x3] =	sbarrier.arrive $0xFFFF  }
0x1b1: {  	_ =	shalt  }

</sc_bundles>
